<compile_context>
chip_gen: v7x
topology: tpu7x:2x2x1
jax: 0.10.2.dev20260603
libtpu: 0.0.44.dev20260713+nightly
codegen_flags: <defaults>
</compile_context>

<pallas_src>
import functools

import jax
import jax.numpy as jnp
from jax import lax
from jax.experimental import pallas as pl
from jax.experimental.pallas import tpu as pltpu
from jax.experimental.pallas import tpu_sc as plsc

N_NODES = 10000
N_EDGES = 320000
EDGE_DIM = 16
NODE_DIM = 128

NC = 2
NS = 16
NPAD = 10240
CHUNK = 16000


def _sc_scatter_body(n_edges, ef_t_hbm, ei_hbm, zeros_hbm, part_hbm,
                     acc_v, val_v, idx_v, sems):
    c = lax.axis_index("c")
    s = lax.axis_index("s")
    e_half = n_edges // NC
    nchunk = e_half // CHUNK
    base = c * e_half
    pltpu.sync_copy(zeros_hbm, acc_v)

    def start(k, slot):
        off = base + k * CHUNK
        cp_i = pltpu.make_async_copy(ei_hbm.at[1, pl.ds(off, CHUNK)],
                                     idx_v.at[slot], sems.at[slot, 0])
        cp_i.start()
        cp_v = pltpu.make_async_copy(ef_t_hbm.at[s, pl.ds(off, CHUNK)],
                                     val_v.at[slot], sems.at[slot, 1])
        cp_v.start()

    def wait(k, slot):
        off = base + k * CHUNK
        pltpu.make_async_copy(ei_hbm.at[1, pl.ds(off, CHUNK)],
                              idx_v.at[slot], sems.at[slot, 0]).wait()
        pltpu.make_async_copy(ef_t_hbm.at[s, pl.ds(off, CHUNK)],
                              val_v.at[slot], sems.at[slot, 1]).wait()

    start(0, 0)
    for k in range(nchunk):
        slot = k % 2
        if k + 1 < nchunk:
            start(k + 1, (k + 1) % 2)
        wait(k, slot)

        @plsc.parallel_loop(0, CHUNK, step=16, unroll=16)
        def _(e):
            idx16 = idx_v[slot, pl.ds(e, 16)]
            v16 = val_v[slot, pl.ds(e, 16)]
            plsc.addupdate_scatter(acc_v, [idx16], v16)

    pltpu.sync_copy(acc_v, part_hbm.at[c, s])


def _sc_scatter(ef_t, edge_index, zeros):
    n_edges = ef_t.shape[1]
    mesh = plsc.VectorSubcoreMesh(core_axis_name="c", subcore_axis_name="s")
    return pl.kernel(
        functools.partial(_sc_scatter_body, n_edges),
        out_type=jax.ShapeDtypeStruct((NC, NS, NPAD), jnp.float32),
        mesh=mesh,
        scratch_types=[
            pltpu.VMEM((NPAD,), jnp.float32),
            pltpu.VMEM((2, CHUNK), jnp.float32),
            pltpu.VMEM((2, CHUNK), jnp.int32),
            pltpu.SemaphoreType.DMA((2, 2)),
        ],
        compiler_params=pltpu.CompilerParams(use_tc_tiling_on_sc=False,
                                             needs_layout_passes=False),
    )(ef_t, edge_index, zeros)


BLK = 2560


def _tc_mlp_body(nf_ref, p0_ref, p1_ref, w1a_ref, w1b_ref, b1_ref,
                 w2_ref, b2_ref, w3_ref, b3_ref, g_ref, be_ref, out_ref):
    agg_t = p0_ref[...] + p1_ref[...]
    x = jnp.dot(nf_ref[...], w1a_ref[...], preferred_element_type=jnp.float32)
    x = x + lax.dot_general(agg_t, w1b_ref[...], (((0,), (0,)), ((), ())),
                            preferred_element_type=jnp.float32)
    h = jnp.maximum(x + b1_ref[...], 0.0)
    h = jnp.dot(h, w2_ref[...], preferred_element_type=jnp.float32)
    h = jnp.maximum(h + b2_ref[...], 0.0)
    h = jnp.dot(h, w3_ref[...], preferred_element_type=jnp.float32)
    h = h + b3_ref[...]
    mean = jnp.mean(h, axis=-1, keepdims=True)
    var = jnp.mean((h - mean) ** 2, axis=-1, keepdims=True)
    out_ref[...] = ((h - mean) * lax.rsqrt(var + 1e-5)) * g_ref[...] + be_ref[...]


def _tc_mlp(nf, p0, p1, w1a, w1b, b1, w2, b2, w3, b3, gamma, beta):
    n = nf.shape[0]
    grid = (n + BLK - 1) // BLK
    full = lambda a: pl.BlockSpec(a.shape, lambda i: (0,) * a.ndim)
    pblk = pl.BlockSpec((EDGE_DIM, BLK), lambda i: (0, i))
    return pl.pallas_call(
        _tc_mlp_body,
        grid=(grid,),
        in_specs=[
            pl.BlockSpec((BLK, NODE_DIM), lambda i: (i, 0)),
            pblk, pblk,
            full(w1a), full(w1b), full(b1), full(w2), full(b2),
            full(w3), full(b3), full(gamma), full(beta),
        ],
        out_specs=pl.BlockSpec((BLK, NODE_DIM), lambda i: (i, 0)),
        out_shape=jax.ShapeDtypeStruct((n, NODE_DIM), jnp.float32),
    )(nf, p0, p1, w1a, w1b, b1, w2, b2, w3, b3, gamma, beta)


def kernel(node_feat, edge_feat, edge_index, n_nodes,
           W1, b1, W2, b2, W3, b3, gamma, beta):
    ef_t = edge_feat.T
    zeros = jnp.zeros((NPAD,), jnp.float32)
    parts = _sc_scatter(ef_t, edge_index, zeros)
    nz = jnp.asarray(n_nodes, jnp.float32) * 0
    beta = beta + nz
    w1a = W1[:NODE_DIM]
    w1b = W1[NODE_DIM:]
    return _tc_mlp(node_feat, parts[0], parts[1], w1a, w1b,
                   b1.reshape(1, -1), W2, b2.reshape(1, -1),
                   W3, b3.reshape(1, -1), gamma.reshape(1, -1),
                   beta.reshape(1, -1))

# --- scband reference (transcript-rebuilt; emitter-appended) ---
"""Pipeline reference for scband-node-block-11527692222556 (READ-ONLY COPY).

The authoritative reference and input builder live on the scoring server;
editing this copy changes nothing except your own understanding.
"""

import jax, jax.numpy as jnp
import numpy as np

N_NODES = 10000
N_EDGES = 320000
NODE_DIM = 128
EDGE_DIM = 16
HIDDEN_DIM = 128
OUT_DIM = 128


def setup_inputs(seed: int = 0) -> dict:
    key = jax.random.key(seed)
    ks = jax.random.split(key, 12)
    node_feat = jax.random.normal(ks[0], (N_NODES, NODE_DIM), dtype=jnp.float32)
    edge_feat = jax.random.normal(ks[1], (N_EDGES, EDGE_DIM), dtype=jnp.float32)
    edge_index = jax.random.randint(ks[2], (2, N_EDGES), 0, N_NODES, dtype=jnp.int32)
    in_dim = NODE_DIM + EDGE_DIM
    W1 = jax.random.normal(ks[3], (in_dim, HIDDEN_DIM), dtype=jnp.float32) / np.sqrt(in_dim)
    b1 = jnp.zeros((HIDDEN_DIM,), dtype=jnp.float32)
    W2 = jax.random.normal(ks[4], (HIDDEN_DIM, HIDDEN_DIM), dtype=jnp.float32) / np.sqrt(HIDDEN_DIM)
    b2 = jnp.zeros((HIDDEN_DIM,), dtype=jnp.float32)
    W3 = jax.random.normal(ks[5], (HIDDEN_DIM, OUT_DIM), dtype=jnp.float32) / np.sqrt(HIDDEN_DIM)
    b3 = jnp.zeros((OUT_DIM,), dtype=jnp.float32)
    gamma = jnp.ones((OUT_DIM,), dtype=jnp.float32)
    beta = jnp.zeros((OUT_DIM,), dtype=jnp.float32)
    return {
        "node_feat": node_feat,
        "edge_feat": edge_feat,
        "edge_index": edge_index,
        "n_nodes": N_NODES,
        "W1": W1, "b1": b1,
        "W2": W2, "b2": b2,
        "W3": W3, "b3": b3,
        "gamma": gamma, "beta": beta,
    }


def reference(node_feat, edge_feat, edge_index, n_nodes, W1, b1, W2, b2, W3, b3, gamma, beta):
    # Node update: aggregate incoming edge features via scatter-add on dst, concat with node features, MLP + LayerNorm.
    dst = edge_index[1]
    n_nodes_static = node_feat.shape[0]
    n_nodes_zero = jnp.asarray(n_nodes, dtype=node_feat.dtype) * 0
    agg = jnp.zeros((n_nodes_static, edge_feat.shape[-1]), dtype=node_feat.dtype) + n_nodes_zero
    agg = agg.at[dst].add(edge_feat)
    inp = jnp.concatenate([node_feat, agg], axis=-1)
    h = jax.nn.relu(inp @ W1 + b1)
    h = jax.nn.relu(h @ W2 + b2)
    h = h @ W3 + b3
    # LayerNorm (eps=1e-5, elementwise affine)
    mean = jnp.mean(h, axis=-1, keepdims=True)
    var = jnp.var(h, axis=-1, keepdims=True)
    out = (h - mean) / jnp.sqrt(var + 1e-5) * gamma + beta
    return out

if __name__ == "__main__":
    import jax
    _d = setup_inputs()
    print(jax.jit(kernel)(*tuple(_d.values())))

</pallas_src>

<mosaic_0001>
#map = affine_map<(d0, d1) -> (0, 0)>
#map1 = affine_map<(d0, d1) -> (0)>
#map2 = affine_map<(d0, d1) -> (0, 0, 0)>
module attributes {stable_mosaic.version = 14 : i64} {
  func.func @_sc_scatter_body(%arg0: i32, %arg1: i32, %arg2: memref<16x320000xf32, #tpu.memory_space<hbm>>, %arg3: memref<2x320000xi32, #tpu.memory_space<hbm>>, %arg4: memref<10240xf32, #tpu.memory_space<hbm>>, %arg5: memref<2x16x10240xf32, #tpu.memory_space<hbm>>, %arg6: memref<10240xf32, #tpu.memory_space<vmem>>, %arg7: memref<2x16000xf32, #tpu.memory_space<vmem>>, %arg8: memref<2x16000xi32, #tpu.memory_space<vmem>>, %arg9: memref<2x2x!tpu.dma_semaphore, #tpu.memory_space<semaphore_mem>>) attributes {dimension_semantics = [#tpu.dimension_semantics<core_parallel>, #tpu.dimension_semantics<subcore_parallel>], iteration_bounds = array<i64: 2, 16>, scalar_prefetch = 0 : i64, scratch_operands = 4 : i64, tpu.core_type = #tpu.core_type<sc_vector_subcore>, window_params = [{transform_indices = #map}, {transform_indices = #map}, {transform_indices = #map1}, {transform_indices = #map2}]} {
    %mul3A = arith.constant 160000 : i32
    %mul3A_0 = arith.muli %arg0, %mul3A : i32
    "tpu.region"() ({
      %run_scoped3A = tpu.sem_alloc : memref<!tpu.dma_semaphore, #tpu.memory_space<semaphore_mem>>
      tpu.enqueue_dma source(%arg4 : memref<10240xf32, #tpu.memory_space<hbm>>) target(%arg6 : memref<10240xf32, #tpu.memory_space<vmem>>) target_semaphore(%run_scoped3A : memref<!tpu.dma_semaphore, #tpu.memory_space<semaphore_mem>>)
      tpu.wait_dma2 semaphore(%run_scoped3A : memref<!tpu.dma_semaphore, #tpu.memory_space<semaphore_mem>>) src(%arg4 : memref<10240xf32, #tpu.memory_space<hbm>>) dst(%arg6 : memref<10240xf32, #tpu.memory_space<vmem>>)
      tpu.yield
    }) : () -> ()
    %add3A = arith.constant 0 : i32
    %add3A_1 = arith.addi %mul3A_0, %add3A : i32
    %dma_start3A = arith.constant 1 : i32
    %dma_start3A_2 = arith.constant 0 : i32
    %dma_start3A_3 = arith.constant 0 : i32
    %dma_start3A_4 = arith.constant 0 : i32
    %dma_start3A_5 = arith.constant 0 : i32
    %dma_start3A_6 = tpu.memref_slice %arg8[%dma_start3A_2, %dma_start3A_5] : memref<2x16000xi32, #tpu.memory_space<vmem>> -> memref<1x16000xi32, #tpu.memory_space<vmem>>
    %dma_start3A_7 = tpu.memref_squeeze %dma_start3A_6 : memref<1x16000xi32, #tpu.memory_space<vmem>> -> memref<16000xi32, #tpu.memory_space<vmem>>
    %dma_start3A_8 = tpu.memref_slice %arg3[%dma_start3A, %add3A_1] : memref<2x320000xi32, #tpu.memory_space<hbm>> -> memref<1x16000xi32, #tpu.memory_space<hbm>>
    %dma_start3A_9 = tpu.memref_squeeze %dma_start3A_8 : memref<1x16000xi32, #tpu.memory_space<hbm>> -> memref<16000xi32, #tpu.memory_space<hbm>>
    %dma_start3A_10 = tpu.memref_slice %arg9[%dma_start3A_3, %dma_start3A_4] : memref<2x2x!tpu.dma_semaphore, #tpu.memory_space<semaphore_mem>> -> memref<1x1x!tpu.dma_semaphore, #tpu.memory_space<semaphore_mem>>
    %dma_start3A_11 = tpu.memref_squeeze %dma_start3A_10 : memref<1x1x!tpu.dma_semaphore, #tpu.memory_space<semaphore_mem>> -> memref<!tpu.dma_semaphore, #tpu.memory_space<semaphore_mem>>
    %dma_start3A_12 = arith.constant 0 : i32
    %dma_start3A_13 = tpu.memref_slice %arg8[%dma_start3A_2, %dma_start3A_12] : memref<2x16000xi32, #tpu.memory_space<vmem>> -> memref<1x16000xi32, #tpu.memory_space<vmem>>
    %dma_start3A_14 = tpu.memref_squeeze %dma_start3A_13 : memref<1x16000xi32, #tpu.memory_space<vmem>> -> memref<16000xi32, #tpu.memory_space<vmem>>
    %dma_start3A_15 = tpu.memref_slice %arg3[%dma_start3A, %add3A_1] : memref<2x320000xi32, #tpu.memory_space<hbm>> -> memref<1x16000xi32, #tpu.memory_space<hbm>>
    %dma_start3A_16 = tpu.memref_squeeze %dma_start3A_15 : memref<1x16000xi32, #tpu.memory_space<hbm>> -> memref<16000xi32, #tpu.memory_space<hbm>>
    tpu.enqueue_dma source(%dma_start3A_16 : memref<16000xi32, #tpu.memory_space<hbm>>) target(%dma_start3A_14 : memref<16000xi32, #tpu.memory_space<vmem>>) target_semaphore(%dma_start3A_11 : memref<!tpu.dma_semaphore, #tpu.memory_space<semaphore_mem>>)
    %dma_start3A_17 = arith.constant 0 : i32
    %dma_start3A_18 = arith.constant 0 : i32
    %dma_start3A_19 = arith.constant 1 : i32
    %dma_start3A_20 = arith.constant 0 : i32
    %dma_start3A_21 = tpu.memref_slice %arg7[%dma_start3A_17, %dma_start3A_20] : memref<2x16000xf32, #tpu.memory_space<vmem>> -> memref<1x16000xf32, #tpu.memory_space<vmem>>
    %dma_start3A_22 = tpu.memref_squeeze %dma_start3A_21 : memref<1x16000xf32, #tpu.memory_space<vmem>> -> memref<16000xf32, #tpu.memory_space<vmem>>
    %dma_start3A_23 = tpu.memref_slice %arg2[%arg1, %add3A_1] : memref<16x320000xf32, #tpu.memory_space<hbm>> -> memref<1x16000xf32, #tpu.memory_space<hbm>>
    %dma_start3A_24 = tpu.memref_squeeze %dma_start3A_23 : memref<1x16000xf32, #tpu.memory_space<hbm>> -> memref<16000xf32, #tpu.memory_space<hbm>>
    %dma_start3A_25 = tpu.memref_slice %arg9[%dma_start3A_18, %dma_start3A_19] : memref<2x2x!tpu.dma_semaphore, #tpu.memory_space<semaphore_mem>> -> memref<1x1x!tpu.dma_semaphore, #tpu.memory_space<semaphore_mem>>
    %dma_start3A_26 = tpu.memref_squeeze %dma_start3A_25 : memref<1x1x!tpu.dma_semaphore, #tpu.memory_space<semaphore_mem>> -> memref<!tpu.dma_semaphore, #tpu.memory_space<semaphore_mem>>
    %dma_start3A_27 = arith.constant 0 : i32
    %dma_start3A_28 = tpu.memref_slice %arg7[%dma_start3A_17, %dma_start3A_27] : memref<2x16000xf32, #tpu.memory_space<vmem>> -> memref<1x16000xf32, #tpu.memory_space<vmem>>
    %dma_start3A_29 = tpu.memref_squeeze %dma_start3A_28 : memref<1x16000xf32, #tpu.memory_space<vmem>> -> memref<16000xf32, #tpu.memory_space<vmem>>
    %dma_start3A_30 = tpu.memref_slice %arg2[%arg1, %add3A_1] : memref<16x320000xf32, #tpu.memory_space<hbm>> -> memref<1x16000xf32, #tpu.memory_space<hbm>>
    %dma_start3A_31 = tpu.memref_squeeze %dma_start3A_30 : memref<1x16000xf32, #tpu.memory_space<hbm>> -> memref<16000xf32, #tpu.memory_space<hbm>>
    tpu.enqueue_dma source(%dma_start3A_31 : memref<16000xf32, #tpu.memory_space<hbm>>) target(%dma_start3A_29 : memref<16000xf32, #tpu.memory_space<vmem>>) target_semaphore(%dma_start3A_26 : memref<!tpu.dma_semaphore, #tpu.memory_space<semaphore_mem>>)
    %add3A_32 = arith.constant 16000 : i32
    %add3A_33 = arith.addi %mul3A_0, %add3A_32 : i32
    %dma_start3A_34 = arith.constant 1 : i32
    %dma_start3A_35 = arith.constant 1 : i32
    %dma_start3A_36 = arith.constant 1 : i32
    %dma_start3A_37 = arith.constant 0 : i32
    %dma_start3A_38 = arith.constant 0 : i32
    %dma_start3A_39 = tpu.memref_slice %arg8[%dma_start3A_35, %dma_start3A_38] : memref<2x16000xi32, #tpu.memory_space<vmem>> -> memref<1x16000xi32, #tpu.memory_space<vmem>>
    %dma_start3A_40 = tpu.memref_squeeze %dma_start3A_39 : memref<1x16000xi32, #tpu.memory_space<vmem>> -> memref<16000xi32, #tpu.memory_space<vmem>>
    %dma_start3A_41 = tpu.memref_slice %arg3[%dma_start3A_34, %add3A_33] : memref<2x320000xi32, #tpu.memory_space<hbm>> -> memref<1x16000xi32, #tpu.memory_space<hbm>>
    %dma_start3A_42 = tpu.memref_squeeze %dma_start3A_41 : memref<1x16000xi32, #tpu.memory_space<hbm>> -> memref<16000xi32, #tpu.memory_space<hbm>>
    %dma_start3A_43 = tpu.memref_slice %arg9[%dma_start3A_36, %dma_start3A_37] : memref<2x2x!tpu.dma_semaphore, #tpu.memory_space<semaphore_mem>> -> memref<1x1x!tpu.dma_semaphore, #tpu.memory_space<semaphore_mem>>
    %dma_start3A_44 = tpu.memref_squeeze %dma_start3A_43 : memref<1x1x!tpu.dma_semaphore, #tpu.memory_space<semaphore_mem>> -> memref<!tpu.dma_semaphore, #tpu.memory_space<semaphore_mem>>
    %dma_start3A_45 = arith.constant 0 : i32
    %dma_start3A_46 = tpu.memref_slice %arg8[%dma_start3A_35, %dma_start3A_45] : memref<2x16000xi32, #tpu.memory_space<vmem>> -> memref<1x16000xi32, #tpu.memory_space<vmem>>
    %dma_start3A_47 = tpu.memref_squeeze %dma_start3A_46 : memref<1x16000xi32, #tpu.memory_space<vmem>> -> memref<16000xi32, #tpu.memory_space<vmem>>
    %dma_start3A_48 = tpu.memref_slice %arg3[%dma_start3A_34, %add3A_33] : memref<2x320000xi32, #tpu.memory_space<hbm>> -> memref<1x16000xi32, #tpu.memory_space<hbm>>
    %dma_start3A_49 = tpu.memref_squeeze %dma_start3A_48 : memref<1x16000xi32, #tpu.memory_space<hbm>> -> memref<16000xi32, #tpu.memory_space<hbm>>
    tpu.enqueue_dma source(%dma_start3A_49 : memref<16000xi32, #tpu.memory_space<hbm>>) target(%dma_start3A_47 : memref<16000xi32, #tpu.memory_space<vmem>>) target_semaphore(%dma_start3A_44 : memref<!tpu.dma_semaphore, #tpu.memory_space<semaphore_mem>>)
    %dma_start3A_50 = arith.constant 1 : i32
    %dma_start3A_51 = arith.constant 1 : i32
    %dma_start3A_52 = arith.constant 1 : i32
    %dma_start3A_53 = arith.constant 0 : i32
    %dma_start3A_54 = tpu.memref_slice %arg7[%dma_start3A_50, %dma_start3A_53] : memref<2x16000xf32, #tpu.memory_space<vmem>> -> memref<1x16000xf32, #tpu.memory_space<vmem>>
    %dma_start3A_55 = tpu.memref_squeeze %dma_start3A_54 : memref<1x16000xf32, #tpu.memory_space<vmem>> -> memref<16000xf32, #tpu.memory_space<vmem>>
    %dma_start3A_56 = tpu.memref_slice %arg2[%arg1, %add3A_33] : memref<16x320000xf32, #tpu.memory_space<hbm>> -> memref<1x16000xf32, #tpu.memory_space<hbm>>
    %dma_start3A_57 = tpu.memref_squeeze %dma_start3A_56 : memref<1x16000xf32, #tpu.memory_space<hbm>> -> memref<16000xf32, #tpu.memory_space<hbm>>
    %dma_start3A_58 = tpu.memref_slice %arg9[%dma_start3A_51, %dma_start3A_52] : memref<2x2x!tpu.dma_semaphore, #tpu.memory_space<semaphore_mem>> -> memref<1x1x!tpu.dma_semaphore, #tpu.memory_space<semaphore_mem>>
    %dma_start3A_59 = tpu.memref_squeeze %dma_start3A_58 : memref<1x1x!tpu.dma_semaphore, #tpu.memory_space<semaphore_mem>> -> memref<!tpu.dma_semaphore, #tpu.memory_space<semaphore_mem>>
    %dma_start3A_60 = arith.constant 0 : i32
    %dma_start3A_61 = tpu.memref_slice %arg7[%dma_start3A_50, %dma_start3A_60] : memref<2x16000xf32, #tpu.memory_space<vmem>> -> memref<1x16000xf32, #tpu.memory_space<vmem>>
    %dma_start3A_62 = tpu.memref_squeeze %dma_start3A_61 : memref<1x16000xf32, #tpu.memory_space<vmem>> -> memref<16000xf32, #tpu.memory_space<vmem>>
    %dma_start3A_63 = tpu.memref_slice %arg2[%arg1, %add3A_33] : memref<16x320000xf32, #tpu.memory_space<hbm>> -> memref<1x16000xf32, #tpu.memory_space<hbm>>
    %dma_start3A_64 = tpu.memref_squeeze %dma_start3A_63 : memref<1x16000xf32, #tpu.memory_space<hbm>> -> memref<16000xf32, #tpu.memory_space<hbm>>
    tpu.enqueue_dma source(%dma_start3A_64 : memref<16000xf32, #tpu.memory_space<hbm>>) target(%dma_start3A_62 : memref<16000xf32, #tpu.memory_space<vmem>>) target_semaphore(%dma_start3A_59 : memref<!tpu.dma_semaphore, #tpu.memory_space<semaphore_mem>>)
    %add3A_65 = arith.constant 0 : i32
    %add3A_66 = arith.addi %mul3A_0, %add3A_65 : i32
    %dma_wait3A = arith.constant 1 : i32
    %dma_wait3A_67 = arith.constant 0 : i32
    %dma_wait3A_68 = arith.constant 0 : i32
    %dma_wait3A_69 = arith.constant 0 : i32
    %dma_wait3A_70 = arith.constant 0 : i32
    %dma_wait3A_71 = tpu.memref_slice %arg8[%dma_wait3A_67, %dma_wait3A_70] : memref<2x16000xi32, #tpu.memory_space<vmem>> -> memref<1x16000xi32, #tpu.memory_space<vmem>>
    %dma_wait3A_72 = tpu.memref_squeeze %dma_wait3A_71 : memref<1x16000xi32, #tpu.memory_space<vmem>> -> memref<16000xi32, #tpu.memory_space<vmem>>
    %dma_wait3A_73 = tpu.memref_slice %arg3[%dma_wait3A, %add3A_66] : memref<2x320000xi32, #tpu.memory_space<hbm>> -> memref<1x16000xi32, #tpu.memory_space<hbm>>
    %dma_wait3A_74 = tpu.memref_squeeze %dma_wait3A_73 : memref<1x16000xi32, #tpu.memory_space<hbm>> -> memref<16000xi32, #tpu.memory_space<hbm>>
    %dma_wait3A_75 = tpu.memref_slice %arg9[%dma_wait3A_68, %dma_wait3A_69] : memref<2x2x!tpu.dma_semaphore, #tpu.memory_space<semaphore_mem>> -> memref<1x1x!tpu.dma_semaphore, #tpu.memory_space<semaphore_mem>>
    %dma_wait3A_76 = tpu.memref_squeeze %dma_wait3A_75 : memref<1x1x!tpu.dma_semaphore, #tpu.memory_space<semaphore_mem>> -> memref<!tpu.dma_semaphore, #tpu.memory_space<semaphore_mem>>
    %dma_wait3A_77 = arith.constant 0 : i32
    %dma_wait3A_78 = tpu.memref_slice %arg8[%dma_wait3A_67, %dma_wait3A_77] : memref<2x16000xi32, #tpu.memory_space<vmem>> -> memref<1x16000xi32, #tpu.memory_space<vmem>>
    %dma_wait3A_79 = tpu.memref_squeeze %dma_wait3A_78 : memref<1x16000xi32, #tpu.memory_space<vmem>> -> memref<16000xi32, #tpu.memory_space<vmem>>
    %dma_wait3A_80 = tpu.memref_slice %arg3[%dma_wait3A, %add3A_66] : memref<2x320000xi32, #tpu.memory_space<hbm>> -> memref<1x16000xi32, #tpu.memory_space<hbm>>
    %dma_wait3A_81 = tpu.memref_squeeze %dma_wait3A_80 : memref<1x16000xi32, #tpu.memory_space<hbm>> -> memref<16000xi32, #tpu.memory_space<hbm>>
    tpu.wait_dma2 semaphore(%dma_wait3A_76 : memref<!tpu.dma_semaphore, #tpu.memory_space<semaphore_mem>>) src(%dma_wait3A_81 : memref<16000xi32, #tpu.memory_space<hbm>>) dst(%dma_wait3A_79 : memref<16000xi32, #tpu.memory_space<vmem>>)
    %dma_wait3A_82 = arith.constant 0 : i32
    %dma_wait3A_83 = arith.constant 0 : i32
    %dma_wait3A_84 = arith.constant 1 : i32
    %dma_wait3A_85 = arith.constant 0 : i32
    %dma_wait3A_86 = tpu.memref_slice %arg7[%dma_wait3A_82, %dma_wait3A_85] : memref<2x16000xf32, #tpu.memory_space<vmem>> -> memref<1x16000xf32, #tpu.memory_space<vmem>>
    %dma_wait3A_87 = tpu.memref_squeeze %dma_wait3A_86 : memref<1x16000xf32, #tpu.memory_space<vmem>> -> memref<16000xf32, #tpu.memory_space<vmem>>
    %dma_wait3A_88 = tpu.memref_slice %arg2[%arg1, %add3A_66] : memref<16x320000xf32, #tpu.memory_space<hbm>> -> memref<1x16000xf32, #tpu.memory_space<hbm>>
    %dma_wait3A_89 = tpu.memref_squeeze %dma_wait3A_88 : memref<1x16000xf32, #tpu.memory_space<hbm>> -> memref<16000xf32, #tpu.memory_space<hbm>>
    %dma_wait3A_90 = tpu.memref_slice %arg9[%dma_wait3A_83, %dma_wait3A_84] : memref<2x2x!tpu.dma_semaphore, #tpu.memory_space<semaphore_mem>> -> memref<1x1x!tpu.dma_semaphore, #tpu.memory_space<semaphore_mem>>
    %dma_wait3A_91 = tpu.memref_squeeze %dma_wait3A_90 : memref<1x1x!tpu.dma_semaphore, #tpu.memory_space<semaphore_mem>> -> memref<!tpu.dma_semaphore, #tpu.memory_space<semaphore_mem>>
    %dma_wait3A_92 = arith.constant 0 : i32
    %dma_wait3A_93 = tpu.memref_slice %arg7[%dma_wait3A_82, %dma_wait3A_92] : memref<2x16000xf32, #tpu.memory_space<vmem>> -> memref<1x16000xf32, #tpu.memory_space<vmem>>
    %dma_wait3A_94 = tpu.memref_squeeze %dma_wait3A_93 : memref<1x16000xf32, #tpu.memory_space<vmem>> -> memref<16000xf32, #tpu.memory_space<vmem>>
    %dma_wait3A_95 = tpu.memref_slice %arg2[%arg1, %add3A_66] : memref<16x320000xf32, #tpu.memory_space<hbm>> -> memref<1x16000xf32, #tpu.memory_space<hbm>>
    %dma_wait3A_96 = tpu.memref_squeeze %dma_wait3A_95 : memref<1x16000xf32, #tpu.memory_space<hbm>> -> memref<16000xf32, #tpu.memory_space<hbm>>
    tpu.wait_dma2 semaphore(%dma_wait3A_91 : memref<!tpu.dma_semaphore, #tpu.memory_space<semaphore_mem>>) src(%dma_wait3A_96 : memref<16000xf32, #tpu.memory_space<hbm>>) dst(%dma_wait3A_94 : memref<16000xf32, #tpu.memory_space<vmem>>)
    %parallel_loop3A = arith.constant 0 : i32
    %parallel_loop3A_97 = arith.constant 16000 : i32
    %parallel_loop3A_98 = arith.constant 16 : i32
    scf.for %parallel_loop3A_687 = %parallel_loop3A to %parallel_loop3A_97 step %parallel_loop3A_98  : i32 {
      %parallel_loop3A_688 = arith.constant 0 : i32
      %parallel_loop3A_689 = arith.index_cast %parallel_loop3A_688 : i32 to index
      %parallel_loop3A_690 = arith.index_cast %parallel_loop3A_687 : i32 to index
      %parallel_loop3A_691 = tpu.vector_load %arg8[%parallel_loop3A_689, %parallel_loop3A_690] {strides = array<i32>} : memref<2x16000xi32, #tpu.memory_space<vmem>>, vector<16xi32>,
      %parallel_loop3A_692 = arith.constant 0 : i32
      %parallel_loop3A_693 = arith.index_cast %parallel_loop3A_692 : i32 to index
      %parallel_loop3A_694 = arith.index_cast %parallel_loop3A_687 : i32 to index
      %parallel_loop3A_695 = tpu.vector_load %arg7[%parallel_loop3A_693, %parallel_loop3A_694] {strides = array<i32>} : memref<2x16000xf32, #tpu.memory_space<vmem>>, vector<16xf32>,
      tpu.vector_store_idx %arg6[%parallel_loop3A_691], %parallel_loop3A_695 {add = true} : memref<10240xf32, #tpu.memory_space<vmem>>[vector<16xi32>], vector<16xf32>,
    } {sc.loop_unroll_factor = 16 : i64, sc.parallel_access}
    %add3A_99 = arith.constant 32000 : i32
    %add3A_100 = arith.addi %mul3A_0, %add3A_99 : i32
    %dma_start3A_101 = arith.constant 1 : i32
    %dma_start3A_102 = arith.constant 0 : i32
    %dma_start3A_103 = arith.constant 0 : i32
    %dma_start3A_104 = arith.constant 0 : i32
    %dma_start3A_105 = arith.constant 0 : i32
    %dma_start3A_106 = tpu.memref_slice %arg8[%dma_start3A_102, %dma_start3A_105] : memref<2x16000xi32, #tpu.memory_space<vmem>> -> memref<1x16000xi32, #tpu.memory_space<vmem>>
    %dma_start3A_107 = tpu.memref_squeeze %dma_start3A_106 : memref<1x16000xi32, #tpu.memory_space<vmem>> -> memref<16000xi32, #tpu.memory_space<vmem>>
    %dma_start3A_108 = tpu.memref_slice %arg3[%dma_start3A_101, %add3A_100] : memref<2x320000xi32, #tpu.memory_space<hbm>> -> memref<1x16000xi32, #tpu.memory_space<hbm>>
    %dma_start3A_109 = tpu.memref_squeeze %dma_start3A_108 : memref<1x16000xi32, #tpu.memory_space<hbm>> -> memref<16000xi32, #tpu.memory_space<hbm>>
    %dma_start3A_110 = tpu.memref_slice %arg9[%dma_start3A_103, %dma_start3A_104] : memref<2x2x!tpu.dma_semaphore, #tpu.memory_space<semaphore_mem>> -> memref<1x1x!tpu.dma_semaphore, #tpu.memory_space<semaphore_mem>>
    %dma_start3A_111 = tpu.memref_squeeze %dma_start3A_110 : memref<1x1x!tpu.dma_semaphore, #tpu.memory_space<semaphore_mem>> -> memref<!tpu.dma_semaphore, #tpu.memory_space<semaphore_mem>>
    %dma_start3A_112 = arith.constant 0 : i32
    %dma_start3A_113 = tpu.memref_slice %arg8[%dma_start3A_102, %dma_start3A_112] : memref<2x16000xi32, #tpu.memory_space<vmem>> -> memref<1x16000xi32, #tpu.memory_space<vmem>>
    %dma_start3A_114 = tpu.memref_squeeze %dma_start3A_113 : memref<1x16000xi32, #tpu.memory_space<vmem>> -> memref<16000xi32, #tpu.memory_space<vmem>>
    %dma_start3A_115 = tpu.memref_slice %arg3[%dma_start3A_101, %add3A_100] : memref<2x320000xi32, #tpu.memory_space<hbm>> -> memref<1x16000xi32, #tpu.memory_space<hbm>>
    %dma_start3A_116 = tpu.memref_squeeze %dma_start3A_115 : memref<1x16000xi32, #tpu.memory_space<hbm>> -> memref<16000xi32, #tpu.memory_space<hbm>>
    tpu.enqueue_dma source(%dma_start3A_116 : memref<16000xi32, #tpu.memory_space<hbm>>) target(%dma_start3A_114 : memref<16000xi32, #tpu.memory_space<vmem>>) target_semaphore(%dma_start3A_111 : memref<!tpu.dma_semaphore, #tpu.memory_space<semaphore_mem>>)
    %dma_start3A_117 = arith.constant 0 : i32
    %dma_start3A_118 = arith.constant 0 : i32
    %dma_start3A_119 = arith.constant 1 : i32
    %dma_start3A_120 = arith.constant 0 : i32
    %dma_start3A_121 = tpu.memref_slice %arg7[%dma_start3A_117, %dma_start3A_120] : memref<2x16000xf32, #tpu.memory_space<vmem>> -> memref<1x16000xf32, #tpu.memory_space<vmem>>
    %dma_start3A_122 = tpu.memref_squeeze %dma_start3A_121 : memref<1x16000xf32, #tpu.memory_space<vmem>> -> memref<16000xf32, #tpu.memory_space<vmem>>
    %dma_start3A_123 = tpu.memref_slice %arg2[%arg1, %add3A_100] : memref<16x320000xf32, #tpu.memory_space<hbm>> -> memref<1x16000xf32, #tpu.memory_space<hbm>>
    %dma_start3A_124 = tpu.memref_squeeze %dma_start3A_123 : memref<1x16000xf32, #tpu.memory_space<hbm>> -> memref<16000xf32, #tpu.memory_space<hbm>>
    %dma_start3A_125 = tpu.memref_slice %arg9[%dma_start3A_118, %dma_start3A_119] : memref<2x2x!tpu.dma_semaphore, #tpu.memory_space<semaphore_mem>> -> memref<1x1x!tpu.dma_semaphore, #tpu.memory_space<semaphore_mem>>
    %dma_start3A_126 = tpu.memref_squeeze %dma_start3A_125 : memref<1x1x!tpu.dma_semaphore, #tpu.memory_space<semaphore_mem>> -> memref<!tpu.dma_semaphore, #tpu.memory_space<semaphore_mem>>
    %dma_start3A_127 = arith.constant 0 : i32
    %dma_start3A_128 = tpu.memref_slice %arg7[%dma_start3A_117, %dma_start3A_127] : memref<2x16000xf32, #tpu.memory_space<vmem>> -> memref<1x16000xf32, #tpu.memory_space<vmem>>
    %dma_start3A_129 = tpu.memref_squeeze %dma_start3A_128 : memref<1x16000xf32, #tpu.memory_space<vmem>> -> memref<16000xf32, #tpu.memory_space<vmem>>
    %dma_start3A_130 = tpu.memref_slice %arg2[%arg1, %add3A_100] : memref<16x320000xf32, #tpu.memory_space<hbm>> -> memref<1x16000xf32, #tpu.memory_space<hbm>>
    %dma_start3A_131 = tpu.memref_squeeze %dma_start3A_130 : memref<1x16000xf32, #tpu.memory_space<hbm>> -> memref<16000xf32, #tpu.memory_space<hbm>>
    tpu.enqueue_dma source(%dma_start3A_131 : memref<16000xf32, #tpu.memory_space<hbm>>) target(%dma_start3A_129 : memref<16000xf32, #tpu.memory_space<vmem>>) target_semaphore(%dma_start3A_126 : memref<!tpu.dma_semaphore, #tpu.memory_space<semaphore_mem>>)
    %add3A_132 = arith.constant 16000 : i32
    %add3A_133 = arith.addi %mul3A_0, %add3A_132 : i32
    %dma_wait3A_134 = arith.constant 1 : i32
    %dma_wait3A_135 = arith.constant 1 : i32
    %dma_wait3A_136 = arith.constant 1 : i32
    %dma_wait3A_137 = arith.constant 0 : i32
    %dma_wait3A_138 = arith.constant 0 : i32
    %dma_wait3A_139 = tpu.memref_slice %arg8[%dma_wait3A_135, %dma_wait3A_138] : memref<2x16000xi32, #tpu.memory_space<vmem>> -> memref<1x16000xi32, #tpu.memory_space<vmem>>
    %dma_wait3A_140 = tpu.memref_squeeze %dma_wait3A_139 : memref<1x16000xi32, #tpu.memory_space<vmem>> -> memref<16000xi32, #tpu.memory_space<vmem>>
    %dma_wait3A_141 = tpu.memref_slice %arg3[%dma_wait3A_134, %add3A_133] : memref<2x320000xi32, #tpu.memory_space<hbm>> -> memref<1x16000xi32, #tpu.memory_space<hbm>>
    %dma_wait3A_142 = tpu.memref_squeeze %dma_wait3A_141 : memref<1x16000xi32, #tpu.memory_space<hbm>> -> memref<16000xi32, #tpu.memory_space<hbm>>
    %dma_wait3A_143 = tpu.memref_slice %arg9[%dma_wait3A_136, %dma_wait3A_137] : memref<2x2x!tpu.dma_semaphore, #tpu.memory_space<semaphore_mem>> -> memref<1x1x!tpu.dma_semaphore, #tpu.memory_space<semaphore_mem>>
    %dma_wait3A_144 = tpu.memref_squeeze %dma_wait3A_143 : memref<1x1x!tpu.dma_semaphore, #tpu.memory_space<semaphore_mem>> -> memref<!tpu.dma_semaphore, #tpu.memory_space<semaphore_mem>>
    %dma_wait3A_145 = arith.constant 0 : i32
    %dma_wait3A_146 = tpu.memref_slice %arg8[%dma_wait3A_135, %dma_wait3A_145] : memref<2x16000xi32, #tpu.memory_space<vmem>> -> memref<1x16000xi32, #tpu.memory_space<vmem>>
    %dma_wait3A_147 = tpu.memref_squeeze %dma_wait3A_146 : memref<1x16000xi32, #tpu.memory_space<vmem>> -> memref<16000xi32, #tpu.memory_space<vmem>>
    %dma_wait3A_148 = tpu.memref_slice %arg3[%dma_wait3A_134, %add3A_133] : memref<2x320000xi32, #tpu.memory_space<hbm>> -> memref<1x16000xi32, #tpu.memory_space<hbm>>
    %dma_wait3A_149 = tpu.memref_squeeze %dma_wait3A_148 : memref<1x16000xi32, #tpu.memory_space<hbm>> -> memref<16000xi32, #tpu.memory_space<hbm>>
    tpu.wait_dma2 semaphore(%dma_wait3A_144 : memref<!tpu.dma_semaphore, #tpu.memory_space<semaphore_mem>>) src(%dma_wait3A_149 : memref<16000xi32, #tpu.memory_space<hbm>>) dst(%dma_wait3A_147 : memref<16000xi32, #tpu.memory_space<vmem>>)
    %dma_wait3A_150 = arith.constant 1 : i32
    %dma_wait3A_151 = arith.constant 1 : i32
    %dma_wait3A_152 = arith.constant 1 : i32
    %dma_wait3A_153 = arith.constant 0 : i32
    %dma_wait3A_154 = tpu.memref_slice %arg7[%dma_wait3A_150, %dma_wait3A_153] : memref<2x16000xf32, #tpu.memory_space<vmem>> -> memref<1x16000xf32, #tpu.memory_space<vmem>>
    %dma_wait3A_155 = tpu.memref_squeeze %dma_wait3A_154 : memref<1x16000xf32, #tpu.memory_space<vmem>> -> memref<16000xf32, #tpu.memory_space<vmem>>
    %dma_wait3A_156 = tpu.memref_slice %arg2[%arg1, %add3A_133] : memref<16x320000xf32, #tpu.memory_space<hbm>> -> memref<1x16000xf32, #tpu.memory_space<hbm>>
    %dma_wait3A_157 = tpu.memref_squeeze %dma_wait3A_156 : memref<1x16000xf32, #tpu.memory_space<hbm>> -> memref<16000xf32, #tpu.memory_space<hbm>>
    %dma_wait3A_158 = tpu.memref_slice %arg9[%dma_wait3A_151, %dma_wait3A_152] : memref<2x2x!tpu.dma_semaphore, #tpu.memory_space<semaphore_mem>> -> memref<1x1x!tpu.dma_semaphore, #tpu.memory_space<semaphore_mem>>
    %dma_wait3A_159 = tpu.memref_squeeze %dma_wait3A_158 : memref<1x1x!tpu.dma_semaphore, #tpu.memory_space<semaphore_mem>> -> memref<!tpu.dma_semaphore, #tpu.memory_space<semaphore_mem>>
    %dma_wait3A_160 = arith.constant 0 : i32
    %dma_wait3A_161 = tpu.memref_slice %arg7[%dma_wait3A_150, %dma_wait3A_160] : memref<2x16000xf32, #tpu.memory_space<vmem>> -> memref<1x16000xf32, #tpu.memory_space<vmem>>
    %dma_wait3A_162 = tpu.memref_squeeze %dma_wait3A_161 : memref<1x16000xf32, #tpu.memory_space<vmem>> -> memref<16000xf32, #tpu.memory_space<vmem>>
    %dma_wait3A_163 = tpu.memref_slice %arg2[%arg1, %add3A_133] : memref<16x320000xf32, #tpu.memory_space<hbm>> -> memref<1x16000xf32, #tpu.memory_space<hbm>>
    %dma_wait3A_164 = tpu.memref_squeeze %dma_wait3A_163 : memref<1x16000xf32, #tpu.memory_space<hbm>> -> memref<16000xf32, #tpu.memory_space<hbm>>
    tpu.wait_dma2 semaphore(%dma_wait3A_159 : memref<!tpu.dma_semaphore, #tpu.memory_space<semaphore_mem>>) src(%dma_wait3A_164 : memref<16000xf32, #tpu.memory_space<hbm>>) dst(%dma_wait3A_162 : memref<16000xf32, #tpu.memory_space<vmem>>)
    %parallel_loop3A_165 = arith.constant 0 : i32
    %parallel_loop3A_166 = arith.constant 16000 : i32
    %parallel_loop3A_167 = arith.constant 16 : i32
    scf.for %parallel_loop3A_687 = %parallel_loop3A_165 to %parallel_loop3A_166 step %parallel_loop3A_167  : i32 {
      %parallel_loop3A_688 = arith.constant 1 : i32
      %parallel_loop3A_689 = arith.index_cast %parallel_loop3A_688 : i32 to index
      %parallel_loop3A_690 = arith.index_cast %parallel_loop3A_687 : i32 to index
      %parallel_loop3A_691 = tpu.vector_load %arg8[%parallel_loop3A_689, %parallel_loop3A_690] {strides = array<i32>} : memref<2x16000xi32, #tpu.memory_space<vmem>>, vector<16xi32>,
      %parallel_loop3A_692 = arith.constant 1 : i32
      %parallel_loop3A_693 = arith.index_cast %parallel_loop3A_692 : i32 to index
      %parallel_loop3A_694 = arith.index_cast %parallel_loop3A_687 : i32 to index
      %parallel_loop3A_695 = tpu.vector_load %arg7[%parallel_loop3A_693, %parallel_loop3A_694] {strides = array<i32>} : memref<2x16000xf32, #tpu.memory_space<vmem>>, vector<16xf32>,
      tpu.vector_store_idx %arg6[%parallel_loop3A_691], %parallel_loop3A_695 {add = true} : memref<10240xf32, #tpu.memory_space<vmem>>[vector<16xi32>], vector<16xf32>,
    } {sc.loop_unroll_factor = 16 : i64, sc.parallel_access}
    %add3A_168 = arith.constant 48000 : i32
    %add3A_169 = arith.addi %mul3A_0, %add3A_168 : i32
    %dma_start3A_170 = arith.constant 1 : i32
    %dma_start3A_171 = arith.constant 1 : i32
    %dma_start3A_172 = arith.constant 1 : i32
    %dma_start3A_173 = arith.constant 0 : i32
    %dma_start3A_174 = arith.constant 0 : i32
    %dma_start3A_175 = tpu.memref_slice %arg8[%dma_start3A_171, %dma_start3A_174] : memref<2x16000xi32, #tpu.memory_space<vmem>> -> memref<1x16000xi32, #tpu.memory_space<vmem>>
    %dma_start3A_176 = tpu.memref_squeeze %dma_start3A_175 : memref<1x16000xi32, #tpu.memory_space<vmem>> -> memref<16000xi32, #tpu.memory_space<vmem>>
    %dma_start3A_177 = tpu.memref_slice %arg3[%dma_start3A_170, %add3A_169] : memref<2x320000xi32, #tpu.memory_space<hbm>> -> memref<1x16000xi32, #tpu.memory_space<hbm>>
    %dma_start3A_178 = tpu.memref_squeeze %dma_start3A_177 : memref<1x16000xi32, #tpu.memory_space<hbm>> -> memref<16000xi32, #tpu.memory_space<hbm>>
    %dma_start3A_179 = tpu.memref_slice %arg9[%dma_start3A_172, %dma_start3A_173] : memref<2x2x!tpu.dma_semaphore, #tpu.memory_space<semaphore_mem>> -> memref<1x1x!tpu.dma_semaphore, #tpu.memory_space<semaphore_mem>>
    %dma_start3A_180 = tpu.memref_squeeze %dma_start3A_179 : memref<1x1x!tpu.dma_semaphore, #tpu.memory_space<semaphore_mem>> -> memref<!tpu.dma_semaphore, #tpu.memory_space<semaphore_mem>>
    %dma_start3A_181 = arith.constant 0 : i32
    %dma_start3A_182 = tpu.memref_slice %arg8[%dma_start3A_171, %dma_start3A_181] : memref<2x16000xi32, #tpu.memory_space<vmem>> -> memref<1x16000xi32, #tpu.memory_space<vmem>>
    %dma_start3A_183 = tpu.memref_squeeze %dma_start3A_182 : memref<1x16000xi32, #tpu.memory_space<vmem>> -> memref<16000xi32, #tpu.memory_space<vmem>>
    %dma_start3A_184 = tpu.memref_slice %arg3[%dma_start3A_170, %add3A_169] : memref<2x320000xi32, #tpu.memory_space<hbm>> -> memref<1x16000xi32, #tpu.memory_space<hbm>>
    %dma_start3A_185 = tpu.memref_squeeze %dma_start3A_184 : memref<1x16000xi32, #tpu.memory_space<hbm>> -> memref<16000xi32, #tpu.memory_space<hbm>>
    tpu.enqueue_dma source(%dma_start3A_185 : memref<16000xi32, #tpu.memory_space<hbm>>) target(%dma_start3A_183 : memref<16000xi32, #tpu.memory_space<vmem>>) target_semaphore(%dma_start3A_180 : memref<!tpu.dma_semaphore, #tpu.memory_space<semaphore_mem>>)
    %dma_start3A_186 = arith.constant 1 : i32
    %dma_start3A_187 = arith.constant 1 : i32
    %dma_start3A_188 = arith.constant 1 : i32
    %dma_start3A_189 = arith.constant 0 : i32
    %dma_start3A_190 = tpu.memref_slice %arg7[%dma_start3A_186, %dma_start3A_189] : memref<2x16000xf32, #tpu.memory_space<vmem>> -> memref<1x16000xf32, #tpu.memory_space<vmem>>
    %dma_start3A_191 = tpu.memref_squeeze %dma_start3A_190 : memref<1x16000xf32, #tpu.memory_space<vmem>> -> memref<16000xf32, #tpu.memory_space<vmem>>
    %dma_start3A_192 = tpu.memref_slice %arg2[%arg1, %add3A_169] : memref<16x320000xf32, #tpu.memory_space<hbm>> -> memref<1x16000xf32, #tpu.memory_space<hbm>>
    %dma_start3A_193 = tpu.memref_squeeze %dma_start3A_192 : memref<1x16000xf32, #tpu.memory_space<hbm>> -> memref<16000xf32, #tpu.memory_space<hbm>>
    %dma_start3A_194 = tpu.memref_slice %arg9[%dma_start3A_187, %dma_start3A_188] : memref<2x2x!tpu.dma_semaphore, #tpu.memory_space<semaphore_mem>> -> memref<1x1x!tpu.dma_semaphore, #tpu.memory_space<semaphore_mem>>
    %dma_start3A_195 = tpu.memref_squeeze %dma_start3A_194 : memref<1x1x!tpu.dma_semaphore, #tpu.memory_space<semaphore_mem>> -> memref<!tpu.dma_semaphore, #tpu.memory_space<semaphore_mem>>
    %dma_start3A_196 = arith.constant 0 : i32
    %dma_start3A_197 = tpu.memref_slice %arg7[%dma_start3A_186, %dma_start3A_196] : memref<2x16000xf32, #tpu.memory_space<vmem>> -> memref<1x16000xf32, #tpu.memory_space<vmem>>
    %dma_start3A_198 = tpu.memref_squeeze %dma_start3A_197 : memref<1x16000xf32, #tpu.memory_space<vmem>> -> memref<16000xf32, #tpu.memory_space<vmem>>
    %dma_start3A_199 = tpu.memref_slice %arg2[%arg1, %add3A_169] : memref<16x320000xf32, #tpu.memory_space<hbm>> -> memref<1x16000xf32, #tpu.memory_space<hbm>>
    %dma_start3A_200 = tpu.memref_squeeze %dma_start3A_199 : memref<1x16000xf32, #tpu.memory_space<hbm>> -> memref<16000xf32, #tpu.memory_space<hbm>>
    tpu.enqueue_dma source(%dma_start3A_200 : memref<16000xf32, #tpu.memory_space<hbm>>) target(%dma_start3A_198 : memref<16000xf32, #tpu.memory_space<vmem>>) target_semaphore(%dma_start3A_195 : memref<!tpu.dma_semaphore, #tpu.memory_space<semaphore_mem>>)
    %add3A_201 = arith.constant 32000 : i32
    %add3A_202 = arith.addi %mul3A_0, %add3A_201 : i32
    %dma_wait3A_203 = arith.constant 1 : i32
    %dma_wait3A_204 = arith.constant 0 : i32
    %dma_wait3A_205 = arith.constant 0 : i32
    %dma_wait3A_206 = arith.constant 0 : i32
    %dma_wait3A_207 = arith.constant 0 : i32
    %dma_wait3A_208 = tpu.memref_slice %arg8[%dma_wait3A_204, %dma_wait3A_207] : memref<2x16000xi32, #tpu.memory_space<vmem>> -> memref<1x16000xi32, #tpu.memory_space<vmem>>
    %dma_wait3A_209 = tpu.memref_squeeze %dma_wait3A_208 : memref<1x16000xi32, #tpu.memory_space<vmem>> -> memref<16000xi32, #tpu.memory_space<vmem>>
    %dma_wait3A_210 = tpu.memref_slice %arg3[%dma_wait3A_203, %add3A_202] : memref<2x320000xi32, #tpu.memory_space<hbm>> -> memref<1x16000xi32, #tpu.memory_space<hbm>>
    %dma_wait3A_211 = tpu.memref_squeeze %dma_wait3A_210 : memref<1x16000xi32, #tpu.memory_space<hbm>> -> memref<16000xi32, #tpu.memory_space<hbm>>
    %dma_wait3A_212 = tpu.memref_slice %arg9[%dma_wait3A_205, %dma_wait3A_206] : memref<2x2x!tpu.dma_semaphore, #tpu.memory_space<semaphore_mem>> -> memref<1x1x!tpu.dma_semaphore, #tpu.memory_space<semaphore_mem>>
    %dma_wait3A_213 = tpu.memref_squeeze %dma_wait3A_212 : memref<1x1x!tpu.dma_semaphore, #tpu.memory_space<semaphore_mem>> -> memref<!tpu.dma_semaphore, #tpu.memory_space<semaphore_mem>>
    %dma_wait3A_214 = arith.constant 0 : i32
    %dma_wait3A_215 = tpu.memref_slice %arg8[%dma_wait3A_204, %dma_wait3A_214] : memref<2x16000xi32, #tpu.memory_space<vmem>> -> memref<1x16000xi32, #tpu.memory_space<vmem>>
    %dma_wait3A_216 = tpu.memref_squeeze %dma_wait3A_215 : memref<1x16000xi32, #tpu.memory_space<vmem>> -> memref<16000xi32, #tpu.memory_space<vmem>>
    %dma_wait3A_217 = tpu.memref_slice %arg3[%dma_wait3A_203, %add3A_202] : memref<2x320000xi32, #tpu.memory_space<hbm>> -> memref<1x16000xi32, #tpu.memory_space<hbm>>
    %dma_wait3A_218 = tpu.memref_squeeze %dma_wait3A_217 : memref<1x16000xi32, #tpu.memory_space<hbm>> -> memref<16000xi32, #tpu.memory_space<hbm>>
    tpu.wait_dma2 semaphore(%dma_wait3A_213 : memref<!tpu.dma_semaphore, #tpu.memory_space<semaphore_mem>>) src(%dma_wait3A_218 : memref<16000xi32, #tpu.memory_space<hbm>>) dst(%dma_wait3A_216 : memref<16000xi32, #tpu.memory_space<vmem>>)
    %dma_wait3A_219 = arith.constant 0 : i32
    %dma_wait3A_220 = arith.constant 0 : i32
    %dma_wait3A_221 = arith.constant 1 : i32
    %dma_wait3A_222 = arith.constant 0 : i32
    %dma_wait3A_223 = tpu.memref_slice %arg7[%dma_wait3A_219, %dma_wait3A_222] : memref<2x16000xf32, #tpu.memory_space<vmem>> -> memref<1x16000xf32, #tpu.memory_space<vmem>>
    %dma_wait3A_224 = tpu.memref_squeeze %dma_wait3A_223 : memref<1x16000xf32, #tpu.memory_space<vmem>> -> memref<16000xf32, #tpu.memory_space<vmem>>
    %dma_wait3A_225 = tpu.memref_slice %arg2[%arg1, %add3A_202] : memref<16x320000xf32, #tpu.memory_space<hbm>> -> memref<1x16000xf32, #tpu.memory_space<hbm>>
    %dma_wait3A_226 = tpu.memref_squeeze %dma_wait3A_225 : memref<1x16000xf32, #tpu.memory_space<hbm>> -> memref<16000xf32, #tpu.memory_space<hbm>>
    %dma_wait3A_227 = tpu.memref_slice %arg9[%dma_wait3A_220, %dma_wait3A_221] : memref<2x2x!tpu.dma_semaphore, #tpu.memory_space<semaphore_mem>> -> memref<1x1x!tpu.dma_semaphore, #tpu.memory_space<semaphore_mem>>
    %dma_wait3A_228 = tpu.memref_squeeze %dma_wait3A_227 : memref<1x1x!tpu.dma_semaphore, #tpu.memory_space<semaphore_mem>> -> memref<!tpu.dma_semaphore, #tpu.memory_space<semaphore_mem>>
    %dma_wait3A_229 = arith.constant 0 : i32
    %dma_wait3A_230 = tpu.memref_slice %arg7[%dma_wait3A_219, %dma_wait3A_229] : memref<2x16000xf32, #tpu.memory_space<vmem>> -> memref<1x16000xf32, #tpu.memory_space<vmem>>
    %dma_wait3A_231 = tpu.memref_squeeze %dma_wait3A_230 : memref<1x16000xf32, #tpu.memory_space<vmem>> -> memref<16000xf32, #tpu.memory_space<vmem>>
    %dma_wait3A_232 = tpu.memref_slice %arg2[%arg1, %add3A_202] : memref<16x320000xf32, #tpu.memory_space<hbm>> -> memref<1x16000xf32, #tpu.memory_space<hbm>>
    %dma_wait3A_233 = tpu.memref_squeeze %dma_wait3A_232 : memref<1x16000xf32, #tpu.memory_space<hbm>> -> memref<16000xf32, #tpu.memory_space<hbm>>
    tpu.wait_dma2 semaphore(%dma_wait3A_228 : memref<!tpu.dma_semaphore, #tpu.memory_space<semaphore_mem>>) src(%dma_wait3A_233 : memref<16000xf32, #tpu.memory_space<hbm>>) dst(%dma_wait3A_231 : memref<16000xf32, #tpu.memory_space<vmem>>)
    %parallel_loop3A_234 = arith.constant 0 : i32
    %parallel_loop3A_235 = arith.constant 16000 : i32
    %parallel_loop3A_236 = arith.constant 16 : i32
    scf.for %parallel_loop3A_687 = %parallel_loop3A_234 to %parallel_loop3A_235 step %parallel_loop3A_236  : i32 {
      %parallel_loop3A_688 = arith.constant 0 : i32
      %parallel_loop3A_689 = arith.index_cast %parallel_loop3A_688 : i32 to index
      %parallel_loop3A_690 = arith.index_cast %parallel_loop3A_687 : i32 to index
      %parallel_loop3A_691 = tpu.vector_load %arg8[%parallel_loop3A_689, %parallel_loop3A_690] {strides = array<i32>} : memref<2x16000xi32, #tpu.memory_space<vmem>>, vector<16xi32>,
      %parallel_loop3A_692 = arith.constant 0 : i32
      %parallel_loop3A_693 = arith.index_cast %parallel_loop3A_692 : i32 to index
      %parallel_loop3A_694 = arith.index_cast %parallel_loop3A_687 : i32 to index
      %parallel_loop3A_695 = tpu.vector_load %arg7[%parallel_loop3A_693, %parallel_loop3A_694] {strides = array<i32>} : memref<2x16000xf32, #tpu.memory_space<vmem>>, vector<16xf32>,
      tpu.vector_store_idx %arg6[%parallel_loop3A_691], %parallel_loop3A_695 {add = true} : memref<10240xf32, #tpu.memory_space<vmem>>[vector<16xi32>], vector<16xf32>,
    } {sc.loop_unroll_factor = 16 : i64, sc.parallel_access}
    %add3A_237 = arith.constant 64000 : i32
    %add3A_238 = arith.addi %mul3A_0, %add3A_237 : i32
    %dma_start3A_239 = arith.constant 1 : i32
    %dma_start3A_240 = arith.constant 0 : i32
    %dma_start3A_241 = arith.constant 0 : i32
    %dma_start3A_242 = arith.constant 0 : i32
    %dma_start3A_243 = arith.constant 0 : i32
    %dma_start3A_244 = tpu.memref_slice %arg8[%dma_start3A_240, %dma_start3A_243] : memref<2x16000xi32, #tpu.memory_space<vmem>> -> memref<1x16000xi32, #tpu.memory_space<vmem>>
    %dma_start3A_245 = tpu.memref_squeeze %dma_start3A_244 : memref<1x16000xi32, #tpu.memory_space<vmem>> -> memref<16000xi32, #tpu.memory_space<vmem>>
    %dma_start3A_246 = tpu.memref_slice %arg3[%dma_start3A_239, %add3A_238] : memref<2x320000xi32, #tpu.memory_space<hbm>> -> memref<1x16000xi32, #tpu.memory_space<hbm>>
    %dma_start3A_247 = tpu.memref_squeeze %dma_start3A_246 : memref<1x16000xi32, #tpu.memory_space<hbm>> -> memref<16000xi32, #tpu.memory_space<hbm>>
    %dma_start3A_248 = tpu.memref_slice %arg9[%dma_start3A_241, %dma_start3A_242] : memref<2x2x!tpu.dma_semaphore, #tpu.memory_space<semaphore_mem>> -> memref<1x1x!tpu.dma_semaphore, #tpu.memory_space<semaphore_mem>>
    %dma_start3A_249 = tpu.memref_squeeze %dma_start3A_248 : memref<1x1x!tpu.dma_semaphore, #tpu.memory_space<semaphore_mem>> -> memref<!tpu.dma_semaphore, #tpu.memory_space<semaphore_mem>>
    %dma_start3A_250 = arith.constant 0 : i32
    %dma_start3A_251 = tpu.memref_slice %arg8[%dma_start3A_240, %dma_start3A_250] : memref<2x16000xi32, #tpu.memory_space<vmem>> -> memref<1x16000xi32, #tpu.memory_space<vmem>>
    %dma_start3A_252 = tpu.memref_squeeze %dma_start3A_251 : memref<1x16000xi32, #tpu.memory_space<vmem>> -> memref<16000xi32, #tpu.memory_space<vmem>>
    %dma_start3A_253 = tpu.memref_slice %arg3[%dma_start3A_239, %add3A_238] : memref<2x320000xi32, #tpu.memory_space<hbm>> -> memref<1x16000xi32, #tpu.memory_space<hbm>>
    %dma_start3A_254 = tpu.memref_squeeze %dma_start3A_253 : memref<1x16000xi32, #tpu.memory_space<hbm>> -> memref<16000xi32, #tpu.memory_space<hbm>>
    tpu.enqueue_dma source(%dma_start3A_254 : memref<16000xi32, #tpu.memory_space<hbm>>) target(%dma_start3A_252 : memref<16000xi32, #tpu.memory_space<vmem>>) target_semaphore(%dma_start3A_249 : memref<!tpu.dma_semaphore, #tpu.memory_space<semaphore_mem>>)
    %dma_start3A_255 = arith.constant 0 : i32
    %dma_start3A_256 = arith.constant 0 : i32
    %dma_start3A_257 = arith.constant 1 : i32
    %dma_start3A_258 = arith.constant 0 : i32
    %dma_start3A_259 = tpu.memref_slice %arg7[%dma_start3A_255, %dma_start3A_258] : memref<2x16000xf32, #tpu.memory_space<vmem>> -> memref<1x16000xf32, #tpu.memory_space<vmem>>
    %dma_start3A_260 = tpu.memref_squeeze %dma_start3A_259 : memref<1x16000xf32, #tpu.memory_space<vmem>> -> memref<16000xf32, #tpu.memory_space<vmem>>
    %dma_start3A_261 = tpu.memref_slice %arg2[%arg1, %add3A_238] : memref<16x320000xf32, #tpu.memory_space<hbm>> -> memref<1x16000xf32, #tpu.memory_space<hbm>>
    %dma_start3A_262 = tpu.memref_squeeze %dma_start3A_261 : memref<1x16000xf32, #tpu.memory_space<hbm>> -> memref<16000xf32, #tpu.memory_space<hbm>>
    %dma_start3A_263 = tpu.memref_slice %arg9[%dma_start3A_256, %dma_start3A_257] : memref<2x2x!tpu.dma_semaphore, #tpu.memory_space<semaphore_mem>> -> memref<1x1x!tpu.dma_semaphore, #tpu.memory_space<semaphore_mem>>
    %dma_start3A_264 = tpu.memref_squeeze %dma_start3A_263 : memref<1x1x!tpu.dma_semaphore, #tpu.memory_space<semaphore_mem>> -> memref<!tpu.dma_semaphore, #tpu.memory_space<semaphore_mem>>
    %dma_start3A_265 = arith.constant 0 : i32
    %dma_start3A_266 = tpu.memref_slice %arg7[%dma_start3A_255, %dma_start3A_265] : memref<2x16000xf32, #tpu.memory_space<vmem>> -> memref<1x16000xf32, #tpu.memory_space<vmem>>
    %dma_start3A_267 = tpu.memref_squeeze %dma_start3A_266 : memref<1x16000xf32, #tpu.memory_space<vmem>> -> memref<16000xf32, #tpu.memory_space<vmem>>
    %dma_start3A_268 = tpu.memref_slice %arg2[%arg1, %add3A_238] : memref<16x320000xf32, #tpu.memory_space<hbm>> -> memref<1x16000xf32, #tpu.memory_space<hbm>>
    %dma_start3A_269 = tpu.memref_squeeze %dma_start3A_268 : memref<1x16000xf32, #tpu.memory_space<hbm>> -> memref<16000xf32, #tpu.memory_space<hbm>>
    tpu.enqueue_dma source(%dma_start3A_269 : memref<16000xf32, #tpu.memory_space<hbm>>) target(%dma_start3A_267 : memref<16000xf32, #tpu.memory_space<vmem>>) target_semaphore(%dma_start3A_264 : memref<!tpu.dma_semaphore, #tpu.memory_space<semaphore_mem>>)
    %add3A_270 = arith.constant 48000 : i32
    %add3A_271 = arith.addi %mul3A_0, %add3A_270 : i32
    %dma_wait3A_272 = arith.constant 1 : i32
    %dma_wait3A_273 = arith.constant 1 : i32
    %dma_wait3A_274 = arith.constant 1 : i32
    %dma_wait3A_275 = arith.constant 0 : i32
    %dma_wait3A_276 = arith.constant 0 : i32
    %dma_wait3A_277 = tpu.memref_slice %arg8[%dma_wait3A_273, %dma_wait3A_276] : memref<2x16000xi32, #tpu.memory_space<vmem>> -> memref<1x16000xi32, #tpu.memory_space<vmem>>
    %dma_wait3A_278 = tpu.memref_squeeze %dma_wait3A_277 : memref<1x16000xi32, #tpu.memory_space<vmem>> -> memref<16000xi32, #tpu.memory_space<vmem>>
    %dma_wait3A_279 = tpu.memref_slice %arg3[%dma_wait3A_272, %add3A_271] : memref<2x320000xi32, #tpu.memory_space<hbm>> -> memref<1x16000xi32, #tpu.memory_space<hbm>>
    %dma_wait3A_280 = tpu.memref_squeeze %dma_wait3A_279 : memref<1x16000xi32, #tpu.memory_space<hbm>> -> memref<16000xi32, #tpu.memory_space<hbm>>
    %dma_wait3A_281 = tpu.memref_slice %arg9[%dma_wait3A_274, %dma_wait3A_275] : memref<2x2x!tpu.dma_semaphore, #tpu.memory_space<semaphore_mem>> -> memref<1x1x!tpu.dma_semaphore, #tpu.memory_space<semaphore_mem>>
    %dma_wait3A_282 = tpu.memref_squeeze %dma_wait3A_281 : memref<1x1x!tpu.dma_semaphore, #tpu.memory_space<semaphore_mem>> -> memref<!tpu.dma_semaphore, #tpu.memory_space<semaphore_mem>>
    %dma_wait3A_283 = arith.constant 0 : i32
    %dma_wait3A_284 = tpu.memref_slice %arg8[%dma_wait3A_273, %dma_wait3A_283] : memref<2x16000xi32, #tpu.memory_space<vmem>> -> memref<1x16000xi32, #tpu.memory_space<vmem>>
    %dma_wait3A_285 = tpu.memref_squeeze %dma_wait3A_284 : memref<1x16000xi32, #tpu.memory_space<vmem>> -> memref<16000xi32, #tpu.memory_space<vmem>>
    %dma_wait3A_286 = tpu.memref_slice %arg3[%dma_wait3A_272, %add3A_271] : memref<2x320000xi32, #tpu.memory_space<hbm>> -> memref<1x16000xi32, #tpu.memory_space<hbm>>
    %dma_wait3A_287 = tpu.memref_squeeze %dma_wait3A_286 : memref<1x16000xi32, #tpu.memory_space<hbm>> -> memref<16000xi32, #tpu.memory_space<hbm>>
    tpu.wait_dma2 semaphore(%dma_wait3A_282 : memref<!tpu.dma_semaphore, #tpu.memory_space<semaphore_mem>>) src(%dma_wait3A_287 : memref<16000xi32, #tpu.memory_space<hbm>>) dst(%dma_wait3A_285 : memref<16000xi32, #tpu.memory_space<vmem>>)
    %dma_wait3A_288 = arith.constant 1 : i32
    %dma_wait3A_289 = arith.constant 1 : i32
    %dma_wait3A_290 = arith.constant 1 : i32
    %dma_wait3A_291 = arith.constant 0 : i32
    %dma_wait3A_292 = tpu.memref_slice %arg7[%dma_wait3A_288, %dma_wait3A_291] : memref<2x16000xf32, #tpu.memory_space<vmem>> -> memref<1x16000xf32, #tpu.memory_space<vmem>>
    %dma_wait3A_293 = tpu.memref_squeeze %dma_wait3A_292 : memref<1x16000xf32, #tpu.memory_space<vmem>> -> memref<16000xf32, #tpu.memory_space<vmem>>
    %dma_wait3A_294 = tpu.memref_slice %arg2[%arg1, %add3A_271] : memref<16x320000xf32, #tpu.memory_space<hbm>> -> memref<1x16000xf32, #tpu.memory_space<hbm>>
    %dma_wait3A_295 = tpu.memref_squeeze %dma_wait3A_294 : memref<1x16000xf32, #tpu.memory_space<hbm>> -> memref<16000xf32, #tpu.memory_space<hbm>>
    %dma_wait3A_296 = tpu.memref_slice %arg9[%dma_wait3A_289, %dma_wait3A_290] : memref<2x2x!tpu.dma_semaphore, #tpu.memory_space<semaphore_mem>> -> memref<1x1x!tpu.dma_semaphore, #tpu.memory_space<semaphore_mem>>
    %dma_wait3A_297 = tpu.memref_squeeze %dma_wait3A_296 : memref<1x1x!tpu.dma_semaphore, #tpu.memory_space<semaphore_mem>> -> memref<!tpu.dma_semaphore, #tpu.memory_space<semaphore_mem>>
    %dma_wait3A_298 = arith.constant 0 : i32
    %dma_wait3A_299 = tpu.memref_slice %arg7[%dma_wait3A_288, %dma_wait3A_298] : memref<2x16000xf32, #tpu.memory_space<vmem>> -> memref<1x16000xf32, #tpu.memory_space<vmem>>
    %dma_wait3A_300 = tpu.memref_squeeze %dma_wait3A_299 : memref<1x16000xf32, #tpu.memory_space<vmem>> -> memref<16000xf32, #tpu.memory_space<vmem>>
    %dma_wait3A_301 = tpu.memref_slice %arg2[%arg1, %add3A_271] : memref<16x320000xf32, #tpu.memory_space<hbm>> -> memref<1x16000xf32, #tpu.memory_space<hbm>>
    %dma_wait3A_302 = tpu.memref_squeeze %dma_wait3A_301 : memref<1x16000xf32, #tpu.memory_space<hbm>> -> memref<16000xf32, #tpu.memory_space<hbm>>
    tpu.wait_dma2 semaphore(%dma_wait3A_297 : memref<!tpu.dma_semaphore, #tpu.memory_space<semaphore_mem>>) src(%dma_wait3A_302 : memref<16000xf32, #tpu.memory_space<hbm>>) dst(%dma_wait3A_300 : memref<16000xf32, #tpu.memory_space<vmem>>)
    %parallel_loop3A_303 = arith.constant 0 : i32
    %parallel_loop3A_304 = arith.constant 16000 : i32
    %parallel_loop3A_305 = arith.constant 16 : i32
    scf.for %parallel_loop3A_687 = %parallel_loop3A_303 to %parallel_loop3A_304 step %parallel_loop3A_305  : i32 {
      %parallel_loop3A_688 = arith.constant 1 : i32
      %parallel_loop3A_689 = arith.index_cast %parallel_loop3A_688 : i32 to index
      %parallel_loop3A_690 = arith.index_cast %parallel_loop3A_687 : i32 to index
      %parallel_loop3A_691 = tpu.vector_load %arg8[%parallel_loop3A_689, %parallel_loop3A_690] {strides = array<i32>} : memref<2x16000xi32, #tpu.memory_space<vmem>>, vector<16xi32>,
      %parallel_loop3A_692 = arith.constant 1 : i32
      %parallel_loop3A_693 = arith.index_cast %parallel_loop3A_692 : i32 to index
      %parallel_loop3A_694 = arith.index_cast %parallel_loop3A_687 : i32 to index
      %parallel_loop3A_695 = tpu.vector_load %arg7[%parallel_loop3A_693, %parallel_loop3A_694] {strides = array<i32>} : memref<2x16000xf32, #tpu.memory_space<vmem>>, vector<16xf32>,
      tpu.vector_store_idx %arg6[%parallel_loop3A_691], %parallel_loop3A_695 {add = true} : memref<10240xf32, #tpu.memory_space<vmem>>[vector<16xi32>], vector<16xf32>,
    } {sc.loop_unroll_factor = 16 : i64, sc.parallel_access}
    %add3A_306 = arith.constant 80000 : i32
    %add3A_307 = arith.addi %mul3A_0, %add3A_306 : i32
    %dma_start3A_308 = arith.constant 1 : i32
    %dma_start3A_309 = arith.constant 1 : i32
    %dma_start3A_310 = arith.constant 1 : i32
    %dma_start3A_311 = arith.constant 0 : i32
    %dma_start3A_312 = arith.constant 0 : i32
    %dma_start3A_313 = tpu.memref_slice %arg8[%dma_start3A_309, %dma_start3A_312] : memref<2x16000xi32, #tpu.memory_space<vmem>> -> memref<1x16000xi32, #tpu.memory_space<vmem>>
    %dma_start3A_314 = tpu.memref_squeeze %dma_start3A_313 : memref<1x16000xi32, #tpu.memory_space<vmem>> -> memref<16000xi32, #tpu.memory_space<vmem>>
    %dma_start3A_315 = tpu.memref_slice %arg3[%dma_start3A_308, %add3A_307] : memref<2x320000xi32, #tpu.memory_space<hbm>> -> memref<1x16000xi32, #tpu.memory_space<hbm>>
    %dma_start3A_316 = tpu.memref_squeeze %dma_start3A_315 : memref<1x16000xi32, #tpu.memory_space<hbm>> -> memref<16000xi32, #tpu.memory_space<hbm>>
    %dma_start3A_317 = tpu.memref_slice %arg9[%dma_start3A_310, %dma_start3A_311] : memref<2x2x!tpu.dma_semaphore, #tpu.memory_space<semaphore_mem>> -> memref<1x1x!tpu.dma_semaphore, #tpu.memory_space<semaphore_mem>>
    %dma_start3A_318 = tpu.memref_squeeze %dma_start3A_317 : memref<1x1x!tpu.dma_semaphore, #tpu.memory_space<semaphore_mem>> -> memref<!tpu.dma_semaphore, #tpu.memory_space<semaphore_mem>>
    %dma_start3A_319 = arith.constant 0 : i32
    %dma_start3A_320 = tpu.memref_slice %arg8[%dma_start3A_309, %dma_start3A_319] : memref<2x16000xi32, #tpu.memory_space<vmem>> -> memref<1x16000xi32, #tpu.memory_space<vmem>>
    %dma_start3A_321 = tpu.memref_squeeze %dma_start3A_320 : memref<1x16000xi32, #tpu.memory_space<vmem>> -> memref<16000xi32, #tpu.memory_space<vmem>>
    %dma_start3A_322 = tpu.memref_slice %arg3[%dma_start3A_308, %add3A_307] : memref<2x320000xi32, #tpu.memory_space<hbm>> -> memref<1x16000xi32, #tpu.memory_space<hbm>>
    %dma_start3A_323 = tpu.memref_squeeze %dma_start3A_322 : memref<1x16000xi32, #tpu.memory_space<hbm>> -> memref<16000xi32, #tpu.memory_space<hbm>>
    tpu.enqueue_dma source(%dma_start3A_323 : memref<16000xi32, #tpu.memory_space<hbm>>) target(%dma_start3A_321 : memref<16000xi32, #tpu.memory_space<vmem>>) target_semaphore(%dma_start3A_318 : memref<!tpu.dma_semaphore, #tpu.memory_space<semaphore_mem>>)
    %dma_start3A_324 = arith.constant 1 : i32
    %dma_start3A_325 = arith.constant 1 : i32
    %dma_start3A_326 = arith.constant 1 : i32
    %dma_start3A_327 = arith.constant 0 : i32
    %dma_start3A_328 = tpu.memref_slice %arg7[%dma_start3A_324, %dma_start3A_327] : memref<2x16000xf32, #tpu.memory_space<vmem>> -> memref<1x16000xf32, #tpu.memory_space<vmem>>
    %dma_start3A_329 = tpu.memref_squeeze %dma_start3A_328 : memref<1x16000xf32, #tpu.memory_space<vmem>> -> memref<16000xf32, #tpu.memory_space<vmem>>
    %dma_start3A_330 = tpu.memref_slice %arg2[%arg1, %add3A_307] : memref<16x320000xf32, #tpu.memory_space<hbm>> -> memref<1x16000xf32, #tpu.memory_space<hbm>>
    %dma_start3A_331 = tpu.memref_squeeze %dma_start3A_330 : memref<1x16000xf32, #tpu.memory_space<hbm>> -> memref<16000xf32, #tpu.memory_space<hbm>>
    %dma_start3A_332 = tpu.memref_slice %arg9[%dma_start3A_325, %dma_start3A_326] : memref<2x2x!tpu.dma_semaphore, #tpu.memory_space<semaphore_mem>> -> memref<1x1x!tpu.dma_semaphore, #tpu.memory_space<semaphore_mem>>
    %dma_start3A_333 = tpu.memref_squeeze %dma_start3A_332 : memref<1x1x!tpu.dma_semaphore, #tpu.memory_space<semaphore_mem>> -> memref<!tpu.dma_semaphore, #tpu.memory_space<semaphore_mem>>
    %dma_start3A_334 = arith.constant 0 : i32
    %dma_start3A_335 = tpu.memref_slice %arg7[%dma_start3A_324, %dma_start3A_334] : memref<2x16000xf32, #tpu.memory_space<vmem>> -> memref<1x16000xf32, #tpu.memory_space<vmem>>
    %dma_start3A_336 = tpu.memref_squeeze %dma_start3A_335 : memref<1x16000xf32, #tpu.memory_space<vmem>> -> memref<16000xf32, #tpu.memory_space<vmem>>
    %dma_start3A_337 = tpu.memref_slice %arg2[%arg1, %add3A_307] : memref<16x320000xf32, #tpu.memory_space<hbm>> -> memref<1x16000xf32, #tpu.memory_space<hbm>>
    %dma_start3A_338 = tpu.memref_squeeze %dma_start3A_337 : memref<1x16000xf32, #tpu.memory_space<hbm>> -> memref<16000xf32, #tpu.memory_space<hbm>>
    tpu.enqueue_dma source(%dma_start3A_338 : memref<16000xf32, #tpu.memory_space<hbm>>) target(%dma_start3A_336 : memref<16000xf32, #tpu.memory_space<vmem>>) target_semaphore(%dma_start3A_333 : memref<!tpu.dma_semaphore, #tpu.memory_space<semaphore_mem>>)
    %add3A_339 = arith.constant 64000 : i32
    %add3A_340 = arith.addi %mul3A_0, %add3A_339 : i32
    %dma_wait3A_341 = arith.constant 1 : i32
    %dma_wait3A_342 = arith.constant 0 : i32
    %dma_wait3A_343 = arith.constant 0 : i32
    %dma_wait3A_344 = arith.constant 0 : i32
    %dma_wait3A_345 = arith.constant 0 : i32
    %dma_wait3A_346 = tpu.memref_slice %arg8[%dma_wait3A_342, %dma_wait3A_345] : memref<2x16000xi32, #tpu.memory_space<vmem>> -> memref<1x16000xi32, #tpu.memory_space<vmem>>
    %dma_wait3A_347 = tpu.memref_squeeze %dma_wait3A_346 : memref<1x16000xi32, #tpu.memory_space<vmem>> -> memref<16000xi32, #tpu.memory_space<vmem>>
    %dma_wait3A_348 = tpu.memref_slice %arg3[%dma_wait3A_341, %add3A_340] : memref<2x320000xi32, #tpu.memory_space<hbm>> -> memref<1x16000xi32, #tpu.memory_space<hbm>>
    %dma_wait3A_349 = tpu.memref_squeeze %dma_wait3A_348 : memref<1x16000xi32, #tpu.memory_space<hbm>> -> memref<16000xi32, #tpu.memory_space<hbm>>
    %dma_wait3A_350 = tpu.memref_slice %arg9[%dma_wait3A_343, %dma_wait3A_344] : memref<2x2x!tpu.dma_semaphore, #tpu.memory_space<semaphore_mem>> -> memref<1x1x!tpu.dma_semaphore, #tpu.memory_space<semaphore_mem>>
    %dma_wait3A_351 = tpu.memref_squeeze %dma_wait3A_350 : memref<1x1x!tpu.dma_semaphore, #tpu.memory_space<semaphore_mem>> -> memref<!tpu.dma_semaphore, #tpu.memory_space<semaphore_mem>>
    %dma_wait3A_352 = arith.constant 0 : i32
    %dma_wait3A_353 = tpu.memref_slice %arg8[%dma_wait3A_342, %dma_wait3A_352] : memref<2x16000xi32, #tpu.memory_space<vmem>> -> memref<1x16000xi32, #tpu.memory_space<vmem>>
    %dma_wait3A_354 = tpu.memref_squeeze %dma_wait3A_353 : memref<1x16000xi32, #tpu.memory_space<vmem>> -> memref<16000xi32, #tpu.memory_space<vmem>>
    %dma_wait3A_355 = tpu.memref_slice %arg3[%dma_wait3A_341, %add3A_340] : memref<2x320000xi32, #tpu.memory_space<hbm>> -> memref<1x16000xi32, #tpu.memory_space<hbm>>
    %dma_wait3A_356 = tpu.memref_squeeze %dma_wait3A_355 : memref<1x16000xi32, #tpu.memory_space<hbm>> -> memref<16000xi32, #tpu.memory_space<hbm>>
    tpu.wait_dma2 semaphore(%dma_wait3A_351 : memref<!tpu.dma_semaphore, #tpu.memory_space<semaphore_mem>>) src(%dma_wait3A_356 : memref<16000xi32, #tpu.memory_space<hbm>>) dst(%dma_wait3A_354 : memref<16000xi32, #tpu.memory_space<vmem>>)
    %dma_wait3A_357 = arith.constant 0 : i32
    %dma_wait3A_358 = arith.constant 0 : i32
    %dma_wait3A_359 = arith.constant 1 : i32
    %dma_wait3A_360 = arith.constant 0 : i32
    %dma_wait3A_361 = tpu.memref_slice %arg7[%dma_wait3A_357, %dma_wait3A_360] : memref<2x16000xf32, #tpu.memory_space<vmem>> -> memref<1x16000xf32, #tpu.memory_space<vmem>>
    %dma_wait3A_362 = tpu.memref_squeeze %dma_wait3A_361 : memref<1x16000xf32, #tpu.memory_space<vmem>> -> memref<16000xf32, #tpu.memory_space<vmem>>
    %dma_wait3A_363 = tpu.memref_slice %arg2[%arg1, %add3A_340] : memref<16x320000xf32, #tpu.memory_space<hbm>> -> memref<1x16000xf32, #tpu.memory_space<hbm>>
    %dma_wait3A_364 = tpu.memref_squeeze %dma_wait3A_363 : memref<1x16000xf32, #tpu.memory_space<hbm>> -> memref<16000xf32, #tpu.memory_space<hbm>>
    %dma_wait3A_365 = tpu.memref_slice %arg9[%dma_wait3A_358, %dma_wait3A_359] : memref<2x2x!tpu.dma_semaphore, #tpu.memory_space<semaphore_mem>> -> memref<1x1x!tpu.dma_semaphore, #tpu.memory_space<semaphore_mem>>
    %dma_wait3A_366 = tpu.memref_squeeze %dma_wait3A_365 : memref<1x1x!tpu.dma_semaphore, #tpu.memory_space<semaphore_mem>> -> memref<!tpu.dma_semaphore, #tpu.memory_space<semaphore_mem>>
    %dma_wait3A_367 = arith.constant 0 : i32
    %dma_wait3A_368 = tpu.memref_slice %arg7[%dma_wait3A_357, %dma_wait3A_367] : memref<2x16000xf32, #tpu.memory_space<vmem>> -> memref<1x16000xf32, #tpu.memory_space<vmem>>
    %dma_wait3A_369 = tpu.memref_squeeze %dma_wait3A_368 : memref<1x16000xf32, #tpu.memory_space<vmem>> -> memref<16000xf32, #tpu.memory_space<vmem>>
    %dma_wait3A_370 = tpu.memref_slice %arg2[%arg1, %add3A_340] : memref<16x320000xf32, #tpu.memory_space<hbm>> -> memref<1x16000xf32, #tpu.memory_space<hbm>>
    %dma_wait3A_371 = tpu.memref_squeeze %dma_wait3A_370 : memref<1x16000xf32, #tpu.memory_space<hbm>> -> memref<16000xf32, #tpu.memory_space<hbm>>
    tpu.wait_dma2 semaphore(%dma_wait3A_366 : memref<!tpu.dma_semaphore, #tpu.memory_space<semaphore_mem>>) src(%dma_wait3A_371 : memref<16000xf32, #tpu.memory_space<hbm>>) dst(%dma_wait3A_369 : memref<16000xf32, #tpu.memory_space<vmem>>)
    %parallel_loop3A_372 = arith.constant 0 : i32
    %parallel_loop3A_373 = arith.constant 16000 : i32
    %parallel_loop3A_374 = arith.constant 16 : i32
    scf.for %parallel_loop3A_687 = %parallel_loop3A_372 to %parallel_loop3A_373 step %parallel_loop3A_374  : i32 {
      %parallel_loop3A_688 = arith.constant 0 : i32
      %parallel_loop3A_689 = arith.index_cast %parallel_loop3A_688 : i32 to index
      %parallel_loop3A_690 = arith.index_cast %parallel_loop3A_687 : i32 to index
      %parallel_loop3A_691 = tpu.vector_load %arg8[%parallel_loop3A_689, %parallel_loop3A_690] {strides = array<i32>} : memref<2x16000xi32, #tpu.memory_space<vmem>>, vector<16xi32>,
      %parallel_loop3A_692 = arith.constant 0 : i32
      %parallel_loop3A_693 = arith.index_cast %parallel_loop3A_692 : i32 to index
      %parallel_loop3A_694 = arith.index_cast %parallel_loop3A_687 : i32 to index
      %parallel_loop3A_695 = tpu.vector_load %arg7[%parallel_loop3A_693, %parallel_loop3A_694] {strides = array<i32>} : memref<2x16000xf32, #tpu.memory_space<vmem>>, vector<16xf32>,
      tpu.vector_store_idx %arg6[%parallel_loop3A_691], %parallel_loop3A_695 {add = true} : memref<10240xf32, #tpu.memory_space<vmem>>[vector<16xi32>], vector<16xf32>,
    } {sc.loop_unroll_factor = 16 : i64, sc.parallel_access}
    %add3A_375 = arith.constant 96000 : i32
    %add3A_376 = arith.addi %mul3A_0, %add3A_375 : i32
    %dma_start3A_377 = arith.constant 1 : i32
    %dma_start3A_378 = arith.constant 0 : i32
    %dma_start3A_379 = arith.constant 0 : i32
    %dma_start3A_380 = arith.constant 0 : i32
    %dma_start3A_381 = arith.constant 0 : i32
    %dma_start3A_382 = tpu.memref_slice %arg8[%dma_start3A_378, %dma_start3A_381] : memref<2x16000xi32, #tpu.memory_space<vmem>> -> memref<1x16000xi32, #tpu.memory_space<vmem>>
    %dma_start3A_383 = tpu.memref_squeeze %dma_start3A_382 : memref<1x16000xi32, #tpu.memory_space<vmem>> -> memref<16000xi32, #tpu.memory_space<vmem>>
    %dma_start3A_384 = tpu.memref_slice %arg3[%dma_start3A_377, %add3A_376] : memref<2x320000xi32, #tpu.memory_space<hbm>> -> memref<1x16000xi32, #tpu.memory_space<hbm>>
    %dma_start3A_385 = tpu.memref_squeeze %dma_start3A_384 : memref<1x16000xi32, #tpu.memory_space<hbm>> -> memref<16000xi32, #tpu.memory_space<hbm>>
    %dma_start3A_386 = tpu.memref_slice %arg9[%dma_start3A_379, %dma_start3A_380] : memref<2x2x!tpu.dma_semaphore, #tpu.memory_space<semaphore_mem>> -> memref<1x1x!tpu.dma_semaphore, #tpu.memory_space<semaphore_mem>>
    %dma_start3A_387 = tpu.memref_squeeze %dma_start3A_386 : memref<1x1x!tpu.dma_semaphore, #tpu.memory_space<semaphore_mem>> -> memref<!tpu.dma_semaphore, #tpu.memory_space<semaphore_mem>>
    %dma_start3A_388 = arith.constant 0 : i32
    %dma_start3A_389 = tpu.memref_slice %arg8[%dma_start3A_378, %dma_start3A_388] : memref<2x16000xi32, #tpu.memory_space<vmem>> -> memref<1x16000xi32, #tpu.memory_space<vmem>>
    %dma_start3A_390 = tpu.memref_squeeze %dma_start3A_389 : memref<1x16000xi32, #tpu.memory_space<vmem>> -> memref<16000xi32, #tpu.memory_space<vmem>>
    %dma_start3A_391 = tpu.memref_slice %arg3[%dma_start3A_377, %add3A_376] : memref<2x320000xi32, #tpu.memory_space<hbm>> -> memref<1x16000xi32, #tpu.memory_space<hbm>>
    %dma_start3A_392 = tpu.memref_squeeze %dma_start3A_391 : memref<1x16000xi32, #tpu.memory_space<hbm>> -> memref<16000xi32, #tpu.memory_space<hbm>>
    tpu.enqueue_dma source(%dma_start3A_392 : memref<16000xi32, #tpu.memory_space<hbm>>) target(%dma_start3A_390 : memref<16000xi32, #tpu.memory_space<vmem>>) target_semaphore(%dma_start3A_387 : memref<!tpu.dma_semaphore, #tpu.memory_space<semaphore_mem>>)
    %dma_start3A_393 = arith.constant 0 : i32
    %dma_start3A_394 = arith.constant 0 : i32
    %dma_start3A_395 = arith.constant 1 : i32
    %dma_start3A_396 = arith.constant 0 : i32
    %dma_start3A_397 = tpu.memref_slice %arg7[%dma_start3A_393, %dma_start3A_396] : memref<2x16000xf32, #tpu.memory_space<vmem>> -> memref<1x16000xf32, #tpu.memory_space<vmem>>
    %dma_start3A_398 = tpu.memref_squeeze %dma_start3A_397 : memref<1x16000xf32, #tpu.memory_space<vmem>> -> memref<16000xf32, #tpu.memory_space<vmem>>
    %dma_start3A_399 = tpu.memref_slice %arg2[%arg1, %add3A_376] : memref<16x320000xf32, #tpu.memory_space<hbm>> -> memref<1x16000xf32, #tpu.memory_space<hbm>>
    %dma_start3A_400 = tpu.memref_squeeze %dma_start3A_399 : memref<1x16000xf32, #tpu.memory_space<hbm>> -> memref<16000xf32, #tpu.memory_space<hbm>>
    %dma_start3A_401 = tpu.memref_slice %arg9[%dma_start3A_394, %dma_start3A_395] : memref<2x2x!tpu.dma_semaphore, #tpu.memory_space<semaphore_mem>> -> memref<1x1x!tpu.dma_semaphore, #tpu.memory_space<semaphore_mem>>
    %dma_start3A_402 = tpu.memref_squeeze %dma_start3A_401 : memref<1x1x!tpu.dma_semaphore, #tpu.memory_space<semaphore_mem>> -> memref<!tpu.dma_semaphore, #tpu.memory_space<semaphore_mem>>
    %dma_start3A_403 = arith.constant 0 : i32
    %dma_start3A_404 = tpu.memref_slice %arg7[%dma_start3A_393, %dma_start3A_403] : memref<2x16000xf32, #tpu.memory_space<vmem>> -> memref<1x16000xf32, #tpu.memory_space<vmem>>
    %dma_start3A_405 = tpu.memref_squeeze %dma_start3A_404 : memref<1x16000xf32, #tpu.memory_space<vmem>> -> memref<16000xf32, #tpu.memory_space<vmem>>
    %dma_start3A_406 = tpu.memref_slice %arg2[%arg1, %add3A_376] : memref<16x320000xf32, #tpu.memory_space<hbm>> -> memref<1x16000xf32, #tpu.memory_space<hbm>>
    %dma_start3A_407 = tpu.memref_squeeze %dma_start3A_406 : memref<1x16000xf32, #tpu.memory_space<hbm>> -> memref<16000xf32, #tpu.memory_space<hbm>>
    tpu.enqueue_dma source(%dma_start3A_407 : memref<16000xf32, #tpu.memory_space<hbm>>) target(%dma_start3A_405 : memref<16000xf32, #tpu.memory_space<vmem>>) target_semaphore(%dma_start3A_402 : memref<!tpu.dma_semaphore, #tpu.memory_space<semaphore_mem>>)
    %add3A_408 = arith.constant 80000 : i32
    %add3A_409 = arith.addi %mul3A_0, %add3A_408 : i32
    %dma_wait3A_410 = arith.constant 1 : i32
    %dma_wait3A_411 = arith.constant 1 : i32
    %dma_wait3A_412 = arith.constant 1 : i32
    %dma_wait3A_413 = arith.constant 0 : i32
    %dma_wait3A_414 = arith.constant 0 : i32
    %dma_wait3A_415 = tpu.memref_slice %arg8[%dma_wait3A_411, %dma_wait3A_414] : memref<2x16000xi32, #tpu.memory_space<vmem>> -> memref<1x16000xi32, #tpu.memory_space<vmem>>
    %dma_wait3A_416 = tpu.memref_squeeze %dma_wait3A_415 : memref<1x16000xi32, #tpu.memory_space<vmem>> -> memref<16000xi32, #tpu.memory_space<vmem>>
    %dma_wait3A_417 = tpu.memref_slice %arg3[%dma_wait3A_410, %add3A_409] : memref<2x320000xi32, #tpu.memory_space<hbm>> -> memref<1x16000xi32, #tpu.memory_space<hbm>>
    %dma_wait3A_418 = tpu.memref_squeeze %dma_wait3A_417 : memref<1x16000xi32, #tpu.memory_space<hbm>> -> memref<16000xi32, #tpu.memory_space<hbm>>
    %dma_wait3A_419 = tpu.memref_slice %arg9[%dma_wait3A_412, %dma_wait3A_413] : memref<2x2x!tpu.dma_semaphore, #tpu.memory_space<semaphore_mem>> -> memref<1x1x!tpu.dma_semaphore, #tpu.memory_space<semaphore_mem>>
    %dma_wait3A_420 = tpu.memref_squeeze %dma_wait3A_419 : memref<1x1x!tpu.dma_semaphore, #tpu.memory_space<semaphore_mem>> -> memref<!tpu.dma_semaphore, #tpu.memory_space<semaphore_mem>>
    %dma_wait3A_421 = arith.constant 0 : i32
    %dma_wait3A_422 = tpu.memref_slice %arg8[%dma_wait3A_411, %dma_wait3A_421] : memref<2x16000xi32, #tpu.memory_space<vmem>> -> memref<1x16000xi32, #tpu.memory_space<vmem>>
    %dma_wait3A_423 = tpu.memref_squeeze %dma_wait3A_422 : memref<1x16000xi32, #tpu.memory_space<vmem>> -> memref<16000xi32, #tpu.memory_space<vmem>>
    %dma_wait3A_424 = tpu.memref_slice %arg3[%dma_wait3A_410, %add3A_409] : memref<2x320000xi32, #tpu.memory_space<hbm>> -> memref<1x16000xi32, #tpu.memory_space<hbm>>
    %dma_wait3A_425 = tpu.memref_squeeze %dma_wait3A_424 : memref<1x16000xi32, #tpu.memory_space<hbm>> -> memref<16000xi32, #tpu.memory_space<hbm>>
    tpu.wait_dma2 semaphore(%dma_wait3A_420 : memref<!tpu.dma_semaphore, #tpu.memory_space<semaphore_mem>>) src(%dma_wait3A_425 : memref<16000xi32, #tpu.memory_space<hbm>>) dst(%dma_wait3A_423 : memref<16000xi32, #tpu.memory_space<vmem>>)
    %dma_wait3A_426 = arith.constant 1 : i32
    %dma_wait3A_427 = arith.constant 1 : i32
    %dma_wait3A_428 = arith.constant 1 : i32
    %dma_wait3A_429 = arith.constant 0 : i32
    %dma_wait3A_430 = tpu.memref_slice %arg7[%dma_wait3A_426, %dma_wait3A_429] : memref<2x16000xf32, #tpu.memory_space<vmem>> -> memref<1x16000xf32, #tpu.memory_space<vmem>>
    %dma_wait3A_431 = tpu.memref_squeeze %dma_wait3A_430 : memref<1x16000xf32, #tpu.memory_space<vmem>> -> memref<16000xf32, #tpu.memory_space<vmem>>
    %dma_wait3A_432 = tpu.memref_slice %arg2[%arg1, %add3A_409] : memref<16x320000xf32, #tpu.memory_space<hbm>> -> memref<1x16000xf32, #tpu.memory_space<hbm>>
    %dma_wait3A_433 = tpu.memref_squeeze %dma_wait3A_432 : memref<1x16000xf32, #tpu.memory_space<hbm>> -> memref<16000xf32, #tpu.memory_space<hbm>>
    %dma_wait3A_434 = tpu.memref_slice %arg9[%dma_wait3A_427, %dma_wait3A_428] : memref<2x2x!tpu.dma_semaphore, #tpu.memory_space<semaphore_mem>> -> memref<1x1x!tpu.dma_semaphore, #tpu.memory_space<semaphore_mem>>
    %dma_wait3A_435 = tpu.memref_squeeze %dma_wait3A_434 : memref<1x1x!tpu.dma_semaphore, #tpu.memory_space<semaphore_mem>> -> memref<!tpu.dma_semaphore, #tpu.memory_space<semaphore_mem>>
    %dma_wait3A_436 = arith.constant 0 : i32
    %dma_wait3A_437 = tpu.memref_slice %arg7[%dma_wait3A_426, %dma_wait3A_436] : memref<2x16000xf32, #tpu.memory_space<vmem>> -> memref<1x16000xf32, #tpu.memory_space<vmem>>
    %dma_wait3A_438 = tpu.memref_squeeze %dma_wait3A_437 : memref<1x16000xf32, #tpu.memory_space<vmem>> -> memref<16000xf32, #tpu.memory_space<vmem>>
    %dma_wait3A_439 = tpu.memref_slice %arg2[%arg1, %add3A_409] : memref<16x320000xf32, #tpu.memory_space<hbm>> -> memref<1x16000xf32, #tpu.memory_space<hbm>>
    %dma_wait3A_440 = tpu.memref_squeeze %dma_wait3A_439 : memref<1x16000xf32, #tpu.memory_space<hbm>> -> memref<16000xf32, #tpu.memory_space<hbm>>
    tpu.wait_dma2 semaphore(%dma_wait3A_435 : memref<!tpu.dma_semaphore, #tpu.memory_space<semaphore_mem>>) src(%dma_wait3A_440 : memref<16000xf32, #tpu.memory_space<hbm>>) dst(%dma_wait3A_438 : memref<16000xf32, #tpu.memory_space<vmem>>)
    %parallel_loop3A_441 = arith.constant 0 : i32
    %parallel_loop3A_442 = arith.constant 16000 : i32
    %parallel_loop3A_443 = arith.constant 16 : i32
    scf.for %parallel_loop3A_687 = %parallel_loop3A_441 to %parallel_loop3A_442 step %parallel_loop3A_443  : i32 {
      %parallel_loop3A_688 = arith.constant 1 : i32
      %parallel_loop3A_689 = arith.index_cast %parallel_loop3A_688 : i32 to index
      %parallel_loop3A_690 = arith.index_cast %parallel_loop3A_687 : i32 to index
      %parallel_loop3A_691 = tpu.vector_load %arg8[%parallel_loop3A_689, %parallel_loop3A_690] {strides = array<i32>} : memref<2x16000xi32, #tpu.memory_space<vmem>>, vector<16xi32>,
      %parallel_loop3A_692 = arith.constant 1 : i32
      %parallel_loop3A_693 = arith.index_cast %parallel_loop3A_692 : i32 to index
      %parallel_loop3A_694 = arith.index_cast %parallel_loop3A_687 : i32 to index
      %parallel_loop3A_695 = tpu.vector_load %arg7[%parallel_loop3A_693, %parallel_loop3A_694] {strides = array<i32>} : memref<2x16000xf32, #tpu.memory_space<vmem>>, vector<16xf32>,
      tpu.vector_store_idx %arg6[%parallel_loop3A_691], %parallel_loop3A_695 {add = true} : memref<10240xf32, #tpu.memory_space<vmem>>[vector<16xi32>], vector<16xf32>,
    } {sc.loop_unroll_factor = 16 : i64, sc.parallel_access}
    %add3A_444 = arith.constant 112000 : i32
    %add3A_445 = arith.addi %mul3A_0, %add3A_444 : i32
    %dma_start3A_446 = arith.constant 1 : i32
    %dma_start3A_447 = arith.constant 1 : i32
    %dma_start3A_448 = arith.constant 1 : i32
    %dma_start3A_449 = arith.constant 0 : i32
    %dma_start3A_450 = arith.constant 0 : i32
    %dma_start3A_451 = tpu.memref_slice %arg8[%dma_start3A_447, %dma_start3A_450] : memref<2x16000xi32, #tpu.memory_space<vmem>> -> memref<1x16000xi32, #tpu.memory_space<vmem>>
    %dma_start3A_452 = tpu.memref_squeeze %dma_start3A_451 : memref<1x16000xi32, #tpu.memory_space<vmem>> -> memref<16000xi32, #tpu.memory_space<vmem>>
    %dma_start3A_453 = tpu.memref_slice %arg3[%dma_start3A_446, %add3A_445] : memref<2x320000xi32, #tpu.memory_space<hbm>> -> memref<1x16000xi32, #tpu.memory_space<hbm>>
    %dma_start3A_454 = tpu.memref_squeeze %dma_start3A_453 : memref<1x16000xi32, #tpu.memory_space<hbm>> -> memref<16000xi32, #tpu.memory_space<hbm>>
    %dma_start3A_455 = tpu.memref_slice %arg9[%dma_start3A_448, %dma_start3A_449] : memref<2x2x!tpu.dma_semaphore, #tpu.memory_space<semaphore_mem>> -> memref<1x1x!tpu.dma_semaphore, #tpu.memory_space<semaphore_mem>>
    %dma_start3A_456 = tpu.memref_squeeze %dma_start3A_455 : memref<1x1x!tpu.dma_semaphore, #tpu.memory_space<semaphore_mem>> -> memref<!tpu.dma_semaphore, #tpu.memory_space<semaphore_mem>>
    %dma_start3A_457 = arith.constant 0 : i32
    %dma_start3A_458 = tpu.memref_slice %arg8[%dma_start3A_447, %dma_start3A_457] : memref<2x16000xi32, #tpu.memory_space<vmem>> -> memref<1x16000xi32, #tpu.memory_space<vmem>>
    %dma_start3A_459 = tpu.memref_squeeze %dma_start3A_458 : memref<1x16000xi32, #tpu.memory_space<vmem>> -> memref<16000xi32, #tpu.memory_space<vmem>>
    %dma_start3A_460 = tpu.memref_slice %arg3[%dma_start3A_446, %add3A_445] : memref<2x320000xi32, #tpu.memory_space<hbm>> -> memref<1x16000xi32, #tpu.memory_space<hbm>>
    %dma_start3A_461 = tpu.memref_squeeze %dma_start3A_460 : memref<1x16000xi32, #tpu.memory_space<hbm>> -> memref<16000xi32, #tpu.memory_space<hbm>>
    tpu.enqueue_dma source(%dma_start3A_461 : memref<16000xi32, #tpu.memory_space<hbm>>) target(%dma_start3A_459 : memref<16000xi32, #tpu.memory_space<vmem>>) target_semaphore(%dma_start3A_456 : memref<!tpu.dma_semaphore, #tpu.memory_space<semaphore_mem>>)
    %dma_start3A_462 = arith.constant 1 : i32
    %dma_start3A_463 = arith.constant 1 : i32
    %dma_start3A_464 = arith.constant 1 : i32
    %dma_start3A_465 = arith.constant 0 : i32
    %dma_start3A_466 = tpu.memref_slice %arg7[%dma_start3A_462, %dma_start3A_465] : memref<2x16000xf32, #tpu.memory_space<vmem>> -> memref<1x16000xf32, #tpu.memory_space<vmem>>
    %dma_start3A_467 = tpu.memref_squeeze %dma_start3A_466 : memref<1x16000xf32, #tpu.memory_space<vmem>> -> memref<16000xf32, #tpu.memory_space<vmem>>
    %dma_start3A_468 = tpu.memref_slice %arg2[%arg1, %add3A_445] : memref<16x320000xf32, #tpu.memory_space<hbm>> -> memref<1x16000xf32, #tpu.memory_space<hbm>>
    %dma_start3A_469 = tpu.memref_squeeze %dma_start3A_468 : memref<1x16000xf32, #tpu.memory_space<hbm>> -> memref<16000xf32, #tpu.memory_space<hbm>>
    %dma_start3A_470 = tpu.memref_slice %arg9[%dma_start3A_463, %dma_start3A_464] : memref<2x2x!tpu.dma_semaphore, #tpu.memory_space<semaphore_mem>> -> memref<1x1x!tpu.dma_semaphore, #tpu.memory_space<semaphore_mem>>
    %dma_start3A_471 = tpu.memref_squeeze %dma_start3A_470 : memref<1x1x!tpu.dma_semaphore, #tpu.memory_space<semaphore_mem>> -> memref<!tpu.dma_semaphore, #tpu.memory_space<semaphore_mem>>
    %dma_start3A_472 = arith.constant 0 : i32
    %dma_start3A_473 = tpu.memref_slice %arg7[%dma_start3A_462, %dma_start3A_472] : memref<2x16000xf32, #tpu.memory_space<vmem>> -> memref<1x16000xf32, #tpu.memory_space<vmem>>
    %dma_start3A_474 = tpu.memref_squeeze %dma_start3A_473 : memref<1x16000xf32, #tpu.memory_space<vmem>> -> memref<16000xf32, #tpu.memory_space<vmem>>
    %dma_start3A_475 = tpu.memref_slice %arg2[%arg1, %add3A_445] : memref<16x320000xf32, #tpu.memory_space<hbm>> -> memref<1x16000xf32, #tpu.memory_space<hbm>>
    %dma_start3A_476 = tpu.memref_squeeze %dma_start3A_475 : memref<1x16000xf32, #tpu.memory_space<hbm>> -> memref<16000xf32, #tpu.memory_space<hbm>>
    tpu.enqueue_dma source(%dma_start3A_476 : memref<16000xf32, #tpu.memory_space<hbm>>) target(%dma_start3A_474 : memref<16000xf32, #tpu.memory_space<vmem>>) target_semaphore(%dma_start3A_471 : memref<!tpu.dma_semaphore, #tpu.memory_space<semaphore_mem>>)
    %add3A_477 = arith.constant 96000 : i32
    %add3A_478 = arith.addi %mul3A_0, %add3A_477 : i32
    %dma_wait3A_479 = arith.constant 1 : i32
    %dma_wait3A_480 = arith.constant 0 : i32
    %dma_wait3A_481 = arith.constant 0 : i32
    %dma_wait3A_482 = arith.constant 0 : i32
    %dma_wait3A_483 = arith.constant 0 : i32
    %dma_wait3A_484 = tpu.memref_slice %arg8[%dma_wait3A_480, %dma_wait3A_483] : memref<2x16000xi32, #tpu.memory_space<vmem>> -> memref<1x16000xi32, #tpu.memory_space<vmem>>
    %dma_wait3A_485 = tpu.memref_squeeze %dma_wait3A_484 : memref<1x16000xi32, #tpu.memory_space<vmem>> -> memref<16000xi32, #tpu.memory_space<vmem>>
    %dma_wait3A_486 = tpu.memref_slice %arg3[%dma_wait3A_479, %add3A_478] : memref<2x320000xi32, #tpu.memory_space<hbm>> -> memref<1x16000xi32, #tpu.memory_space<hbm>>
    %dma_wait3A_487 = tpu.memref_squeeze %dma_wait3A_486 : memref<1x16000xi32, #tpu.memory_space<hbm>> -> memref<16000xi32, #tpu.memory_space<hbm>>
    %dma_wait3A_488 = tpu.memref_slice %arg9[%dma_wait3A_481, %dma_wait3A_482] : memref<2x2x!tpu.dma_semaphore, #tpu.memory_space<semaphore_mem>> -> memref<1x1x!tpu.dma_semaphore, #tpu.memory_space<semaphore_mem>>
    %dma_wait3A_489 = tpu.memref_squeeze %dma_wait3A_488 : memref<1x1x!tpu.dma_semaphore, #tpu.memory_space<semaphore_mem>> -> memref<!tpu.dma_semaphore, #tpu.memory_space<semaphore_mem>>
    %dma_wait3A_490 = arith.constant 0 : i32
    %dma_wait3A_491 = tpu.memref_slice %arg8[%dma_wait3A_480, %dma_wait3A_490] : memref<2x16000xi32, #tpu.memory_space<vmem>> -> memref<1x16000xi32, #tpu.memory_space<vmem>>
    %dma_wait3A_492 = tpu.memref_squeeze %dma_wait3A_491 : memref<1x16000xi32, #tpu.memory_space<vmem>> -> memref<16000xi32, #tpu.memory_space<vmem>>
    %dma_wait3A_493 = tpu.memref_slice %arg3[%dma_wait3A_479, %add3A_478] : memref<2x320000xi32, #tpu.memory_space<hbm>> -> memref<1x16000xi32, #tpu.memory_space<hbm>>
    %dma_wait3A_494 = tpu.memref_squeeze %dma_wait3A_493 : memref<1x16000xi32, #tpu.memory_space<hbm>> -> memref<16000xi32, #tpu.memory_space<hbm>>
    tpu.wait_dma2 semaphore(%dma_wait3A_489 : memref<!tpu.dma_semaphore, #tpu.memory_space<semaphore_mem>>) src(%dma_wait3A_494 : memref<16000xi32, #tpu.memory_space<hbm>>) dst(%dma_wait3A_492 : memref<16000xi32, #tpu.memory_space<vmem>>)
    %dma_wait3A_495 = arith.constant 0 : i32
    %dma_wait3A_496 = arith.constant 0 : i32
    %dma_wait3A_497 = arith.constant 1 : i32
    %dma_wait3A_498 = arith.constant 0 : i32
    %dma_wait3A_499 = tpu.memref_slice %arg7[%dma_wait3A_495, %dma_wait3A_498] : memref<2x16000xf32, #tpu.memory_space<vmem>> -> memref<1x16000xf32, #tpu.memory_space<vmem>>
    %dma_wait3A_500 = tpu.memref_squeeze %dma_wait3A_499 : memref<1x16000xf32, #tpu.memory_space<vmem>> -> memref<16000xf32, #tpu.memory_space<vmem>>
    %dma_wait3A_501 = tpu.memref_slice %arg2[%arg1, %add3A_478] : memref<16x320000xf32, #tpu.memory_space<hbm>> -> memref<1x16000xf32, #tpu.memory_space<hbm>>
    %dma_wait3A_502 = tpu.memref_squeeze %dma_wait3A_501 : memref<1x16000xf32, #tpu.memory_space<hbm>> -> memref<16000xf32, #tpu.memory_space<hbm>>
    %dma_wait3A_503 = tpu.memref_slice %arg9[%dma_wait3A_496, %dma_wait3A_497] : memref<2x2x!tpu.dma_semaphore, #tpu.memory_space<semaphore_mem>> -> memref<1x1x!tpu.dma_semaphore, #tpu.memory_space<semaphore_mem>>
    %dma_wait3A_504 = tpu.memref_squeeze %dma_wait3A_503 : memref<1x1x!tpu.dma_semaphore, #tpu.memory_space<semaphore_mem>> -> memref<!tpu.dma_semaphore, #tpu.memory_space<semaphore_mem>>
    %dma_wait3A_505 = arith.constant 0 : i32
    %dma_wait3A_506 = tpu.memref_slice %arg7[%dma_wait3A_495, %dma_wait3A_505] : memref<2x16000xf32, #tpu.memory_space<vmem>> -> memref<1x16000xf32, #tpu.memory_space<vmem>>
    %dma_wait3A_507 = tpu.memref_squeeze %dma_wait3A_506 : memref<1x16000xf32, #tpu.memory_space<vmem>> -> memref<16000xf32, #tpu.memory_space<vmem>>
    %dma_wait3A_508 = tpu.memref_slice %arg2[%arg1, %add3A_478] : memref<16x320000xf32, #tpu.memory_space<hbm>> -> memref<1x16000xf32, #tpu.memory_space<hbm>>
    %dma_wait3A_509 = tpu.memref_squeeze %dma_wait3A_508 : memref<1x16000xf32, #tpu.memory_space<hbm>> -> memref<16000xf32, #tpu.memory_space<hbm>>
    tpu.wait_dma2 semaphore(%dma_wait3A_504 : memref<!tpu.dma_semaphore, #tpu.memory_space<semaphore_mem>>) src(%dma_wait3A_509 : memref<16000xf32, #tpu.memory_space<hbm>>) dst(%dma_wait3A_507 : memref<16000xf32, #tpu.memory_space<vmem>>)
    %parallel_loop3A_510 = arith.constant 0 : i32
    %parallel_loop3A_511 = arith.constant 16000 : i32
    %parallel_loop3A_512 = arith.constant 16 : i32
    scf.for %parallel_loop3A_687 = %parallel_loop3A_510 to %parallel_loop3A_511 step %parallel_loop3A_512  : i32 {
      %parallel_loop3A_688 = arith.constant 0 : i32
      %parallel_loop3A_689 = arith.index_cast %parallel_loop3A_688 : i32 to index
      %parallel_loop3A_690 = arith.index_cast %parallel_loop3A_687 : i32 to index
      %parallel_loop3A_691 = tpu.vector_load %arg8[%parallel_loop3A_689, %parallel_loop3A_690] {strides = array<i32>} : memref<2x16000xi32, #tpu.memory_space<vmem>>, vector<16xi32>,
      %parallel_loop3A_692 = arith.constant 0 : i32
      %parallel_loop3A_693 = arith.index_cast %parallel_loop3A_692 : i32 to index
      %parallel_loop3A_694 = arith.index_cast %parallel_loop3A_687 : i32 to index
      %parallel_loop3A_695 = tpu.vector_load %arg7[%parallel_loop3A_693, %parallel_loop3A_694] {strides = array<i32>} : memref<2x16000xf32, #tpu.memory_space<vmem>>, vector<16xf32>,
      tpu.vector_store_idx %arg6[%parallel_loop3A_691], %parallel_loop3A_695 {add = true} : memref<10240xf32, #tpu.memory_space<vmem>>[vector<16xi32>], vector<16xf32>,
    } {sc.loop_unroll_factor = 16 : i64, sc.parallel_access}
    %add3A_513 = arith.constant 128000 : i32
    %add3A_514 = arith.addi %mul3A_0, %add3A_513 : i32
    %dma_start3A_515 = arith.constant 1 : i32
    %dma_start3A_516 = arith.constant 0 : i32
    %dma_start3A_517 = arith.constant 0 : i32
    %dma_start3A_518 = arith.constant 0 : i32
    %dma_start3A_519 = arith.constant 0 : i32
    %dma_start3A_520 = tpu.memref_slice %arg8[%dma_start3A_516, %dma_start3A_519] : memref<2x16000xi32, #tpu.memory_space<vmem>> -> memref<1x16000xi32, #tpu.memory_space<vmem>>
    %dma_start3A_521 = tpu.memref_squeeze %dma_start3A_520 : memref<1x16000xi32, #tpu.memory_space<vmem>> -> memref<16000xi32, #tpu.memory_space<vmem>>
    %dma_start3A_522 = tpu.memref_slice %arg3[%dma_start3A_515, %add3A_514] : memref<2x320000xi32, #tpu.memory_space<hbm>> -> memref<1x16000xi32, #tpu.memory_space<hbm>>
    %dma_start3A_523 = tpu.memref_squeeze %dma_start3A_522 : memref<1x16000xi32, #tpu.memory_space<hbm>> -> memref<16000xi32, #tpu.memory_space<hbm>>
    %dma_start3A_524 = tpu.memref_slice %arg9[%dma_start3A_517, %dma_start3A_518] : memref<2x2x!tpu.dma_semaphore, #tpu.memory_space<semaphore_mem>> -> memref<1x1x!tpu.dma_semaphore, #tpu.memory_space<semaphore_mem>>
    %dma_start3A_525 = tpu.memref_squeeze %dma_start3A_524 : memref<1x1x!tpu.dma_semaphore, #tpu.memory_space<semaphore_mem>> -> memref<!tpu.dma_semaphore, #tpu.memory_space<semaphore_mem>>
    %dma_start3A_526 = arith.constant 0 : i32
    %dma_start3A_527 = tpu.memref_slice %arg8[%dma_start3A_516, %dma_start3A_526] : memref<2x16000xi32, #tpu.memory_space<vmem>> -> memref<1x16000xi32, #tpu.memory_space<vmem>>
    %dma_start3A_528 = tpu.memref_squeeze %dma_start3A_527 : memref<1x16000xi32, #tpu.memory_space<vmem>> -> memref<16000xi32, #tpu.memory_space<vmem>>
    %dma_start3A_529 = tpu.memref_slice %arg3[%dma_start3A_515, %add3A_514] : memref<2x320000xi32, #tpu.memory_space<hbm>> -> memref<1x16000xi32, #tpu.memory_space<hbm>>
    %dma_start3A_530 = tpu.memref_squeeze %dma_start3A_529 : memref<1x16000xi32, #tpu.memory_space<hbm>> -> memref<16000xi32, #tpu.memory_space<hbm>>
    tpu.enqueue_dma source(%dma_start3A_530 : memref<16000xi32, #tpu.memory_space<hbm>>) target(%dma_start3A_528 : memref<16000xi32, #tpu.memory_space<vmem>>) target_semaphore(%dma_start3A_525 : memref<!tpu.dma_semaphore, #tpu.memory_space<semaphore_mem>>)
    %dma_start3A_531 = arith.constant 0 : i32
    %dma_start3A_532 = arith.constant 0 : i32
    %dma_start3A_533 = arith.constant 1 : i32
    %dma_start3A_534 = arith.constant 0 : i32
    %dma_start3A_535 = tpu.memref_slice %arg7[%dma_start3A_531, %dma_start3A_534] : memref<2x16000xf32, #tpu.memory_space<vmem>> -> memref<1x16000xf32, #tpu.memory_space<vmem>>
    %dma_start3A_536 = tpu.memref_squeeze %dma_start3A_535 : memref<1x16000xf32, #tpu.memory_space<vmem>> -> memref<16000xf32, #tpu.memory_space<vmem>>
    %dma_start3A_537 = tpu.memref_slice %arg2[%arg1, %add3A_514] : memref<16x320000xf32, #tpu.memory_space<hbm>> -> memref<1x16000xf32, #tpu.memory_space<hbm>>
    %dma_start3A_538 = tpu.memref_squeeze %dma_start3A_537 : memref<1x16000xf32, #tpu.memory_space<hbm>> -> memref<16000xf32, #tpu.memory_space<hbm>>
    %dma_start3A_539 = tpu.memref_slice %arg9[%dma_start3A_532, %dma_start3A_533] : memref<2x2x!tpu.dma_semaphore, #tpu.memory_space<semaphore_mem>> -> memref<1x1x!tpu.dma_semaphore, #tpu.memory_space<semaphore_mem>>
    %dma_start3A_540 = tpu.memref_squeeze %dma_start3A_539 : memref<1x1x!tpu.dma_semaphore, #tpu.memory_space<semaphore_mem>> -> memref<!tpu.dma_semaphore, #tpu.memory_space<semaphore_mem>>
    %dma_start3A_541 = arith.constant 0 : i32
    %dma_start3A_542 = tpu.memref_slice %arg7[%dma_start3A_531, %dma_start3A_541] : memref<2x16000xf32, #tpu.memory_space<vmem>> -> memref<1x16000xf32, #tpu.memory_space<vmem>>
    %dma_start3A_543 = tpu.memref_squeeze %dma_start3A_542 : memref<1x16000xf32, #tpu.memory_space<vmem>> -> memref<16000xf32, #tpu.memory_space<vmem>>
    %dma_start3A_544 = tpu.memref_slice %arg2[%arg1, %add3A_514] : memref<16x320000xf32, #tpu.memory_space<hbm>> -> memref<1x16000xf32, #tpu.memory_space<hbm>>
    %dma_start3A_545 = tpu.memref_squeeze %dma_start3A_544 : memref<1x16000xf32, #tpu.memory_space<hbm>> -> memref<16000xf32, #tpu.memory_space<hbm>>
    tpu.enqueue_dma source(%dma_start3A_545 : memref<16000xf32, #tpu.memory_space<hbm>>) target(%dma_start3A_543 : memref<16000xf32, #tpu.memory_space<vmem>>) target_semaphore(%dma_start3A_540 : memref<!tpu.dma_semaphore, #tpu.memory_space<semaphore_mem>>)
    %add3A_546 = arith.constant 112000 : i32
    %add3A_547 = arith.addi %mul3A_0, %add3A_546 : i32
    %dma_wait3A_548 = arith.constant 1 : i32
    %dma_wait3A_549 = arith.constant 1 : i32
    %dma_wait3A_550 = arith.constant 1 : i32
    %dma_wait3A_551 = arith.constant 0 : i32
    %dma_wait3A_552 = arith.constant 0 : i32
    %dma_wait3A_553 = tpu.memref_slice %arg8[%dma_wait3A_549, %dma_wait3A_552] : memref<2x16000xi32, #tpu.memory_space<vmem>> -> memref<1x16000xi32, #tpu.memory_space<vmem>>
    %dma_wait3A_554 = tpu.memref_squeeze %dma_wait3A_553 : memref<1x16000xi32, #tpu.memory_space<vmem>> -> memref<16000xi32, #tpu.memory_space<vmem>>
    %dma_wait3A_555 = tpu.memref_slice %arg3[%dma_wait3A_548, %add3A_547] : memref<2x320000xi32, #tpu.memory_space<hbm>> -> memref<1x16000xi32, #tpu.memory_space<hbm>>
    %dma_wait3A_556 = tpu.memref_squeeze %dma_wait3A_555 : memref<1x16000xi32, #tpu.memory_space<hbm>> -> memref<16000xi32, #tpu.memory_space<hbm>>
    %dma_wait3A_557 = tpu.memref_slice %arg9[%dma_wait3A_550, %dma_wait3A_551] : memref<2x2x!tpu.dma_semaphore, #tpu.memory_space<semaphore_mem>> -> memref<1x1x!tpu.dma_semaphore, #tpu.memory_space<semaphore_mem>>
    %dma_wait3A_558 = tpu.memref_squeeze %dma_wait3A_557 : memref<1x1x!tpu.dma_semaphore, #tpu.memory_space<semaphore_mem>> -> memref<!tpu.dma_semaphore, #tpu.memory_space<semaphore_mem>>
    %dma_wait3A_559 = arith.constant 0 : i32
    %dma_wait3A_560 = tpu.memref_slice %arg8[%dma_wait3A_549, %dma_wait3A_559] : memref<2x16000xi32, #tpu.memory_space<vmem>> -> memref<1x16000xi32, #tpu.memory_space<vmem>>
    %dma_wait3A_561 = tpu.memref_squeeze %dma_wait3A_560 : memref<1x16000xi32, #tpu.memory_space<vmem>> -> memref<16000xi32, #tpu.memory_space<vmem>>
    %dma_wait3A_562 = tpu.memref_slice %arg3[%dma_wait3A_548, %add3A_547] : memref<2x320000xi32, #tpu.memory_space<hbm>> -> memref<1x16000xi32, #tpu.memory_space<hbm>>
    %dma_wait3A_563 = tpu.memref_squeeze %dma_wait3A_562 : memref<1x16000xi32, #tpu.memory_space<hbm>> -> memref<16000xi32, #tpu.memory_space<hbm>>
    tpu.wait_dma2 semaphore(%dma_wait3A_558 : memref<!tpu.dma_semaphore, #tpu.memory_space<semaphore_mem>>) src(%dma_wait3A_563 : memref<16000xi32, #tpu.memory_space<hbm>>) dst(%dma_wait3A_561 : memref<16000xi32, #tpu.memory_space<vmem>>)
    %dma_wait3A_564 = arith.constant 1 : i32
    %dma_wait3A_565 = arith.constant 1 : i32
    %dma_wait3A_566 = arith.constant 1 : i32
    %dma_wait3A_567 = arith.constant 0 : i32
    %dma_wait3A_568 = tpu.memref_slice %arg7[%dma_wait3A_564, %dma_wait3A_567] : memref<2x16000xf32, #tpu.memory_space<vmem>> -> memref<1x16000xf32, #tpu.memory_space<vmem>>
    %dma_wait3A_569 = tpu.memref_squeeze %dma_wait3A_568 : memref<1x16000xf32, #tpu.memory_space<vmem>> -> memref<16000xf32, #tpu.memory_space<vmem>>
    %dma_wait3A_570 = tpu.memref_slice %arg2[%arg1, %add3A_547] : memref<16x320000xf32, #tpu.memory_space<hbm>> -> memref<1x16000xf32, #tpu.memory_space<hbm>>
    %dma_wait3A_571 = tpu.memref_squeeze %dma_wait3A_570 : memref<1x16000xf32, #tpu.memory_space<hbm>> -> memref<16000xf32, #tpu.memory_space<hbm>>
    %dma_wait3A_572 = tpu.memref_slice %arg9[%dma_wait3A_565, %dma_wait3A_566] : memref<2x2x!tpu.dma_semaphore, #tpu.memory_space<semaphore_mem>> -> memref<1x1x!tpu.dma_semaphore, #tpu.memory_space<semaphore_mem>>
    %dma_wait3A_573 = tpu.memref_squeeze %dma_wait3A_572 : memref<1x1x!tpu.dma_semaphore, #tpu.memory_space<semaphore_mem>> -> memref<!tpu.dma_semaphore, #tpu.memory_space<semaphore_mem>>
    %dma_wait3A_574 = arith.constant 0 : i32
    %dma_wait3A_575 = tpu.memref_slice %arg7[%dma_wait3A_564, %dma_wait3A_574] : memref<2x16000xf32, #tpu.memory_space<vmem>> -> memref<1x16000xf32, #tpu.memory_space<vmem>>
    %dma_wait3A_576 = tpu.memref_squeeze %dma_wait3A_575 : memref<1x16000xf32, #tpu.memory_space<vmem>> -> memref<16000xf32, #tpu.memory_space<vmem>>
    %dma_wait3A_577 = tpu.memref_slice %arg2[%arg1, %add3A_547] : memref<16x320000xf32, #tpu.memory_space<hbm>> -> memref<1x16000xf32, #tpu.memory_space<hbm>>
    %dma_wait3A_578 = tpu.memref_squeeze %dma_wait3A_577 : memref<1x16000xf32, #tpu.memory_space<hbm>> -> memref<16000xf32, #tpu.memory_space<hbm>>
    tpu.wait_dma2 semaphore(%dma_wait3A_573 : memref<!tpu.dma_semaphore, #tpu.memory_space<semaphore_mem>>) src(%dma_wait3A_578 : memref<16000xf32, #tpu.memory_space<hbm>>) dst(%dma_wait3A_576 : memref<16000xf32, #tpu.memory_space<vmem>>)
    %parallel_loop3A_579 = arith.constant 0 : i32
    %parallel_loop3A_580 = arith.constant 16000 : i32
    %parallel_loop3A_581 = arith.constant 16 : i32
    scf.for %parallel_loop3A_687 = %parallel_loop3A_579 to %parallel_loop3A_580 step %parallel_loop3A_581  : i32 {
      %parallel_loop3A_688 = arith.constant 1 : i32
      %parallel_loop3A_689 = arith.index_cast %parallel_loop3A_688 : i32 to index
      %parallel_loop3A_690 = arith.index_cast %parallel_loop3A_687 : i32 to index
      %parallel_loop3A_691 = tpu.vector_load %arg8[%parallel_loop3A_689, %parallel_loop3A_690] {strides = array<i32>} : memref<2x16000xi32, #tpu.memory_space<vmem>>, vector<16xi32>,
      %parallel_loop3A_692 = arith.constant 1 : i32
      %parallel_loop3A_693 = arith.index_cast %parallel_loop3A_692 : i32 to index
      %parallel_loop3A_694 = arith.index_cast %parallel_loop3A_687 : i32 to index
      %parallel_loop3A_695 = tpu.vector_load %arg7[%parallel_loop3A_693, %parallel_loop3A_694] {strides = array<i32>} : memref<2x16000xf32, #tpu.memory_space<vmem>>, vector<16xf32>,
      tpu.vector_store_idx %arg6[%parallel_loop3A_691], %parallel_loop3A_695 {add = true} : memref<10240xf32, #tpu.memory_space<vmem>>[vector<16xi32>], vector<16xf32>,
    } {sc.loop_unroll_factor = 16 : i64, sc.parallel_access}
    %add3A_582 = arith.constant 144000 : i32
    %add3A_583 = arith.addi %mul3A_0, %add3A_582 : i32
    %dma_start3A_584 = arith.constant 1 : i32
    %dma_start3A_585 = arith.constant 1 : i32
    %dma_start3A_586 = arith.constant 1 : i32
    %dma_start3A_587 = arith.constant 0 : i32
    %dma_start3A_588 = arith.constant 0 : i32
    %dma_start3A_589 = tpu.memref_slice %arg8[%dma_start3A_585, %dma_start3A_588] : memref<2x16000xi32, #tpu.memory_space<vmem>> -> memref<1x16000xi32, #tpu.memory_space<vmem>>
    %dma_start3A_590 = tpu.memref_squeeze %dma_start3A_589 : memref<1x16000xi32, #tpu.memory_space<vmem>> -> memref<16000xi32, #tpu.memory_space<vmem>>
    %dma_start3A_591 = tpu.memref_slice %arg3[%dma_start3A_584, %add3A_583] : memref<2x320000xi32, #tpu.memory_space<hbm>> -> memref<1x16000xi32, #tpu.memory_space<hbm>>
    %dma_start3A_592 = tpu.memref_squeeze %dma_start3A_591 : memref<1x16000xi32, #tpu.memory_space<hbm>> -> memref<16000xi32, #tpu.memory_space<hbm>>
    %dma_start3A_593 = tpu.memref_slice %arg9[%dma_start3A_586, %dma_start3A_587] : memref<2x2x!tpu.dma_semaphore, #tpu.memory_space<semaphore_mem>> -> memref<1x1x!tpu.dma_semaphore, #tpu.memory_space<semaphore_mem>>
    %dma_start3A_594 = tpu.memref_squeeze %dma_start3A_593 : memref<1x1x!tpu.dma_semaphore, #tpu.memory_space<semaphore_mem>> -> memref<!tpu.dma_semaphore, #tpu.memory_space<semaphore_mem>>
    %dma_start3A_595 = arith.constant 0 : i32
    %dma_start3A_596 = tpu.memref_slice %arg8[%dma_start3A_585, %dma_start3A_595] : memref<2x16000xi32, #tpu.memory_space<vmem>> -> memref<1x16000xi32, #tpu.memory_space<vmem>>
    %dma_start3A_597 = tpu.memref_squeeze %dma_start3A_596 : memref<1x16000xi32, #tpu.memory_space<vmem>> -> memref<16000xi32, #tpu.memory_space<vmem>>
    %dma_start3A_598 = tpu.memref_slice %arg3[%dma_start3A_584, %add3A_583] : memref<2x320000xi32, #tpu.memory_space<hbm>> -> memref<1x16000xi32, #tpu.memory_space<hbm>>
    %dma_start3A_599 = tpu.memref_squeeze %dma_start3A_598 : memref<1x16000xi32, #tpu.memory_space<hbm>> -> memref<16000xi32, #tpu.memory_space<hbm>>
    tpu.enqueue_dma source(%dma_start3A_599 : memref<16000xi32, #tpu.memory_space<hbm>>) target(%dma_start3A_597 : memref<16000xi32, #tpu.memory_space<vmem>>) target_semaphore(%dma_start3A_594 : memref<!tpu.dma_semaphore, #tpu.memory_space<semaphore_mem>>)
    %dma_start3A_600 = arith.constant 1 : i32
    %dma_start3A_601 = arith.constant 1 : i32
    %dma_start3A_602 = arith.constant 1 : i32
    %dma_start3A_603 = arith.constant 0 : i32
    %dma_start3A_604 = tpu.memref_slice %arg7[%dma_start3A_600, %dma_start3A_603] : memref<2x16000xf32, #tpu.memory_space<vmem>> -> memref<1x16000xf32, #tpu.memory_space<vmem>>
    %dma_start3A_605 = tpu.memref_squeeze %dma_start3A_604 : memref<1x16000xf32, #tpu.memory_space<vmem>> -> memref<16000xf32, #tpu.memory_space<vmem>>
    %dma_start3A_606 = tpu.memref_slice %arg2[%arg1, %add3A_583] : memref<16x320000xf32, #tpu.memory_space<hbm>> -> memref<1x16000xf32, #tpu.memory_space<hbm>>
    %dma_start3A_607 = tpu.memref_squeeze %dma_start3A_606 : memref<1x16000xf32, #tpu.memory_space<hbm>> -> memref<16000xf32, #tpu.memory_space<hbm>>
    %dma_start3A_608 = tpu.memref_slice %arg9[%dma_start3A_601, %dma_start3A_602] : memref<2x2x!tpu.dma_semaphore, #tpu.memory_space<semaphore_mem>> -> memref<1x1x!tpu.dma_semaphore, #tpu.memory_space<semaphore_mem>>
    %dma_start3A_609 = tpu.memref_squeeze %dma_start3A_608 : memref<1x1x!tpu.dma_semaphore, #tpu.memory_space<semaphore_mem>> -> memref<!tpu.dma_semaphore, #tpu.memory_space<semaphore_mem>>
    %dma_start3A_610 = arith.constant 0 : i32
    %dma_start3A_611 = tpu.memref_slice %arg7[%dma_start3A_600, %dma_start3A_610] : memref<2x16000xf32, #tpu.memory_space<vmem>> -> memref<1x16000xf32, #tpu.memory_space<vmem>>
    %dma_start3A_612 = tpu.memref_squeeze %dma_start3A_611 : memref<1x16000xf32, #tpu.memory_space<vmem>> -> memref<16000xf32, #tpu.memory_space<vmem>>
    %dma_start3A_613 = tpu.memref_slice %arg2[%arg1, %add3A_583] : memref<16x320000xf32, #tpu.memory_space<hbm>> -> memref<1x16000xf32, #tpu.memory_space<hbm>>
    %dma_start3A_614 = tpu.memref_squeeze %dma_start3A_613 : memref<1x16000xf32, #tpu.memory_space<hbm>> -> memref<16000xf32, #tpu.memory_space<hbm>>
    tpu.enqueue_dma source(%dma_start3A_614 : memref<16000xf32, #tpu.memory_space<hbm>>) target(%dma_start3A_612 : memref<16000xf32, #tpu.memory_space<vmem>>) target_semaphore(%dma_start3A_609 : memref<!tpu.dma_semaphore, #tpu.memory_space<semaphore_mem>>)
    %add3A_615 = arith.constant 128000 : i32
    %add3A_616 = arith.addi %mul3A_0, %add3A_615 : i32
    %dma_wait3A_617 = arith.constant 1 : i32
    %dma_wait3A_618 = arith.constant 0 : i32
    %dma_wait3A_619 = arith.constant 0 : i32
    %dma_wait3A_620 = arith.constant 0 : i32
    %dma_wait3A_621 = arith.constant 0 : i32
    %dma_wait3A_622 = tpu.memref_slice %arg8[%dma_wait3A_618, %dma_wait3A_621] : memref<2x16000xi32, #tpu.memory_space<vmem>> -> memref<1x16000xi32, #tpu.memory_space<vmem>>
    %dma_wait3A_623 = tpu.memref_squeeze %dma_wait3A_622 : memref<1x16000xi32, #tpu.memory_space<vmem>> -> memref<16000xi32, #tpu.memory_space<vmem>>
    %dma_wait3A_624 = tpu.memref_slice %arg3[%dma_wait3A_617, %add3A_616] : memref<2x320000xi32, #tpu.memory_space<hbm>> -> memref<1x16000xi32, #tpu.memory_space<hbm>>
    %dma_wait3A_625 = tpu.memref_squeeze %dma_wait3A_624 : memref<1x16000xi32, #tpu.memory_space<hbm>> -> memref<16000xi32, #tpu.memory_space<hbm>>
    %dma_wait3A_626 = tpu.memref_slice %arg9[%dma_wait3A_619, %dma_wait3A_620] : memref<2x2x!tpu.dma_semaphore, #tpu.memory_space<semaphore_mem>> -> memref<1x1x!tpu.dma_semaphore, #tpu.memory_space<semaphore_mem>>
    %dma_wait3A_627 = tpu.memref_squeeze %dma_wait3A_626 : memref<1x1x!tpu.dma_semaphore, #tpu.memory_space<semaphore_mem>> -> memref<!tpu.dma_semaphore, #tpu.memory_space<semaphore_mem>>
    %dma_wait3A_628 = arith.constant 0 : i32
    %dma_wait3A_629 = tpu.memref_slice %arg8[%dma_wait3A_618, %dma_wait3A_628] : memref<2x16000xi32, #tpu.memory_space<vmem>> -> memref<1x16000xi32, #tpu.memory_space<vmem>>
    %dma_wait3A_630 = tpu.memref_squeeze %dma_wait3A_629 : memref<1x16000xi32, #tpu.memory_space<vmem>> -> memref<16000xi32, #tpu.memory_space<vmem>>
    %dma_wait3A_631 = tpu.memref_slice %arg3[%dma_wait3A_617, %add3A_616] : memref<2x320000xi32, #tpu.memory_space<hbm>> -> memref<1x16000xi32, #tpu.memory_space<hbm>>
    %dma_wait3A_632 = tpu.memref_squeeze %dma_wait3A_631 : memref<1x16000xi32, #tpu.memory_space<hbm>> -> memref<16000xi32, #tpu.memory_space<hbm>>
    tpu.wait_dma2 semaphore(%dma_wait3A_627 : memref<!tpu.dma_semaphore, #tpu.memory_space<semaphore_mem>>) src(%dma_wait3A_632 : memref<16000xi32, #tpu.memory_space<hbm>>) dst(%dma_wait3A_630 : memref<16000xi32, #tpu.memory_space<vmem>>)
    %dma_wait3A_633 = arith.constant 0 : i32
    %dma_wait3A_634 = arith.constant 0 : i32
    %dma_wait3A_635 = arith.constant 1 : i32
    %dma_wait3A_636 = arith.constant 0 : i32
    %dma_wait3A_637 = tpu.memref_slice %arg7[%dma_wait3A_633, %dma_wait3A_636] : memref<2x16000xf32, #tpu.memory_space<vmem>> -> memref<1x16000xf32, #tpu.memory_space<vmem>>
    %dma_wait3A_638 = tpu.memref_squeeze %dma_wait3A_637 : memref<1x16000xf32, #tpu.memory_space<vmem>> -> memref<16000xf32, #tpu.memory_space<vmem>>
    %dma_wait3A_639 = tpu.memref_slice %arg2[%arg1, %add3A_616] : memref<16x320000xf32, #tpu.memory_space<hbm>> -> memref<1x16000xf32, #tpu.memory_space<hbm>>
    %dma_wait3A_640 = tpu.memref_squeeze %dma_wait3A_639 : memref<1x16000xf32, #tpu.memory_space<hbm>> -> memref<16000xf32, #tpu.memory_space<hbm>>
    %dma_wait3A_641 = tpu.memref_slice %arg9[%dma_wait3A_634, %dma_wait3A_635] : memref<2x2x!tpu.dma_semaphore, #tpu.memory_space<semaphore_mem>> -> memref<1x1x!tpu.dma_semaphore, #tpu.memory_space<semaphore_mem>>
    %dma_wait3A_642 = tpu.memref_squeeze %dma_wait3A_641 : memref<1x1x!tpu.dma_semaphore, #tpu.memory_space<semaphore_mem>> -> memref<!tpu.dma_semaphore, #tpu.memory_space<semaphore_mem>>
    %dma_wait3A_643 = arith.constant 0 : i32
    %dma_wait3A_644 = tpu.memref_slice %arg7[%dma_wait3A_633, %dma_wait3A_643] : memref<2x16000xf32, #tpu.memory_space<vmem>> -> memref<1x16000xf32, #tpu.memory_space<vmem>>
    %dma_wait3A_645 = tpu.memref_squeeze %dma_wait3A_644 : memref<1x16000xf32, #tpu.memory_space<vmem>> -> memref<16000xf32, #tpu.memory_space<vmem>>
    %dma_wait3A_646 = tpu.memref_slice %arg2[%arg1, %add3A_616] : memref<16x320000xf32, #tpu.memory_space<hbm>> -> memref<1x16000xf32, #tpu.memory_space<hbm>>
    %dma_wait3A_647 = tpu.memref_squeeze %dma_wait3A_646 : memref<1x16000xf32, #tpu.memory_space<hbm>> -> memref<16000xf32, #tpu.memory_space<hbm>>
    tpu.wait_dma2 semaphore(%dma_wait3A_642 : memref<!tpu.dma_semaphore, #tpu.memory_space<semaphore_mem>>) src(%dma_wait3A_647 : memref<16000xf32, #tpu.memory_space<hbm>>) dst(%dma_wait3A_645 : memref<16000xf32, #tpu.memory_space<vmem>>)
    %parallel_loop3A_648 = arith.constant 0 : i32
    %parallel_loop3A_649 = arith.constant 16000 : i32
    %parallel_loop3A_650 = arith.constant 16 : i32
    scf.for %parallel_loop3A_687 = %parallel_loop3A_648 to %parallel_loop3A_649 step %parallel_loop3A_650  : i32 {
      %parallel_loop3A_688 = arith.constant 0 : i32
      %parallel_loop3A_689 = arith.index_cast %parallel_loop3A_688 : i32 to index
      %parallel_loop3A_690 = arith.index_cast %parallel_loop3A_687 : i32 to index
      %parallel_loop3A_691 = tpu.vector_load %arg8[%parallel_loop3A_689, %parallel_loop3A_690] {strides = array<i32>} : memref<2x16000xi32, #tpu.memory_space<vmem>>, vector<16xi32>,
      %parallel_loop3A_692 = arith.constant 0 : i32
      %parallel_loop3A_693 = arith.index_cast %parallel_loop3A_692 : i32 to index
      %parallel_loop3A_694 = arith.index_cast %parallel_loop3A_687 : i32 to index
      %parallel_loop3A_695 = tpu.vector_load %arg7[%parallel_loop3A_693, %parallel_loop3A_694] {strides = array<i32>} : memref<2x16000xf32, #tpu.memory_space<vmem>>, vector<16xf32>,
      tpu.vector_store_idx %arg6[%parallel_loop3A_691], %parallel_loop3A_695 {add = true} : memref<10240xf32, #tpu.memory_space<vmem>>[vector<16xi32>], vector<16xf32>,
    } {sc.loop_unroll_factor = 16 : i64, sc.parallel_access}
    %add3A_651 = arith.constant 144000 : i32
    %add3A_652 = arith.addi %mul3A_0, %add3A_651 : i32
    %dma_wait3A_653 = arith.constant 1 : i32
    %dma_wait3A_654 = arith.constant 1 : i32
    %dma_wait3A_655 = arith.constant 1 : i32
    %dma_wait3A_656 = arith.constant 0 : i32
    %dma_wait3A_657 = arith.constant 0 : i32
    %dma_wait3A_658 = tpu.memref_slice %arg8[%dma_wait3A_654, %dma_wait3A_657] : memref<2x16000xi32, #tpu.memory_space<vmem>> -> memref<1x16000xi32, #tpu.memory_space<vmem>>
    %dma_wait3A_659 = tpu.memref_squeeze %dma_wait3A_658 : memref<1x16000xi32, #tpu.memory_space<vmem>> -> memref<16000xi32, #tpu.memory_space<vmem>>
    %dma_wait3A_660 = tpu.memref_slice %arg3[%dma_wait3A_653, %add3A_652] : memref<2x320000xi32, #tpu.memory_space<hbm>> -> memref<1x16000xi32, #tpu.memory_space<hbm>>
    %dma_wait3A_661 = tpu.memref_squeeze %dma_wait3A_660 : memref<1x16000xi32, #tpu.memory_space<hbm>> -> memref<16000xi32, #tpu.memory_space<hbm>>
    %dma_wait3A_662 = tpu.memref_slice %arg9[%dma_wait3A_655, %dma_wait3A_656] : memref<2x2x!tpu.dma_semaphore, #tpu.memory_space<semaphore_mem>> -> memref<1x1x!tpu.dma_semaphore, #tpu.memory_space<semaphore_mem>>
    %dma_wait3A_663 = tpu.memref_squeeze %dma_wait3A_662 : memref<1x1x!tpu.dma_semaphore, #tpu.memory_space<semaphore_mem>> -> memref<!tpu.dma_semaphore, #tpu.memory_space<semaphore_mem>>
    %dma_wait3A_664 = arith.constant 0 : i32
    %dma_wait3A_665 = tpu.memref_slice %arg8[%dma_wait3A_654, %dma_wait3A_664] : memref<2x16000xi32, #tpu.memory_space<vmem>> -> memref<1x16000xi32, #tpu.memory_space<vmem>>
    %dma_wait3A_666 = tpu.memref_squeeze %dma_wait3A_665 : memref<1x16000xi32, #tpu.memory_space<vmem>> -> memref<16000xi32, #tpu.memory_space<vmem>>
    %dma_wait3A_667 = tpu.memref_slice %arg3[%dma_wait3A_653, %add3A_652] : memref<2x320000xi32, #tpu.memory_space<hbm>> -> memref<1x16000xi32, #tpu.memory_space<hbm>>
    %dma_wait3A_668 = tpu.memref_squeeze %dma_wait3A_667 : memref<1x16000xi32, #tpu.memory_space<hbm>> -> memref<16000xi32, #tpu.memory_space<hbm>>
    tpu.wait_dma2 semaphore(%dma_wait3A_663 : memref<!tpu.dma_semaphore, #tpu.memory_space<semaphore_mem>>) src(%dma_wait3A_668 : memref<16000xi32, #tpu.memory_space<hbm>>) dst(%dma_wait3A_666 : memref<16000xi32, #tpu.memory_space<vmem>>)
    %dma_wait3A_669 = arith.constant 1 : i32
    %dma_wait3A_670 = arith.constant 1 : i32
    %dma_wait3A_671 = arith.constant 1 : i32
    %dma_wait3A_672 = arith.constant 0 : i32
    %dma_wait3A_673 = tpu.memref_slice %arg7[%dma_wait3A_669, %dma_wait3A_672] : memref<2x16000xf32, #tpu.memory_space<vmem>> -> memref<1x16000xf32, #tpu.memory_space<vmem>>
    %dma_wait3A_674 = tpu.memref_squeeze %dma_wait3A_673 : memref<1x16000xf32, #tpu.memory_space<vmem>> -> memref<16000xf32, #tpu.memory_space<vmem>>
    %dma_wait3A_675 = tpu.memref_slice %arg2[%arg1, %add3A_652] : memref<16x320000xf32, #tpu.memory_space<hbm>> -> memref<1x16000xf32, #tpu.memory_space<hbm>>
    %dma_wait3A_676 = tpu.memref_squeeze %dma_wait3A_675 : memref<1x16000xf32, #tpu.memory_space<hbm>> -> memref<16000xf32, #tpu.memory_space<hbm>>
    %dma_wait3A_677 = tpu.memref_slice %arg9[%dma_wait3A_670, %dma_wait3A_671] : memref<2x2x!tpu.dma_semaphore, #tpu.memory_space<semaphore_mem>> -> memref<1x1x!tpu.dma_semaphore, #tpu.memory_space<semaphore_mem>>
    %dma_wait3A_678 = tpu.memref_squeeze %dma_wait3A_677 : memref<1x1x!tpu.dma_semaphore, #tpu.memory_space<semaphore_mem>> -> memref<!tpu.dma_semaphore, #tpu.memory_space<semaphore_mem>>
    %dma_wait3A_679 = arith.constant 0 : i32
    %dma_wait3A_680 = tpu.memref_slice %arg7[%dma_wait3A_669, %dma_wait3A_679] : memref<2x16000xf32, #tpu.memory_space<vmem>> -> memref<1x16000xf32, #tpu.memory_space<vmem>>
    %dma_wait3A_681 = tpu.memref_squeeze %dma_wait3A_680 : memref<1x16000xf32, #tpu.memory_space<vmem>> -> memref<16000xf32, #tpu.memory_space<vmem>>
    %dma_wait3A_682 = tpu.memref_slice %arg2[%arg1, %add3A_652] : memref<16x320000xf32, #tpu.memory_space<hbm>> -> memref<1x16000xf32, #tpu.memory_space<hbm>>
    %dma_wait3A_683 = tpu.memref_squeeze %dma_wait3A_682 : memref<1x16000xf32, #tpu.memory_space<hbm>> -> memref<16000xf32, #tpu.memory_space<hbm>>
    tpu.wait_dma2 semaphore(%dma_wait3A_678 : memref<!tpu.dma_semaphore, #tpu.memory_space<semaphore_mem>>) src(%dma_wait3A_683 : memref<16000xf32, #tpu.memory_space<hbm>>) dst(%dma_wait3A_681 : memref<16000xf32, #tpu.memory_space<vmem>>)
    %parallel_loop3A_684 = arith.constant 0 : i32
    %parallel_loop3A_685 = arith.constant 16000 : i32
    %parallel_loop3A_686 = arith.constant 16 : i32
    scf.for %parallel_loop3A_687 = %parallel_loop3A_684 to %parallel_loop3A_685 step %parallel_loop3A_686  : i32 {
      %parallel_loop3A_688 = arith.constant 1 : i32
      %parallel_loop3A_689 = arith.index_cast %parallel_loop3A_688 : i32 to index
      %parallel_loop3A_690 = arith.index_cast %parallel_loop3A_687 : i32 to index
      %parallel_loop3A_691 = tpu.vector_load %arg8[%parallel_loop3A_689, %parallel_loop3A_690] {strides = array<i32>} : memref<2x16000xi32, #tpu.memory_space<vmem>>, vector<16xi32>,
      %parallel_loop3A_692 = arith.constant 1 : i32
      %parallel_loop3A_693 = arith.index_cast %parallel_loop3A_692 : i32 to index
      %parallel_loop3A_694 = arith.index_cast %parallel_loop3A_687 : i32 to index
      %parallel_loop3A_695 = tpu.vector_load %arg7[%parallel_loop3A_693, %parallel_loop3A_694] {strides = array<i32>} : memref<2x16000xf32, #tpu.memory_space<vmem>>, vector<16xf32>,
      tpu.vector_store_idx %arg6[%parallel_loop3A_691], %parallel_loop3A_695 {add = true} : memref<10240xf32, #tpu.memory_space<vmem>>[vector<16xi32>], vector<16xf32>,
    } {sc.loop_unroll_factor = 16 : i64, sc.parallel_access}
    "tpu.region"() ({
      %run_scoped3A = tpu.sem_alloc : memref<!tpu.dma_semaphore, #tpu.memory_space<semaphore_mem>>
      %dma_start3A_687 = arith.constant 0 : i32
      %dma_start3A_688 = tpu.memref_slice %arg5[%arg0, %arg1, %dma_start3A_687] : memref<2x16x10240xf32, #tpu.memory_space<hbm>> -> memref<1x1x10240xf32, #tpu.memory_space<hbm>>
      %dma_start3A_689 = tpu.memref_squeeze %dma_start3A_688 : memref<1x1x10240xf32, #tpu.memory_space<hbm>> -> memref<10240xf32, #tpu.memory_space<hbm>>
      %dma_start3A_690 = arith.constant 0 : i32
      %dma_start3A_691 = tpu.memref_slice %arg5[%arg0, %arg1, %dma_start3A_690] : memref<2x16x10240xf32, #tpu.memory_space<hbm>> -> memref<1x1x10240xf32, #tpu.memory_space<hbm>>
      %dma_start3A_692 = tpu.memref_squeeze %dma_start3A_691 : memref<1x1x10240xf32, #tpu.memory_space<hbm>> -> memref<10240xf32, #tpu.memory_space<hbm>>
      tpu.enqueue_dma source(%arg6 : memref<10240xf32, #tpu.memory_space<vmem>>) target(%dma_start3A_692 : memref<10240xf32, #tpu.memory_space<hbm>>) target_semaphore(%run_scoped3A : memref<!tpu.dma_semaphore, #tpu.memory_space<semaphore_mem>>)
      %dma_wait3A_693 = arith.constant 0 : i32
      %dma_wait3A_694 = tpu.memref_slice %arg5[%arg0, %arg1, %dma_wait3A_693] : memref<2x16x10240xf32, #tpu.memory_space<hbm>> -> memref<1x1x10240xf32, #tpu.memory_space<hbm>>
      %dma_wait3A_695 = tpu.memref_squeeze %dma_wait3A_694 : memref<1x1x10240xf32, #tpu.memory_space<hbm>> -> memref<10240xf32, #tpu.memory_space<hbm>>
      %dma_wait3A_696 = arith.constant 0 : i32
      %dma_wait3A_697 = tpu.memref_slice %arg5[%arg0, %arg1, %dma_wait3A_696] : memref<2x16x10240xf32, #tpu.memory_space<hbm>> -> memref<1x1x10240xf32, #tpu.memory_space<hbm>>
      %dma_wait3A_698 = tpu.memref_squeeze %dma_wait3A_697 : memref<1x1x10240xf32, #tpu.memory_space<hbm>> -> memref<10240xf32, #tpu.memory_space<hbm>>
      tpu.wait_dma2 semaphore(%run_scoped3A : memref<!tpu.dma_semaphore, #tpu.memory_space<semaphore_mem>>) src(%arg6 : memref<10240xf32, #tpu.memory_space<vmem>>) dst(%dma_wait3A_698 : memref<10240xf32, #tpu.memory_space<hbm>>)
      tpu.yield
    }) : () -> ()
    return
  }
}

module attributes {stable_mosaic.version = 14 : i64} {
  func.func @_tc_mlp_body(%arg0: i32, %arg1: memref<2560x128xf32, #tpu.memory_space<vmem>>, %arg2: memref<16x2560xf32, #tpu.memory_space<vmem>>, %arg3: memref<16x2560xf32, #tpu.memory_space<vmem>>, %arg4: memref<128x128xf32, #tpu.memory_space<vmem>>, %arg5: memref<16x128xf32, #tpu.memory_space<vmem>>, %arg6: memref<1x128xf32, #tpu.memory_space<vmem>>, %arg7: memref<128x128xf32, #tpu.memory_space<vmem>>, %arg8: memref<1x128xf32, #tpu.memory_space<vmem>>, %arg9: memref<128x128xf32, #tpu.memory_space<vmem>>, %arg10: memref<1x128xf32, #tpu.memory_space<vmem>>, %arg11: memref<1x128xf32, #tpu.memory_space<vmem>>, %arg12: memref<1x128xf32, #tpu.memory_space<vmem>>, %arg13: memref<2560x128xf32, #tpu.memory_space<vmem>>) attributes {dimension_semantics = [#tpu.dimension_semantics<arbitrary>], iteration_bounds = array<i64: 4>, scalar_prefetch = 0 : i64, scratch_operands = 0 : i64, tpu.core_type = #tpu.core_type<tc>, window_params = [{transform_indices = @transform_0, window_bounds = array<i64: 2560, 128>}, {transform_indices = @transform_1, window_bounds = array<i64: 16, 2560>}, {transform_indices = @transform_2, window_bounds = array<i64: 16, 2560>}, {pipeline_mode = #tpu.pipeline_mode<synchronous>, transform_indices = @transform_3, window_bounds = array<i64: 128, 128>}, {pipeline_mode = #tpu.pipeline_mode<synchronous>, transform_indices = @transform_4, window_bounds = array<i64: 16, 128>}, {pipeline_mode = #tpu.pipeline_mode<synchronous>, transform_indices = @transform_5, window_bounds = array<i64: 1, 128>}, {pipeline_mode = #tpu.pipeline_mode<synchronous>, transform_indices = @transform_6, window_bounds = array<i64: 128, 128>}, {pipeline_mode = #tpu.pipeline_mode<synchronous>, transform_indices = @transform_7, window_bounds = array<i64: 1, 128>}, {pipeline_mode = #tpu.pipeline_mode<synchronous>, transform_indices = @transform_8, window_bounds = array<i64: 128, 128>}, {pipeline_mode = #tpu.pipeline_mode<synchronous>, transform_indices = @transform_9, window_bounds = array<i64: 1, 128>}, {pipeline_mode = #tpu.pipeline_mode<synchronous>, transform_indices = @transform_10, window_bounds = array<i64: 1, 128>}, {pipeline_mode = #tpu.pipeline_mode<synchronous>, transform_indices = @transform_11, window_bounds = array<i64: 1, 128>}, {transform_indices = @transform_12, window_bounds = array<i64: 2560, 128>}]} {
    %get3A = arith.constant 0 : index
    %get3A_0 = arith.constant 0 : index
    %get3A_1 = vector.load %arg2[%get3A, %get3A_0] : memref<16x2560xf32, #tpu.memory_space<vmem>>, vector<16x2560xf32>
    %get3A_2 = arith.constant 0 : index
    %get3A_3 = arith.constant 0 : index
    %get3A_4 = vector.load %arg3[%get3A_2, %get3A_3] : memref<16x2560xf32, #tpu.memory_space<vmem>>, vector<16x2560xf32>
    %add3A = arith.addf %get3A_1, %get3A_4 : vector<16x2560xf32>
    %get3A_5 = arith.constant 0 : index
    %get3A_6 = arith.constant 0 : index
    %get3A_7 = vector.load %arg1[%get3A_5, %get3A_6] : memref<2560x128xf32, #tpu.memory_space<vmem>>, vector<2560x128xf32>
    %get3A_8 = arith.constant 0 : index
    %get3A_9 = arith.constant 0 : index
    %get3A_10 = vector.load %arg4[%get3A_8, %get3A_9] : memref<128x128xf32, #tpu.memory_space<vmem>>, vector<128x128xf32>
    %dot_general3A = arith.constant dense<0.000000e+00> : vector<2560x128xf32>
    %dot_general3A_11 = tpu.matmul %get3A_7, %get3A_10, %dot_general3A {dimension_numbers = #tpu.dot_dimension_numbers<[1], [0], [0], [1], [0, 0, 1, 1], [], []>, transpose_lhs_hint = false} : vector<2560x128xf32>, vector<128x128xf32>, vector<2560x128xf32> -> vector<2560x128xf32>
    %get3A_12 = arith.constant 0 : index
    %get3A_13 = arith.constant 0 : index
    %get3A_14 = vector.load %arg5[%get3A_12, %get3A_13] : memref<16x128xf32, #tpu.memory_space<vmem>>, vector<16x128xf32>
    %dot_general3A_15 = arith.constant dense<0.000000e+00> : vector<2560x128xf32>
    %dot_general3A_16 = tpu.matmul %add3A, %get3A_14, %dot_general3A_15 {dimension_numbers = #tpu.dot_dimension_numbers<[0], [0], [1], [1], [0, 1, 1, 1], [], []>, transpose_lhs_hint = false} : vector<16x2560xf32>, vector<16x128xf32>, vector<2560x128xf32> -> vector<2560x128xf32>
    %add3A_17 = arith.addf %dot_general3A_11, %dot_general3A_16 : vector<2560x128xf32>
    %get3A_18 = arith.constant 0 : index
    %get3A_19 = arith.constant 0 : index
    %get3A_20 = vector.load %arg6[%get3A_18, %get3A_19] : memref<1x128xf32, #tpu.memory_space<vmem>>, vector<1x128xf32>
    %add3A_21 = vector.broadcast %get3A_20 : vector<1x128xf32> to vector<2560x128xf32>
    %add3A_22 = arith.addf %add3A_17, %add3A_21 : vector<2560x128xf32>
    %max3A = arith.constant 0.000000e+00 : f32
    %max3A_23 = vector.broadcast %max3A : f32 to vector<2560x128xf32>
    %max3A_24 = arith.maximumf %add3A_22, %max3A_23 : vector<2560x128xf32>
    %get3A_25 = arith.constant 0 : index
    %get3A_26 = arith.constant 0 : index
    %get3A_27 = vector.load %arg7[%get3A_25, %get3A_26] : memref<128x128xf32, #tpu.memory_space<vmem>>, vector<128x128xf32>
    %dot_general3A_28 = arith.constant dense<0.000000e+00> : vector<2560x128xf32>
    %dot_general3A_29 = tpu.matmul %max3A_24, %get3A_27, %dot_general3A_28 {dimension_numbers = #tpu.dot_dimension_numbers<[1], [0], [0], [1], [0, 0, 1, 1], [], []>, transpose_lhs_hint = false} : vector<2560x128xf32>, vector<128x128xf32>, vector<2560x128xf32> -> vector<2560x128xf32>
    %get3A_30 = arith.constant 0 : index
    %get3A_31 = arith.constant 0 : index
    %get3A_32 = vector.load %arg8[%get3A_30, %get3A_31] : memref<1x128xf32, #tpu.memory_space<vmem>>, vector<1x128xf32>
    %add3A_33 = vector.broadcast %get3A_32 : vector<1x128xf32> to vector<2560x128xf32>
    %add3A_34 = arith.addf %dot_general3A_29, %add3A_33 : vector<2560x128xf32>
    %max3A_35 = arith.constant 0.000000e+00 : f32
    %max3A_36 = vector.broadcast %max3A_35 : f32 to vector<2560x128xf32>
    %max3A_37 = arith.maximumf %add3A_34, %max3A_36 : vector<2560x128xf32>
    %get3A_38 = arith.constant 0 : index
    %get3A_39 = arith.constant 0 : index
    %get3A_40 = vector.load %arg9[%get3A_38, %get3A_39] : memref<128x128xf32, #tpu.memory_space<vmem>>, vector<128x128xf32>
    %dot_general3A_41 = arith.constant dense<0.000000e+00> : vector<2560x128xf32>
    %dot_general3A_42 = tpu.matmul %max3A_37, %get3A_40, %dot_general3A_41 {dimension_numbers = #tpu.dot_dimension_numbers<[1], [0], [0], [1], [0, 0, 1, 1], [], []>, transpose_lhs_hint = false} : vector<2560x128xf32>, vector<128x128xf32>, vector<2560x128xf32> -> vector<2560x128xf32>
    %get3A_43 = arith.constant 0 : index
    %get3A_44 = arith.constant 0 : index
    %get3A_45 = vector.load %arg10[%get3A_43, %get3A_44] : memref<1x128xf32, #tpu.memory_space<vmem>>, vector<1x128xf32>
    %add3A_46 = vector.broadcast %get3A_45 : vector<1x128xf32> to vector<2560x128xf32>
    %add3A_47 = arith.addf %dot_general3A_42, %add3A_46 : vector<2560x128xf32>
    %reduce_sum3A = arith.constant dense<0.000000e+00> : vector<2560xf32>
    %reduce_sum3A_48 = vector.multi_reduction <add>, %add3A_47, %reduce_sum3A [1] : vector<2560x128xf32> to vector<2560xf32>
    %broadcast_in_dim3A = vector.shape_cast %reduce_sum3A_48 : vector<2560xf32> to vector<2560x1xf32>
    %div3A = arith.constant 1.280000e+02 : f32
    %div3A_49 = vector.broadcast %div3A : f32 to vector<2560x1xf32>
    %div3A_50 = arith.divf %broadcast_in_dim3A, %div3A_49 : vector<2560x1xf32>
    %sub3A = vector.broadcast %div3A_50 : vector<2560x1xf32> to vector<2560x128xf32>
    %sub3A_51 = arith.subf %add3A_47, %sub3A : vector<2560x128xf32>
    %integer_pow3A = arith.mulf %sub3A_51, %sub3A_51 : vector<2560x128xf32>
    %reduce_sum3A_52 = arith.constant dense<0.000000e+00> : vector<2560xf32>
    %reduce_sum3A_53 = vector.multi_reduction <add>, %integer_pow3A, %reduce_sum3A_52 [1] : vector<2560x128xf32> to vector<2560xf32>
    %broadcast_in_dim3A_54 = vector.shape_cast %reduce_sum3A_53 : vector<2560xf32> to vector<2560x1xf32>
    %div3A_55 = arith.constant 1.280000e+02 : f32
    %div3A_56 = vector.broadcast %div3A_55 : f32 to vector<2560x1xf32>
    %div3A_57 = arith.divf %broadcast_in_dim3A_54, %div3A_56 : vector<2560x1xf32>
    %sub3A_58 = vector.broadcast %div3A_50 : vector<2560x1xf32> to vector<2560x128xf32>
    %sub3A_59 = arith.subf %add3A_47, %sub3A_58 : vector<2560x128xf32>
    %add3A_60 = arith.constant 9.99999974E-6 : f32
    %add3A_61 = vector.broadcast %add3A_60 : f32 to vector<2560x1xf32>
    %add3A_62 = arith.addf %div3A_57, %add3A_61 : vector<2560x1xf32>
    %rsqrt3A = math.rsqrt %add3A_62 : vector<2560x1xf32>
    %mul3A = vector.broadcast %rsqrt3A : vector<2560x1xf32> to vector<2560x128xf32>
    %mul3A_63 = arith.mulf %sub3A_59, %mul3A : vector<2560x128xf32>
    %get3A_64 = arith.constant 0 : index
    %get3A_65 = arith.constant 0 : index
    %get3A_66 = vector.load %arg11[%get3A_64, %get3A_65] : memref<1x128xf32, #tpu.memory_space<vmem>>, vector<1x128xf32>
    %mul3A_67 = vector.broadcast %get3A_66 : vector<1x128xf32> to vector<2560x128xf32>
    %mul3A_68 = arith.mulf %mul3A_63, %mul3A_67 : vector<2560x128xf32>
    %get3A_69 = arith.constant 0 : index
    %get3A_70 = arith.constant 0 : index
    %get3A_71 = vector.load %arg12[%get3A_69, %get3A_70] : memref<1x128xf32, #tpu.memory_space<vmem>>, vector<1x128xf32>
    %add3A_72 = vector.broadcast %get3A_71 : vector<1x128xf32> to vector<2560x128xf32>
    %add3A_73 = arith.addf %mul3A_68, %add3A_72 : vector<2560x128xf32>
    %swap3A = arith.constant 0 : index
    %swap3A_74 = arith.constant 0 : index
    %swap3A_75 = vector.load %arg13[%swap3A, %swap3A_74] : memref<2560x128xf32, #tpu.memory_space<vmem>>, vector<2560x128xf32>
    tpu.vector_store %arg13[%swap3A, %swap3A_74], %add3A_73 {strides = array<i32>} : memref<2560x128xf32, #tpu.memory_space<vmem>>, vector<2560x128xf32>,
    return
  }
  func.func @transform_0(%arg0: i32) -> (i32, i32) {
    %c0_i32 = arith.constant 0 : i32
    %c0_i32_0 = arith.constant 0 : i32
    return %arg0, %c0_i32 : i32, i32
  }
  func.func @transform_1(%arg0: i32) -> (i32, i32) {
    %c0_i32 = arith.constant 0 : i32
    %c0_i32_0 = arith.constant 0 : i32
    return %c0_i32, %arg0 : i32, i32
  }
  func.func @transform_2(%arg0: i32) -> (i32, i32) {
    %c0_i32 = arith.constant 0 : i32
    %c0_i32_0 = arith.constant 0 : i32
    return %c0_i32, %arg0 : i32, i32
  }
  func.func @transform_3(%arg0: i32) -> (i32, i32) {
    %c0_i32 = arith.constant 0 : i32
    %c0_i32_0 = arith.constant 0 : i32
    %c0_i32_1 = arith.constant 0 : i32
    return %c0_i32, %c0_i32_0 : i32, i32
  }
  func.func @transform_4(%arg0: i32) -> (i32, i32) {
    %c0_i32 = arith.constant 0 : i32
    %c0_i32_0 = arith.constant 0 : i32
    %c0_i32_1 = arith.constant 0 : i32
    return %c0_i32, %c0_i32_0 : i32, i32
  }
  func.func @transform_5(%arg0: i32) -> (i32, i32) {
    %c0_i32 = arith.constant 0 : i32
    %c0_i32_0 = arith.constant 0 : i32
    %c0_i32_1 = arith.constant 0 : i32
    return %c0_i32, %c0_i32_0 : i32, i32
  }
  func.func @transform_6(%arg0: i32) -> (i32, i32) {
    %c0_i32 = arith.constant 0 : i32
    %c0_i32_0 = arith.constant 0 : i32
    %c0_i32_1 = arith.constant 0 : i32
    return %c0_i32, %c0_i32_0 : i32, i32
  }
  func.func @transform_7(%arg0: i32) -> (i32, i32) {
    %c0_i32 = arith.constant 0 : i32
    %c0_i32_0 = arith.constant 0 : i32
    %c0_i32_1 = arith.constant 0 : i32
    return %c0_i32, %c0_i32_0 : i32, i32
  }
  func.func @transform_8(%arg0: i32) -> (i32, i32) {
    %c0_i32 = arith.constant 0 : i32
    %c0_i32_0 = arith.constant 0 : i32
    %c0_i32_1 = arith.constant 0 : i32
    return %c0_i32, %c0_i32_0 : i32, i32
  }
  func.func @transform_9(%arg0: i32) -> (i32, i32) {
    %c0_i32 = arith.constant 0 : i32
    %c0_i32_0 = arith.constant 0 : i32
    %c0_i32_1 = arith.constant 0 : i32
    return %c0_i32, %c0_i32_0 : i32, i32
  }
  func.func @transform_10(%arg0: i32) -> (i32, i32) {
    %c0_i32 = arith.constant 0 : i32
    %c0_i32_0 = arith.constant 0 : i32
    %c0_i32_1 = arith.constant 0 : i32
    return %c0_i32, %c0_i32_0 : i32, i32
  }
  func.func @transform_11(%arg0: i32) -> (i32, i32) {
    %c0_i32 = arith.constant 0 : i32
    %c0_i32_0 = arith.constant 0 : i32
    %c0_i32_1 = arith.constant 0 : i32
    return %c0_i32, %c0_i32_0 : i32, i32
  }
  func.func @transform_12(%arg0: i32) -> (i32, i32) {
    %c0_i32 = arith.constant 0 : i32
    %c0_i32_0 = arith.constant 0 : i32
    return %arg0, %c0_i32 : i32, i32
  }
}

</mosaic_0001>

<sc_bundles>
// kernel: kernel.4.cloned.1.call-start
scs
__scs_entry_jumppad:
0x0: {  	(pc) =	sbr.rel $0x88, $3  }
0x1: {  	(tag) =	ssettag $0x0;
	lr =	simm.s32 $0x1  }
0x2: {  	[smem:$0x3F95] =	sst lr;
	_ =	strace $0xD0000000  }
0x3: {  	_ = 	snop  }
0x4: {  	_ = 	snop  }
0x5: {  	_ = 	snop  }
0x6: {  	_ = 	snop  }
0x7: {  	_ = 	snop  }
__scs_overlays_trampoline_lowered:
0x8: {  	[smem:$0x3FA4] =	sst s0  }
0x9: {  	[smem:$0x3FA5] =	sst s1  }
0xa: {  	[smem:$0x3FA6] =	sst s2  }
0xb: {  	[smem:$0x3FA7] =	sst s3  }
0xc: {  	[smem:$0x3FA8] =	sst s4  }
0xd: {  	[smem:$0x3FA9] =	sst s5  }
0xe: {  	[smem:$0x3FAA] =	sst s6  }
0xf: {  	[smem:$0x3FAB] =	sst s7  }
0x10: {  	[smem:$0x3FAC] =	sst s8  }
0x11: {  	[smem:$0x3FAD] =	sst s9;
	s0 =	simm.s32 @!p0 $0x0  }
0x12: {  	s1 =	sld [smem:$0x3F93];
	s0 =	simm.s32 @p0 $0x1  }
0x13: {  	[smem:$0x3FAE] =	sst s0;
	s0 =	simm.s32 @!p1 $0x0  }
0x14: {  	s2 =	sld [smem:$0x3F92];
	s0 =	simm.s32 @p1 $0x1  }
0x15: {  	[smem:$0x3FAF] =	sst s0;
	s0 =	simm.s32 @!p2 $0x0  }
0x16: {  	s3 =	sld [smem:$0x3FDB];
	s0 =	simm.s32 @p2 $0x1  }
0x17: {  	s4 =	simm.s32 $0x1BF5;
	[smem:$0x3FB1] =	sst s0  }
0x18: {  	s0 =	sld [smem:$0x3F94];
	_ =	swait.ge [sflag:s4], $0x0  }
0x19: {  	s7 =	sld [smem:$0x3F95]  }
0x1a: {  	s8 =	sadd.s32 $0xFFFFE003, lr  }
0x1b: {  	s9 =	sadd.s32 $0xFFFFFEF7, lr;
	s5 =	simm.s32 $0xFFFFFFFF;
	p2 =	slt.u32 s8, $0xFFFFF086  }
0x1c: {  	p1 =	slt.u32 s9, $0xF7A;
	s5 =	simm.s32 @!p2 $0x0  }
0x1d: {  	s5 =	simm.s32 @p1 $0x1;
	p0 =	seq.s32 s7, s2  }
0x1e: {  	s7 =	smul.u32 @!p0 $0xF7A, s2;
	p2 =	seq.s32 @!p0 s5, $0x0  }
0x1f: {  	s9 =	smul.u32 $0xF7A, s1;
	s8 =	simm.s32 @!p0 $0x1BF5;
	p2 =	por !p2, p0  }
0x20: {  	[sflag:s8] =	ssyncset.s32 @!p0 $0xFFFFF086;
	s6 =	sadd.s32 @!p0 s3, s7;
	s7 =	simm.s32 @!p0 $0x108  }
0x21: {  	s3 =	sadd.s32 s3, s9;
	s6 =	sadd.s32 @!p0 $0x88, s6;
	s7 =	simm.s32 @p2 $0x1082  }
0x22: {  	[simem:s7], [sflag:s8] =	dma.local @!p0 [hbm:s6], $0xF7A  }
0x23: {  	s9 =	sor.u32 $0xD0000000, s2;
	s6 =	simm.s32 $0x108;
	_ =	swait.ge @!p0 [sflag:s8], $0x0  }
0x24: {  	s3 =	sadd.s32 $0x88, s3;
	s6 =	simm.s32 @!p1 $0x1082;
	[sflag:s4] =	ssyncset.s32 $0xFFFFF086  }
0x25: {  	[simem:s6], [sflag:s4] =	dma.local [hbm:s3], $0xF7A  }
0x26: {  	[smem:$0x3F95] =	sst s1;
	(tag) =	ssettag s2;
	_ =	strace s9  }
0x27: {  	s1 =	sld [smem:$0x3FA5]  }
0x28: {  	s2 =	sld [smem:$0x3FA6]  }
0x29: {  	s4 =	sld [smem:$0x3FA8]  }
0x2a: {  	p0 =	seq.s32 s5, $0x0;
	s5 =	sld [smem:$0x3FA9]  }
0x2b: {  	s6 =	sld [smem:$0x3FAA]  }
0x2c: {  	s7 =	sld [smem:$0x3FAB]  }
0x2d: {  	s3 =	simm.s32 $0x108;
	s8 =	sld [smem:$0x3FAC]  }
0x2e: {  	s3 =	simm.s32 @!p0 $0x1082;
	s9 =	sld [smem:$0x3FAD]  }
0x2f: {  	lr =	sadd.s32 s0, s3;
	s0 =	sld [smem:$0x3FA4]  }
0x30: {  	s3 =	sld [smem:$0x3FA7]  }
0x31: {  	[smem:$0x3FB0] =	sst s10  }
0x32: {  	s10 =	sld [smem:$0x3FAE];
	_ =	sdelay $0x3  }
0x33: {  	p0 =	seq.s32 s10, $0x1;
	s10 =	sld [smem:$0x3FB0];
	_ =	sdelay $0x3  }
0x34: {  	[smem:$0x3FB0] =	sst s10  }
0x35: {  	s10 =	sld [smem:$0x3FAF];
	_ =	sdelay $0x3  }
0x36: {  	p1 =	seq.s32 s10, $0x1;
	s10 =	sld [smem:$0x3FB0];
	_ =	sdelay $0x3  }
0x37: {  	[smem:$0x3FB0] =	sst s10  }
0x38: {  	s10 =	sld [smem:$0x3FB1]  }
0x39: {  	_ = 	snop;
	(pc) =	sbr.ind lr, $3  }
0x3a: {  	_ = 	snop  }
0x3b: {  	_ = 	snop  }
0x3c: {  	p2 =	seq.s32 s10, $0x1;
	s10 =	sld [smem:$0x3FB0]  }
0x3d: {  	_ =	shalt  }
0x3e: {  	_ =	shalt  }
0x3f: {  	_ =	shalt  }
0x40: {  	_ =	shalt  }
0x41: {  	_ =	shalt  }
0x42: {  	_ =	shalt  }
0x43: {  	_ =	shalt  }
0x44: {  	_ =	shalt  }
0x45: {  	_ =	shalt  }
0x46: {  	_ =	shalt  }
0x47: {  	_ =	shalt  }
0x48: {  	_ =	shalt  }
0x49: {  	_ =	shalt  }
0x4a: {  	_ =	shalt  }
0x4b: {  	_ =	shalt  }
0x4c: {  	_ =	shalt  }
0x4d: {  	_ =	shalt  }
0x4e: {  	_ =	shalt  }
0x4f: {  	_ =	shalt  }
0x50: {  	_ =	shalt  }
0x51: {  	_ =	shalt  }
0x52: {  	_ =	shalt  }
0x53: {  	_ =	shalt  }
0x54: {  	_ =	shalt  }
0x55: {  	_ =	shalt  }
0x56: {  	_ =	shalt  }
0x57: {  	_ =	shalt  }
0x58: {  	_ =	shalt  }
0x59: {  	_ =	shalt  }
0x5a: {  	_ =	shalt  }
0x5b: {  	_ =	shalt  }
0x5c: {  	_ =	shalt  }
0x5d: {  	_ =	shalt  }
0x5e: {  	_ =	shalt  }
0x5f: {  	_ =	shalt  }
0x60: {  	_ =	shalt  }
0x61: {  	_ =	shalt  }
0x62: {  	_ =	shalt  }
0x63: {  	_ =	shalt  }
0x64: {  	_ =	shalt  }
0x65: {  	_ =	shalt  }
0x66: {  	_ =	shalt  }
0x67: {  	_ =	shalt  }
0x68: {  	_ =	shalt  }
0x69: {  	_ =	shalt  }
0x6a: {  	_ =	shalt  }
0x6b: {  	_ =	shalt  }
0x6c: {  	_ =	shalt  }
0x6d: {  	_ =	shalt  }
0x6e: {  	_ =	shalt  }
0x6f: {  	_ =	shalt  }
0x70: {  	_ =	shalt  }
0x71: {  	_ =	shalt  }
0x72: {  	_ =	shalt  }
0x73: {  	_ =	shalt  }
0x74: {  	_ =	shalt  }
0x75: {  	_ =	shalt  }
0x76: {  	_ =	shalt  }
0x77: {  	_ =	shalt  }
0x78: {  	_ =	shalt  }
0x79: {  	_ =	shalt  }
0x7a: {  	_ =	shalt  }
0x7b: {  	_ =	shalt  }
0x7c: {  	_ =	shalt  }
0x7d: {  	_ =	shalt  }
0x7e: {  	_ =	shalt  }
0x7f: {  	_ =	shalt  }
0x80: {  	_ =	shalt  }
0x81: {  	_ =	shalt  }
0x82: {  	_ =	shalt  }
0x83: {  	_ =	shalt  }
0x84: {  	_ =	shalt  }
0x85: {  	_ =	shalt  }
0x86: {  	_ =	shalt  }
0x87: {  	_ =	shalt  }
.Lfunc_end0:
.L_simem_size_0:
called_computation_lowered:
.L_overlay_start_0:
0x88: {  	s2 =	sld [smem:$0x3FD9]  }
0x89: {  	s3 =	sld [smem:$0x3FFE];
	_ =	sdelay $0x1  }
0x8a: {  	s1 =	srdreg.scid  }
0x8b: {  	s0 =	sand.u32 $0x1, s1  }
0x8c: {  	s17 =	sshll.u32 s0, $0xA;
	s2 =	sadd.s32 s3, s2  }
0x8d: {  	s2 =	sadd.s32 s2, s17  }
0x8e: {  	[smem:$0x3FBC] =	sst s2  }
0x8f: {  	_ = 	snop  }
0x90: {  	s2 =	sld [smem:$0x3FD0];
	(tm) =	ssettm $0x1  }
0x91: {  	s18 =	sld [smem:$0x3FFB];
	_ =	sdelay $0x3  }
0x92: {  	_ =	strace s18  }
0x93: {  	s3 =	sld [smem:$0x3FFC];
	_ =	sdelay $0x3  }
0x94: {  	_ =	strace s3  }
0x95: {  	s3 =	sld [smem:$0x3FFD];
	_ =	sdelay $0x3  }
0x96: {  	_ =	strace s3  }
0x97: {  	_ =	strace $0x8FFFFFFF  }
0x98: {  	s19 =	sld [smem:$0x3FDB];
	_ =	sdelay $0x1  }
0x99: {  	s4 =	simm.s32 $_scs_section_size  }
0x9a: {  	s5 =	simm.s32 $_size__tile_overlayer_lowered;
	s6 =	simm.s32 $_tile_overlayer_lowered  }
0x9b: {  	s22 =	simm.s32 $0x1BFF;
	s21 =	sshll.u32 s6, $0x1;
	s3 =	sadd.s32 s4, s19  }
0x9c: {  	s7 =	simm.s32 $0x0;
	s20 =	sshll.u32 s5, $0x1;
	s5 =	sadd.s32 s21, s3  }
0x9d: {  	[timem:s7], [sflag:s22] =	dma.local [hbm:s5], s20  }
0x9e: {  	_ =	swait.ge [sflag:s22], s20  }
0x9f: {  	s4 =	ssub.s32 $0x0, s20;
	[sflag:s22] =	ssyncset.done $0x0  }
0xa0: {  	[sflag:s22] =	ssyncadd.s32 s4;
	_ =	sdelay $0x1  }
0xa1: {  	s23 =	simm.s32 $0x1B8B  }
0xa2: {  	_ =	swait.ge [sflag:s23], $0x1  }
0xa3: {  	[sflag:s23] =	ssyncset.done $0x0  }
0xa4: {  	s25 =	simm.s32 $0x1B8E;
	s24 =	sld [smem:$0x3FFE];
	[sflag:s23] =	ssyncadd.s32 $0xFFFFFFFF  }
0xa5: {  	s26 =	simm.s32 $execute0_lowered;
	[smem:$0x3FD2] =	sst s25  }
0xa6: {  	s5 =	sshll.u32 s26, $0x1;
	_ =	strace $0x80000046;
	[dreg:$0x1] =	wrdreg $0xFFFFFFFF  }
0xa7: {  	s28 =	simm.s32 $_size_execute0_lowered;
	s3 =	sadd.s32 s3, s5;
	[dreg:$0x0] =	wrdreg $0x0  }
0xa8: {  	s5 =	sshll.u32 s28, $0x1;
	[dreg:$0x2] =	wrdreg s3  }
0xa9: {  	[dreg:$0x3] =	wrdreg s5  }
0xaa: {  	[dreg:$0x4] =	wrdreg $0xC0  }
0xab: {  	_ =	task [dreg:s7], $0x5FFFF  }
0xac: {  	[dreg:$0x1] =	wrdreg $0xFFFFFFFF  }
0xad: {  	[dreg:$0x0] =	wrdreg $0x60  }
0xae: {  	[dreg:$0x2] =	wrdreg s24  }
0xaf: {  	[dreg:$0x3] =	wrdreg s2  }
0xb0: {  	[dreg:$0x4] =	wrdreg $0x9  }
0xb1: {  	_ =	task.clear_ibuf [dreg:s7], $0x5FFFF;
	_ =	strace $0x90000046  }
0xb2: {  	s29 =	simm.s32 $0x9;
	_ =	strace $0x80000048  }
0xb3: {  	_ =	swait.ge [sflag:s29], $0x1  }
0xb4: {  	[sflag:s29] =	ssyncadd.s32 $0xFFFFFFFF  }
0xb5: {  	_ =	strace $0x90000048  }
0xb6: {  	_ =	sfence  }
0xb7: {  	s30 =	sld [smem:$0x0];
	_ =	sdelay $0x2  }
0xb8: {  	s31 =	sshll.u32 s1, $0xD;
	s1 =	sshrl.u32 s1, $0x2  }
0xb9: {  	s3 =	sand.u32 $0x4000, s31;
	s1 =	sadd.s32 s1, s30  }
0xba: {  	s0 =	sor.u32 s3, s0;
	s1 =	sshll.u32 s1, $0x11  }
0xbb: {  	s0 =	sor.u32 s1, s0  }
0xbc: {  	s0 =	sadd.s32 $0x8F2B, s0  }
0xbd: {  	[sflag:s0] =	ssyncadd.remote.s32 $0x1  }
0xbe: {  	_ =	sfence.sel $0xFFFF  }
0xbf: {  	[dreg:$0x0] =	wrdreg $0xFFFFFFFF;
	(pc) =	sbr.abs _section_cstart, $3  }
0xc0: {  	[dreg:$0x1] =	wrdreg $0xFFFFFFFF  }
0xc1: {  	_ =	task.clear_ibuf [dreg:s7], $0x2FFFF;
	_ =	strace $0x9FFFFFFF  }
0xc2: {  	(tm) =	ssettm $0x7FFFFFFF  }
0xc3: {  	_ =	shalt  }
tec
execute0_lowered:
.L_overlay_start_1:
0x0: {  	(tag) =	ssettag $0x1  }
0x1: {  	s0 =	srdreg.scid;
	s1 =	rddreg [dreg:$0x0]  }
0x2: {  	s7 =	stileid.u32;
	s4 =	rddreg [dreg:$0x1];
	s2 =	simm.s32 $0x0  }
0x3: {  	s28 =	simm.s32 $0xA500;
	s29 =	simm.s32 $0x2800;
	s5 =	smul.u32 $0x4E200, s7  }
0x4: {  	s30 =	simm.s32 $0xE380;
	s0 =	sand.u32 $0x1, s0;
	s7 =	smul.u32 $0x2800, s7  }
0x5: {  	s31 =	simm.s32 $0x6680;
	[smem:$0x7FF] =	sst s2;
	s3 =	smul.u32 $0x27100, s0  }
0x6: {  	s8 =	sadd.s32 $0x9E400, s1;
	s6 =	smul.u32 $0x28000, s0;
	s0 =	ssub.s32 $0x2, s0  }
0x7: {  	_ =	strace $0x80000047;
	[dreg:$0x3] =	wrdreg s8;
	s19 =	sshrl.u32 s0, $0x1  }
0x8: {  	s5 =	sadd.s32 s3, s5;
	s6 =	sadd.s32 s7, s6;
	s3 =	sshrl.u32 s3, $0x3  }
0x9: {  	s0 =	ssub.s32 s0, s19;
	s5 =	sshrl.u32 s5, $0x3;
	s6 =	sshrl.u32 s6, $0x3  }
0xa: {  	s3 =	sadd.s32 s4, s3;
	s5 =	sadd.s32 s5, s1;
	s1 =	sadd.s32 s6, s1  }
0xb: {  	s4 =	sadd.s32 $0x9C40, s3;
	s21 =	sadd.s32 $0xA410, s3;
	s23 =	sadd.s32 $0xABE0, s3  }
0xc: {  	s25 =	sadd.s32 $0xB3B0, s3;
	s12 =	sadd.s32 $0xBB80, s3;
	[dreg:$0x4] =	wrdreg s4  }
0xd: {  	s14 =	sadd.s32 $0xC350, s3;
	s16 =	sadd.s32 $0xCB20, s3;
	[dreg:$0x6] =	wrdreg s21  }
0xe: {  	s18 =	sadd.s32 $0xD2F0, s3;
	s20 =	sadd.s32 $0x2000, s5;
	[dreg:$0x8] =	wrdreg s23  }
0xf: {  	s22 =	sadd.s32 $0x27D0, s5;
	s24 =	sadd.s32 $0x2FA0, s5;
	[dreg:$0xa] =	wrdreg s25  }
0x10: {  	s26 =	sadd.s32 $0x3770, s5;
	s13 =	sadd.s32 $0x3F40, s5;
	s15 =	sadd.s32 $0x4710, s5  }
0x11: {  	s17 =	sadd.s32 $0x4EE0, s5;
	s19 =	sadd.s32 $0x56B0, s5;
	[dreg:$0x5] =	wrdreg s20  }
0x12: {  	s21 =	sadd.s32 $0x5E80, s5;
	s23 =	sadd.s32 $0x6650, s5;
	[dreg:$0x7] =	wrdreg s22  }
0x13: {  	s25 =	smax.u32 s0, $0x1;
	s0 =	simm.s32 $0x2;
	[dreg:$0x9] =	wrdreg s24  }
0x14: {  	s4 =	simm.s32 $0x4;
	s5 =	simm.s32 $0x0;
	[dreg:$0xb] =	wrdreg s26  }
0x15: {  	s20 =	sadd.s32 $0xDAC0, s3;
	s22 =	sadd.s32 $0xE290, s3;
	s24 =	sadd.s32 $0x9EA00, s1  }
0x16: {  	s26 =	simm.s32 $0x5;
	s1 =	simm.s32 $0x1;
	s3 =	simm.s32 $0x3  }
.LBB2_1:
0x17: {  	s6 =	rddreg [dreg:$0x3]  }
0x18: {  	[tilespmem:s2], [sflag:$0x5] =	stream.linear.gather [hbm4b:s6+s2], $0x2800, $0x38;
	[tilespmem:$0x12200] =	vst v63  }
0x19: {  	_ =	swait.ge [sflag:s26], $0x2800  }
0x1a: {  	[sflag:s26] =	ssyncset.done $0x0  }
0x1b: {  	s8 =	rddreg [dreg:$0x4];
	[sflag:s26] =	ssyncadd.s32 $0xFFFFD800  }
0x1c: {  	[tilespmem:s28], [sflag:$0x1] =	stream.linear.gather [hbm4b:s8+s2], $0x3E80, $0x38;
	[tilespmem:$0x12200] =	vst v63  }
0x1d: {  	s9 =	rddreg [dreg:$0x5]  }
0x1e: {  	[tilespmem:s29], [sflag:$0x2] =	stream.linear.gather [hbm4b:s9+s2], $0x3E80, $0x38;
	[tilespmem:$0x12200] =	vst v63  }
0x1f: {  	s10 =	rddreg [dreg:$0x6]  }
0x20: {  	[tilespmem:s30], [sflag:$0x3] =	stream.linear.gather [hbm4b:s10+s2], $0x3E80, $0x38;
	[tilespmem:$0x12200] =	vst v63  }
0x21: {  	s11 =	rddreg [dreg:$0x7]  }
0x22: {  	[tilespmem:s31], [sflag:$0x4] =	stream.linear.gather [hbm4b:s11+s2], $0x3E80, $0x38;
	[tilespmem:$0x12200] =	vst v63  }
0x23: {  	_ =	swait.ge [sflag:s1], $0x3E80  }
0x24: {  	[sflag:s1] =	ssyncset.done $0x0  }
0x25: {  	[sflag:s1] =	ssyncadd.s32 $0xFFFFC180  }
0x26: {  	_ =	swait.ge [sflag:s0], $0x3E80  }
0x27: {  	[sflag:s0] =	ssyncset.done $0x0  }
0x28: {  	s7 =	simm.s32 $0xA580;
	[sflag:s0] =	ssyncadd.s32 $0xFFFFC180  }
0x29: {  	v0 =	vld [tilespmem:s7+$0x70]  }
0x2a: {  	v1 =	vld [tilespmem:s7+$0xFFFFFF90]  }
0x2b: {  	s6 =	simm.s32 $0x2880;
	v2 =	vld [tilespmem:s7+$0xFFFFFFA0]  }
0x2c: {  	v3 =	vld [tilespmem:s6+$0x70]  }
0x2d: {  	v4 =	vld [tilespmem:s7+$0xFFFFFFB0]  }
0x2e: {  	v5 =	vld [tilespmem:s7+$0xFFFFFFC0]  }
0x2f: {  	v6 =	vld [tilespmem:s7+$0xFFFFFFD0]  }
0x30: {  	v7 =	vld [tilespmem:s7+$0xFFFFFFE0]  }
0x31: {  	v62 =	vld [tilespmem:s7+$0xFFFFFFF0]  }
0x32: {  	v63 =	vld [tilespmem:s7+$0x0]  }
0x33: {  	v8 =	vld [tilespmem:s7+$0x10]  }
0x34: {  	v9 =	vld [tilespmem:s7+$0x20]  }
0x35: {  	v10 =	vld [tilespmem:s7+$0x30]  }
0x36: {  	v11 =	vld [tilespmem:s7+$0x40]  }
0x37: {  	v12 =	vld [tilespmem:s7+$0x50]  }
0x38: {  	v13 =	vld [tilespmem:s7+$0x60]  }
0x39: {  	v14 =	vld [tilespmem:s7+$0xFFFFFF80]  }
0x3a: {  	v15 =	vld [tilespmem:s6+$0xFFFFFF80]  }
0x3b: {  	v16 =	vld [tilespmem:s6+$0xFFFFFF90]  }
0x3c: {  	v17 =	vld [tilespmem:s6+$0xFFFFFFA0]  }
0x3d: {  	v18 =	vld [tilespmem:s6+$0xFFFFFFB0]  }
0x3e: {  	v19 =	vld [tilespmem:s6+$0xFFFFFFC0]  }
0x3f: {  	v20 =	vld [tilespmem:s6+$0xFFFFFFD0]  }
0x40: {  	v21 =	vld [tilespmem:s6+$0xFFFFFFE0]  }
0x41: {  	v22 =	vld [tilespmem:s6+$0xFFFFFFF0]  }
0x42: {  	v23 =	vld [tilespmem:s6+$0x0]  }
0x43: {  	v24 =	vld [tilespmem:s6+$0x10]  }
0x44: {  	v25 =	vld [tilespmem:s6+$0x20]  }
0x45: {  	v26 =	vld [tilespmem:s6+$0x30]  }
0x46: {  	v27 =	vld [tilespmem:s6+$0x40]  }
0x47: {  	v28 =	vld [tilespmem:s6+$0x50]  }
0x48: {  	v29 =	vld [tilespmem:s6+$0x60]  }
0x49: {  	[tilespmem:v0+s2+$0x0] =	vst.idx.add.f32.msk $0xffff, v3  }
0x4a: {  	[tilespmem:v14+s2+$0x0] =	vst.idx.add.f32.msk $0xffff, v15  }
0x4b: {  	[tilespmem:v1+s2+$0x0] =	vst.idx.add.f32.msk $0xffff, v16  }
0x4c: {  	[tilespmem:v2+s2+$0x0] =	vst.idx.add.f32.msk $0xffff, v17  }
0x4d: {  	[tilespmem:v4+s2+$0x0] =	vst.idx.add.f32.msk $0xffff, v18  }
0x4e: {  	[tilespmem:v5+s2+$0x0] =	vst.idx.add.f32.msk $0xffff, v19  }
0x4f: {  	[tilespmem:v6+s2+$0x0] =	vst.idx.add.f32.msk $0xffff, v20  }
0x50: {  	[tilespmem:v7+s2+$0x0] =	vst.idx.add.f32.msk $0xffff, v21  }
0x51: {  	[tilespmem:v62+s2+$0x0] =	vst.idx.add.f32.msk $0xffff, v22  }
0x52: {  	[tilespmem:v63+s2+$0x0] =	vst.idx.add.f32.msk $0xffff, v23  }
0x53: {  	[tilespmem:v8+s2+$0x0] =	vst.idx.add.f32.msk $0xffff, v24  }
0x54: {  	[tilespmem:v9+s2+$0x0] =	vst.idx.add.f32.msk $0xffff, v25  }
0x55: {  	[tilespmem:v10+s2+$0x0] =	vst.idx.add.f32.msk $0xffff, v26  }
0x56: {  	[tilespmem:v11+s2+$0x0] =	vst.idx.add.f32.msk $0xffff, v27  }
0x57: {  	s8 =	simm.s32 $0x6600;
	s9 =	simm.s32 $0xE300;
	[tilespmem:v12+s2+$0x0] =	vst.idx.add.f32.msk $0xffff, v28  }
0x58: {  	s10 =	simm.s32 $0x0;
	s11 =	simm.s32 $0xA680;
	s7 =	simm.s32 $0x3DF0;
	[tilespmem:v13+s2+$0x0] =	vst.idx.add.f32.msk $0xffff, v29  }
.LBB2_2:
0x59: {  	v0 =	vld [tilespmem:s11+$0x70];
	s10 =	sadd.s32 $0x100, s10  }
0x5a: {  	v1 =	vld [tilespmem:s11+$0xFFFFFF90];
	p0 =	slt.u32 s10, $0x3D00  }
0x5b: {  	s6 =	sadd.s32 $0x100, s6;
	v2 =	vld [tilespmem:s11+$0xFFFFFFA0]  }
0x5c: {  	v3 =	vld [tilespmem:s6+$0x70]  }
0x5d: {  	v4 =	vld [tilespmem:s11+$0xFFFFFFB0]  }
0x5e: {  	v5 =	vld [tilespmem:s11+$0xFFFFFFC0]  }
0x5f: {  	v6 =	vld [tilespmem:s11+$0xFFFFFFD0]  }
0x60: {  	v7 =	vld [tilespmem:s11+$0xFFFFFFE0]  }
0x61: {  	[tilespmem:v0+s2+$0x0] =	vst.idx.add.f32.msk $0xffff, v3  }
0x62: {  	v0 =	vld [tilespmem:s11+$0xFFFFFFF0]  }
0x63: {  	v3 =	vld [tilespmem:s11+$0x0]  }
0x64: {  	v8 =	vld [tilespmem:s11+$0x10]  }
0x65: {  	v9 =	vld [tilespmem:s11+$0x20]  }
0x66: {  	v10 =	vld [tilespmem:s11+$0x30]  }
0x67: {  	v11 =	vld [tilespmem:s11+$0x40]  }
0x68: {  	v12 =	vld [tilespmem:s11+$0x50]  }
0x69: {  	v13 =	vld [tilespmem:s11+$0x60]  }
0x6a: {  	v14 =	vld [tilespmem:s11+$0xFFFFFF80]  }
0x6b: {  	v15 =	vld [tilespmem:s6+$0xFFFFFF80]  }
0x6c: {  	v16 =	vld [tilespmem:s6+$0xFFFFFF90]  }
0x6d: {  	v17 =	vld [tilespmem:s6+$0xFFFFFFA0]  }
0x6e: {  	v18 =	vld [tilespmem:s6+$0xFFFFFFB0]  }
0x6f: {  	v19 =	vld [tilespmem:s6+$0xFFFFFFC0]  }
0x70: {  	v20 =	vld [tilespmem:s6+$0xFFFFFFD0]  }
0x71: {  	v21 =	vld [tilespmem:s6+$0xFFFFFFE0]  }
0x72: {  	v22 =	vld [tilespmem:s6+$0xFFFFFFF0]  }
0x73: {  	v23 =	vld [tilespmem:s6+$0x0]  }
0x74: {  	v24 =	vld [tilespmem:s6+$0x10]  }
0x75: {  	v25 =	vld [tilespmem:s6+$0x20]  }
0x76: {  	v26 =	vld [tilespmem:s6+$0x30]  }
0x77: {  	v27 =	vld [tilespmem:s6+$0x40]  }
0x78: {  	v28 =	vld [tilespmem:s6+$0x50]  }
0x79: {  	v29 =	vld [tilespmem:s6+$0x60]  }
0x7a: {  	[tilespmem:v14+s2+$0x0] =	vst.idx.add.f32.msk $0xffff, v15  }
0x7b: {  	[tilespmem:v1+s2+$0x0] =	vst.idx.add.f32.msk $0xffff, v16  }
0x7c: {  	[tilespmem:v2+s2+$0x0] =	vst.idx.add.f32.msk $0xffff, v17  }
0x7d: {  	[tilespmem:v4+s2+$0x0] =	vst.idx.add.f32.msk $0xffff, v18  }
0x7e: {  	[tilespmem:v5+s2+$0x0] =	vst.idx.add.f32.msk $0xffff, v19  }
0x7f: {  	[tilespmem:v6+s2+$0x0] =	vst.idx.add.f32.msk $0xffff, v20  }
0x80: {  	[tilespmem:v7+s2+$0x0] =	vst.idx.add.f32.msk $0xffff, v21  }
0x81: {  	[tilespmem:v0+s2+$0x0] =	vst.idx.add.f32.msk $0xffff, v22  }
0x82: {  	[tilespmem:v3+s2+$0x0] =	vst.idx.add.f32.msk $0xffff, v23  }
0x83: {  	[tilespmem:v8+s2+$0x0] =	vst.idx.add.f32.msk $0xffff, v24  }
.Ltmp0:
0x84: {  	[tilespmem:v9+s2+$0x0] =	vst.idx.add.f32.msk $0xffff, v25;
	(pc) =	sbr.rel @p0 .LBB2_2-.Ltmp0, $4  }
0x85: {  	[tilespmem:v10+s2+$0x0] =	vst.idx.add.f32.msk $0xffff, v26  }
0x86: {  	[tilespmem:v11+s2+$0x0] =	vst.idx.add.f32.msk $0xffff, v27  }
0x87: {  	[tilespmem:v12+s2+$0x0] =	vst.idx.add.f32.msk $0xffff, v28  }
0x88: {  	s11 =	sadd.s32 $0x100, s11;
	[tilespmem:v13+s2+$0x0] =	vst.idx.add.f32.msk $0xffff, v29  }
.LBB2_3:
0x89: {  	v0 =	vld [tilespmem:s9+$0x0];
	_ =	sdelay $0x1  }
0x8a: {  	s7 =	sadd.s32 $0x10, s7  }
0x8b: {  	v1 =	vld [tilespmem:s8+$0x0];
	p0 =	slt.u32 s7, $0x3E70  }
.Ltmp1:
0x8c: {  	_ = 	snop;
	(pc) =	sbr.rel @p0 .LBB2_3-.Ltmp1, $2  }
0x8d: {  	_ =	sdelay $0x2  }
0x8e: {  	s8 =	sadd.s32 $0x10, s8;
	s9 =	sadd.s32 $0x10, s9;
	[tilespmem:v0+s2+$0x0] =	vst.idx.add.f32.msk $0xffff, v1  }
0x8f: {  	s6 =	rddreg [dreg:$0x8]  }
0x90: {  	[tilespmem:s28], [sflag:$0x1] =	stream.linear.gather [hbm4b:s6+s2], $0x3E80, $0x38;
	[tilespmem:$0x12200] =	vst v63  }
0x91: {  	s11 =	rddreg [dreg:$0x9]  }
0x92: {  	[tilespmem:s29], [sflag:$0x2] =	stream.linear.gather [hbm4b:s11+s2], $0x3E80, $0x38;
	[tilespmem:$0x12200] =	vst v63  }
0x93: {  	_ =	swait.ge [sflag:s3], $0x3E80  }
0x94: {  	[sflag:s3] =	ssyncset.done $0x0  }
0x95: {  	[sflag:s3] =	ssyncadd.s32 $0xFFFFC180  }
0x96: {  	_ =	swait.ge [sflag:s4], $0x3E80  }
0x97: {  	[sflag:s4] =	ssyncset.done $0x0  }
0x98: {  	s7 =	simm.s32 $0xE470;
	[sflag:s4] =	ssyncadd.s32 $0xFFFFC180  }
0x99: {  	v0 =	vld [tilespmem:s7+$0x0]  }
0x9a: {  	v1 =	vld [tilespmem:s7+$0xFFFFFF20]  }
0x9b: {  	s6 =	simm.s32 $0x6770;
	v2 =	vld [tilespmem:s7+$0xFFFFFF30]  }
0x9c: {  	v3 =	vld [tilespmem:s6+$0x0]  }
0x9d: {  	v4 =	vld [tilespmem:s7+$0xFFFFFF40]  }
0x9e: {  	v5 =	vld [tilespmem:s7+$0xFFFFFF50]  }
0x9f: {  	v6 =	vld [tilespmem:s7+$0xFFFFFF60]  }
0xa0: {  	v7 =	vld [tilespmem:s7+$0xFFFFFF70]  }
0xa1: {  	v62 =	vld [tilespmem:s7+$0xFFFFFF80]  }
0xa2: {  	v63 =	vld [tilespmem:s7+$0xFFFFFF90]  }
0xa3: {  	v8 =	vld [tilespmem:s7+$0xFFFFFFA0]  }
0xa4: {  	v9 =	vld [tilespmem:s7+$0xFFFFFFB0]  }
0xa5: {  	v10 =	vld [tilespmem:s7+$0xFFFFFFC0]  }
0xa6: {  	v11 =	vld [tilespmem:s7+$0xFFFFFFD0]  }
0xa7: {  	v12 =	vld [tilespmem:s7+$0xFFFFFFE0]  }
0xa8: {  	v13 =	vld [tilespmem:s7+$0xFFFFFFF0]  }
0xa9: {  	v14 =	vld [tilespmem:s7+$0xFFFFFF10]  }
0xaa: {  	v15 =	vld [tilespmem:s6+$0xFFFFFF10]  }
0xab: {  	v16 =	vld [tilespmem:s6+$0xFFFFFF20]  }
0xac: {  	v17 =	vld [tilespmem:s6+$0xFFFFFF30]  }
0xad: {  	v18 =	vld [tilespmem:s6+$0xFFFFFF40]  }
0xae: {  	v19 =	vld [tilespmem:s6+$0xFFFFFF50]  }
0xaf: {  	v20 =	vld [tilespmem:s6+$0xFFFFFF60]  }
0xb0: {  	v21 =	vld [tilespmem:s6+$0xFFFFFF70]  }
0xb1: {  	v22 =	vld [tilespmem:s6+$0xFFFFFF80]  }
0xb2: {  	v23 =	vld [tilespmem:s6+$0xFFFFFF90]  }
0xb3: {  	v24 =	vld [tilespmem:s6+$0xFFFFFFA0]  }
0xb4: {  	v25 =	vld [tilespmem:s6+$0xFFFFFFB0]  }
0xb5: {  	v26 =	vld [tilespmem:s6+$0xFFFFFFC0]  }
0xb6: {  	v27 =	vld [tilespmem:s6+$0xFFFFFFD0]  }
0xb7: {  	v28 =	vld [tilespmem:s6+$0xFFFFFFE0]  }
0xb8: {  	v29 =	vld [tilespmem:s6+$0xFFFFFFF0]  }
0xb9: {  	[tilespmem:v0+s2+$0x0] =	vst.idx.add.f32.msk $0xffff, v3  }
0xba: {  	[tilespmem:v14+s2+$0x0] =	vst.idx.add.f32.msk $0xffff, v15  }
0xbb: {  	[tilespmem:v1+s2+$0x0] =	vst.idx.add.f32.msk $0xffff, v16  }
0xbc: {  	[tilespmem:v2+s2+$0x0] =	vst.idx.add.f32.msk $0xffff, v17  }
0xbd: {  	[tilespmem:v4+s2+$0x0] =	vst.idx.add.f32.msk $0xffff, v18  }
0xbe: {  	[tilespmem:v5+s2+$0x0] =	vst.idx.add.f32.msk $0xffff, v19  }
0xbf: {  	[tilespmem:v6+s2+$0x0] =	vst.idx.add.f32.msk $0xffff, v20  }
0xc0: {  	[tilespmem:v7+s2+$0x0] =	vst.idx.add.f32.msk $0xffff, v21  }
0xc1: {  	[tilespmem:v62+s2+$0x0] =	vst.idx.add.f32.msk $0xffff, v22  }
0xc2: {  	[tilespmem:v63+s2+$0x0] =	vst.idx.add.f32.msk $0xffff, v23  }
0xc3: {  	[tilespmem:v8+s2+$0x0] =	vst.idx.add.f32.msk $0xffff, v24  }
0xc4: {  	[tilespmem:v9+s2+$0x0] =	vst.idx.add.f32.msk $0xffff, v25  }
0xc5: {  	[tilespmem:v10+s2+$0x0] =	vst.idx.add.f32.msk $0xffff, v26  }
0xc6: {  	[tilespmem:v11+s2+$0x0] =	vst.idx.add.f32.msk $0xffff, v27  }
0xc7: {  	s9 =	simm.s32 $0x0;
	[tilespmem:v12+s2+$0x0] =	vst.idx.add.f32.msk $0xffff, v28  }
0xc8: {  	s8 =	simm.s32 $0xA480;
	s10 =	simm.s32 $0xE570;
	s7 =	simm.s32 $0x12180;
	[tilespmem:v13+s2+$0x0] =	vst.idx.add.f32.msk $0xffff, v29  }
.LBB2_5:
0xc9: {  	v0 =	vld [tilespmem:s10+$0x0];
	s9 =	sadd.s32 $0x100, s9  }
0xca: {  	v1 =	vld [tilespmem:s10+$0xFFFFFF20];
	p0 =	slt.u32 s9, $0x3D00  }
0xcb: {  	s6 =	sadd.s32 $0x100, s6;
	v2 =	vld [tilespmem:s10+$0xFFFFFF30]  }
0xcc: {  	v3 =	vld [tilespmem:s6+$0x0]  }
0xcd: {  	v4 =	vld [tilespmem:s10+$0xFFFFFF40]  }
0xce: {  	v5 =	vld [tilespmem:s10+$0xFFFFFF50]  }
0xcf: {  	v6 =	vld [tilespmem:s10+$0xFFFFFF60]  }
0xd0: {  	v7 =	vld [tilespmem:s10+$0xFFFFFF70]  }
0xd1: {  	s11 =	simm.s32 $0x3DF0;
	[tilespmem:v0+s2+$0x0] =	vst.idx.add.f32.msk $0xffff, v3  }
0xd2: {  	v0 =	vld [tilespmem:s10+$0xFFFFFF80]  }
0xd3: {  	v3 =	vld [tilespmem:s10+$0xFFFFFF90]  }
0xd4: {  	v8 =	vld [tilespmem:s10+$0xFFFFFFA0]  }
0xd5: {  	v9 =	vld [tilespmem:s10+$0xFFFFFFB0]  }
0xd6: {  	v10 =	vld [tilespmem:s10+$0xFFFFFFC0]  }
0xd7: {  	v11 =	vld [tilespmem:s10+$0xFFFFFFD0]  }
0xd8: {  	v12 =	vld [tilespmem:s10+$0xFFFFFFE0]  }
0xd9: {  	v13 =	vld [tilespmem:s10+$0xFFFFFFF0]  }
0xda: {  	v14 =	vld [tilespmem:s10+$0xFFFFFF10]  }
0xdb: {  	v15 =	vld [tilespmem:s6+$0xFFFFFF10]  }
0xdc: {  	v16 =	vld [tilespmem:s6+$0xFFFFFF20]  }
0xdd: {  	v17 =	vld [tilespmem:s6+$0xFFFFFF30]  }
0xde: {  	v18 =	vld [tilespmem:s6+$0xFFFFFF40]  }
0xdf: {  	v19 =	vld [tilespmem:s6+$0xFFFFFF50]  }
0xe0: {  	v20 =	vld [tilespmem:s6+$0xFFFFFF60]  }
0xe1: {  	v21 =	vld [tilespmem:s6+$0xFFFFFF70]  }
0xe2: {  	v22 =	vld [tilespmem:s6+$0xFFFFFF80]  }
0xe3: {  	v23 =	vld [tilespmem:s6+$0xFFFFFF90]  }
0xe4: {  	v24 =	vld [tilespmem:s6+$0xFFFFFFA0]  }
0xe5: {  	v25 =	vld [tilespmem:s6+$0xFFFFFFB0]  }
0xe6: {  	v26 =	vld [tilespmem:s6+$0xFFFFFFC0]  }
0xe7: {  	v27 =	vld [tilespmem:s6+$0xFFFFFFD0]  }
0xe8: {  	v28 =	vld [tilespmem:s6+$0xFFFFFFE0]  }
0xe9: {  	v29 =	vld [tilespmem:s6+$0xFFFFFFF0]  }
0xea: {  	[tilespmem:v14+s2+$0x0] =	vst.idx.add.f32.msk $0xffff, v15  }
0xeb: {  	[tilespmem:v1+s2+$0x0] =	vst.idx.add.f32.msk $0xffff, v16  }
0xec: {  	[tilespmem:v2+s2+$0x0] =	vst.idx.add.f32.msk $0xffff, v17  }
0xed: {  	[tilespmem:v4+s2+$0x0] =	vst.idx.add.f32.msk $0xffff, v18  }
0xee: {  	[tilespmem:v5+s2+$0x0] =	vst.idx.add.f32.msk $0xffff, v19  }
0xef: {  	[tilespmem:v6+s2+$0x0] =	vst.idx.add.f32.msk $0xffff, v20  }
0xf0: {  	[tilespmem:v7+s2+$0x0] =	vst.idx.add.f32.msk $0xffff, v21  }
0xf1: {  	[tilespmem:v0+s2+$0x0] =	vst.idx.add.f32.msk $0xffff, v22  }
0xf2: {  	[tilespmem:v3+s2+$0x0] =	vst.idx.add.f32.msk $0xffff, v23  }
0xf3: {  	[tilespmem:v8+s2+$0x0] =	vst.idx.add.f32.msk $0xffff, v24  }
.Ltmp2:
0xf4: {  	[tilespmem:v9+s2+$0x0] =	vst.idx.add.f32.msk $0xffff, v25;
	(pc) =	sbr.rel @p0 .LBB2_5-.Ltmp2, $4  }
0xf5: {  	[tilespmem:v10+s2+$0x0] =	vst.idx.add.f32.msk $0xffff, v26  }
0xf6: {  	[tilespmem:v11+s2+$0x0] =	vst.idx.add.f32.msk $0xffff, v27  }
0xf7: {  	[tilespmem:v12+s2+$0x0] =	vst.idx.add.f32.msk $0xffff, v28  }
0xf8: {  	s10 =	sadd.s32 $0x100, s10;
	[tilespmem:v13+s2+$0x0] =	vst.idx.add.f32.msk $0xffff, v29  }
.LBB2_6:
0xf9: {  	v0 =	vld [tilespmem:s7+$0x0];
	_ =	sdelay $0x1  }
0xfa: {  	s11 =	sadd.s32 $0x10, s11  }
0xfb: {  	v1 =	vld [tilespmem:s8+$0x0];
	p0 =	slt.u32 s11, $0x3E70  }
.Ltmp3:
0xfc: {  	_ = 	snop;
	(pc) =	sbr.rel @p0 .LBB2_6-.Ltmp3, $2  }
0xfd: {  	_ =	sdelay $0x2  }
0xfe: {  	s7 =	sadd.s32 $0x10, s7;
	s8 =	sadd.s32 $0x10, s8;
	[tilespmem:v0+s2+$0x0] =	vst.idx.add.f32.msk $0xffff, v1  }
0xff: {  	s6 =	rddreg [dreg:$0xa]  }
0x100: {  	[tilespmem:s30], [sflag:$0x3] =	stream.linear.gather [hbm4b:s6+s2], $0x3E80, $0x38;
	[tilespmem:$0x12200] =	vst v63  }
0x101: {  	s11 =	rddreg [dreg:$0xb]  }
0x102: {  	[tilespmem:s31], [sflag:$0x4] =	stream.linear.gather [hbm4b:s11+s2], $0x3E80, $0x38;
	[tilespmem:$0x12200] =	vst v63  }
0x103: {  	_ =	swait.ge [sflag:s1], $0x3E80  }
0x104: {  	[sflag:s1] =	ssyncset.done $0x0  }
0x105: {  	[sflag:s1] =	ssyncadd.s32 $0xFFFFC180  }
0x106: {  	_ =	swait.ge [sflag:s0], $0x3E80  }
0x107: {  	[sflag:s0] =	ssyncset.done $0x0  }
0x108: {  	s7 =	simm.s32 $0xA580;
	[sflag:s0] =	ssyncadd.s32 $0xFFFFC180  }
0x109: {  	v0 =	vld [tilespmem:s7+$0x70]  }
0x10a: {  	v1 =	vld [tilespmem:s7+$0xFFFFFF90]  }
0x10b: {  	s6 =	simm.s32 $0x2880;
	v2 =	vld [tilespmem:s7+$0xFFFFFFA0]  }
0x10c: {  	v3 =	vld [tilespmem:s6+$0x70]  }
0x10d: {  	v4 =	vld [tilespmem:s7+$0xFFFFFFB0]  }
0x10e: {  	v5 =	vld [tilespmem:s7+$0xFFFFFFC0]  }
0x10f: {  	v6 =	vld [tilespmem:s7+$0xFFFFFFD0]  }
0x110: {  	v7 =	vld [tilespmem:s7+$0xFFFFFFE0]  }
0x111: {  	v62 =	vld [tilespmem:s7+$0xFFFFFFF0]  }
0x112: {  	v63 =	vld [tilespmem:s7+$0x0]  }
0x113: {  	v8 =	vld [tilespmem:s7+$0x10]  }
0x114: {  	v9 =	vld [tilespmem:s7+$0x20]  }
0x115: {  	v10 =	vld [tilespmem:s7+$0x30]  }
0x116: {  	v11 =	vld [tilespmem:s7+$0x40]  }
0x117: {  	v12 =	vld [tilespmem:s7+$0x50]  }
0x118: {  	v13 =	vld [tilespmem:s7+$0x60]  }
0x119: {  	v14 =	vld [tilespmem:s7+$0xFFFFFF80]  }
0x11a: {  	v15 =	vld [tilespmem:s6+$0xFFFFFF80]  }
0x11b: {  	v16 =	vld [tilespmem:s6+$0xFFFFFF90]  }
0x11c: {  	v17 =	vld [tilespmem:s6+$0xFFFFFFA0]  }
0x11d: {  	v18 =	vld [tilespmem:s6+$0xFFFFFFB0]  }
0x11e: {  	v19 =	vld [tilespmem:s6+$0xFFFFFFC0]  }
0x11f: {  	v20 =	vld [tilespmem:s6+$0xFFFFFFD0]  }
0x120: {  	v21 =	vld [tilespmem:s6+$0xFFFFFFE0]  }
0x121: {  	v22 =	vld [tilespmem:s6+$0xFFFFFFF0]  }
0x122: {  	v23 =	vld [tilespmem:s6+$0x0]  }
0x123: {  	v24 =	vld [tilespmem:s6+$0x10]  }
0x124: {  	v25 =	vld [tilespmem:s6+$0x20]  }
0x125: {  	v26 =	vld [tilespmem:s6+$0x30]  }
0x126: {  	v27 =	vld [tilespmem:s6+$0x40]  }
0x127: {  	v28 =	vld [tilespmem:s6+$0x50]  }
0x128: {  	v29 =	vld [tilespmem:s6+$0x60]  }
0x129: {  	[tilespmem:v0+s2+$0x0] =	vst.idx.add.f32.msk $0xffff, v3  }
0x12a: {  	[tilespmem:v14+s2+$0x0] =	vst.idx.add.f32.msk $0xffff, v15  }
0x12b: {  	[tilespmem:v1+s2+$0x0] =	vst.idx.add.f32.msk $0xffff, v16  }
0x12c: {  	[tilespmem:v2+s2+$0x0] =	vst.idx.add.f32.msk $0xffff, v17  }
0x12d: {  	[tilespmem:v4+s2+$0x0] =	vst.idx.add.f32.msk $0xffff, v18  }
0x12e: {  	[tilespmem:v5+s2+$0x0] =	vst.idx.add.f32.msk $0xffff, v19  }
0x12f: {  	[tilespmem:v6+s2+$0x0] =	vst.idx.add.f32.msk $0xffff, v20  }
0x130: {  	[tilespmem:v7+s2+$0x0] =	vst.idx.add.f32.msk $0xffff, v21  }
0x131: {  	[tilespmem:v62+s2+$0x0] =	vst.idx.add.f32.msk $0xffff, v22  }
0x132: {  	[tilespmem:v63+s2+$0x0] =	vst.idx.add.f32.msk $0xffff, v23  }
0x133: {  	[tilespmem:v8+s2+$0x0] =	vst.idx.add.f32.msk $0xffff, v24  }
0x134: {  	[tilespmem:v9+s2+$0x0] =	vst.idx.add.f32.msk $0xffff, v25  }
0x135: {  	[tilespmem:v10+s2+$0x0] =	vst.idx.add.f32.msk $0xffff, v26  }
0x136: {  	[tilespmem:v11+s2+$0x0] =	vst.idx.add.f32.msk $0xffff, v27  }
0x137: {  	[tilespmem:v12+s2+$0x0] =	vst.idx.add.f32.msk $0xffff, v28  }
0x138: {  	s8 =	simm.s32 $0xA680;
	s7 =	simm.s32 $0x0;
	[tilespmem:v13+s2+$0x0] =	vst.idx.add.f32.msk $0xffff, v29  }
.LBB2_8:
0x139: {  	v0 =	vld [tilespmem:s8+$0x70];
	s7 =	sadd.s32 $0x100, s7  }
0x13a: {  	v1 =	vld [tilespmem:s8+$0xFFFFFF90];
	p0 =	slt.u32 s7, $0x3D00  }
0x13b: {  	s6 =	sadd.s32 $0x100, s6;
	v2 =	vld [tilespmem:s8+$0xFFFFFFA0]  }
0x13c: {  	v3 =	vld [tilespmem:s6+$0x70]  }
0x13d: {  	v4 =	vld [tilespmem:s8+$0xFFFFFFB0]  }
0x13e: {  	v5 =	vld [tilespmem:s8+$0xFFFFFFC0]  }
0x13f: {  	v6 =	vld [tilespmem:s8+$0xFFFFFFD0]  }
0x140: {  	v7 =	vld [tilespmem:s8+$0xFFFFFFE0]  }
0x141: {  	s9 =	simm.s32 $0x3DF0;
	s10 =	simm.s32 $0x6600;
	s11 =	simm.s32 $0xE300;
	[tilespmem:v0+s2+$0x0] =	vst.idx.add.f32.msk $0xffff, v3  }
0x142: {  	v0 =	vld [tilespmem:s8+$0xFFFFFFF0]  }
0x143: {  	v3 =	vld [tilespmem:s8+$0x0]  }
0x144: {  	v8 =	vld [tilespmem:s8+$0x10]  }
0x145: {  	v9 =	vld [tilespmem:s8+$0x20]  }
0x146: {  	v10 =	vld [tilespmem:s8+$0x30]  }
0x147: {  	v11 =	vld [tilespmem:s8+$0x40]  }
0x148: {  	v12 =	vld [tilespmem:s8+$0x50]  }
0x149: {  	v13 =	vld [tilespmem:s8+$0x60]  }
0x14a: {  	v14 =	vld [tilespmem:s8+$0xFFFFFF80]  }
0x14b: {  	v15 =	vld [tilespmem:s6+$0xFFFFFF80]  }
0x14c: {  	v16 =	vld [tilespmem:s6+$0xFFFFFF90]  }
0x14d: {  	v17 =	vld [tilespmem:s6+$0xFFFFFFA0]  }
0x14e: {  	v18 =	vld [tilespmem:s6+$0xFFFFFFB0]  }
0x14f: {  	v19 =	vld [tilespmem:s6+$0xFFFFFFC0]  }
0x150: {  	v20 =	vld [tilespmem:s6+$0xFFFFFFD0]  }
0x151: {  	v21 =	vld [tilespmem:s6+$0xFFFFFFE0]  }
0x152: {  	v22 =	vld [tilespmem:s6+$0xFFFFFFF0]  }
0x153: {  	v23 =	vld [tilespmem:s6+$0x0]  }
0x154: {  	v24 =	vld [tilespmem:s6+$0x10]  }
0x155: {  	v25 =	vld [tilespmem:s6+$0x20]  }
0x156: {  	v26 =	vld [tilespmem:s6+$0x30]  }
0x157: {  	v27 =	vld [tilespmem:s6+$0x40]  }
0x158: {  	v28 =	vld [tilespmem:s6+$0x50]  }
0x159: {  	v29 =	vld [tilespmem:s6+$0x60]  }
0x15a: {  	[tilespmem:v14+s2+$0x0] =	vst.idx.add.f32.msk $0xffff, v15  }
0x15b: {  	[tilespmem:v1+s2+$0x0] =	vst.idx.add.f32.msk $0xffff, v16  }
0x15c: {  	[tilespmem:v2+s2+$0x0] =	vst.idx.add.f32.msk $0xffff, v17  }
0x15d: {  	[tilespmem:v4+s2+$0x0] =	vst.idx.add.f32.msk $0xffff, v18  }
0x15e: {  	[tilespmem:v5+s2+$0x0] =	vst.idx.add.f32.msk $0xffff, v19  }
0x15f: {  	[tilespmem:v6+s2+$0x0] =	vst.idx.add.f32.msk $0xffff, v20  }
0x160: {  	[tilespmem:v7+s2+$0x0] =	vst.idx.add.f32.msk $0xffff, v21  }
0x161: {  	[tilespmem:v0+s2+$0x0] =	vst.idx.add.f32.msk $0xffff, v22  }
0x162: {  	[tilespmem:v3+s2+$0x0] =	vst.idx.add.f32.msk $0xffff, v23  }
0x163: {  	[tilespmem:v8+s2+$0x0] =	vst.idx.add.f32.msk $0xffff, v24  }
.Ltmp4:
0x164: {  	[tilespmem:v9+s2+$0x0] =	vst.idx.add.f32.msk $0xffff, v25;
	(pc) =	sbr.rel @p0 .LBB2_8-.Ltmp4, $4  }
0x165: {  	[tilespmem:v10+s2+$0x0] =	vst.idx.add.f32.msk $0xffff, v26  }
0x166: {  	[tilespmem:v11+s2+$0x0] =	vst.idx.add.f32.msk $0xffff, v27  }
0x167: {  	[tilespmem:v12+s2+$0x0] =	vst.idx.add.f32.msk $0xffff, v28  }
0x168: {  	s8 =	sadd.s32 $0x100, s8;
	[tilespmem:v13+s2+$0x0] =	vst.idx.add.f32.msk $0xffff, v29  }
.LBB2_9:
0x169: {  	v0 =	vld [tilespmem:s11+$0x0];
	_ =	sdelay $0x1  }
0x16a: {  	s9 =	sadd.s32 $0x10, s9  }
0x16b: {  	v1 =	vld [tilespmem:s10+$0x0];
	p0 =	slt.u32 s9, $0x3E70  }
.Ltmp5:
0x16c: {  	_ = 	snop;
	(pc) =	sbr.rel @p0 .LBB2_9-.Ltmp5, $2  }
0x16d: {  	_ =	sdelay $0x2  }
0x16e: {  	s10 =	sadd.s32 $0x10, s10;
	s11 =	sadd.s32 $0x10, s11;
	[tilespmem:v0+s2+$0x0] =	vst.idx.add.f32.msk $0xffff, v1  }
0x16f: {  	[tilespmem:s28], [sflag:$0x1] =	stream.linear.gather [hbm4b:s12+s2], $0x3E80, $0x38;
	[tilespmem:$0x12200] =	vst v63  }
0x170: {  	_ = 	snop  }
0x171: {  	[tilespmem:s29], [sflag:$0x2] =	stream.linear.gather [hbm4b:s13+s2], $0x3E80, $0x38;
	[tilespmem:$0x12200] =	vst v63  }
0x172: {  	_ =	swait.ge [sflag:s3], $0x3E80  }
0x173: {  	[sflag:s3] =	ssyncset.done $0x0  }
0x174: {  	[sflag:s3] =	ssyncadd.s32 $0xFFFFC180  }
0x175: {  	_ =	swait.ge [sflag:s4], $0x3E80  }
0x176: {  	[sflag:s4] =	ssyncset.done $0x0  }
0x177: {  	s7 =	simm.s32 $0xE470;
	[sflag:s4] =	ssyncadd.s32 $0xFFFFC180  }
0x178: {  	v0 =	vld [tilespmem:s7+$0x0]  }
0x179: {  	v1 =	vld [tilespmem:s7+$0xFFFFFF20]  }
0x17a: {  	s6 =	simm.s32 $0x6770;
	v2 =	vld [tilespmem:s7+$0xFFFFFF30]  }
0x17b: {  	v3 =	vld [tilespmem:s6+$0x0]  }
0x17c: {  	v4 =	vld [tilespmem:s7+$0xFFFFFF40]  }
0x17d: {  	v5 =	vld [tilespmem:s7+$0xFFFFFF50]  }
0x17e: {  	v6 =	vld [tilespmem:s7+$0xFFFFFF60]  }
0x17f: {  	v7 =	vld [tilespmem:s7+$0xFFFFFF70]  }
0x180: {  	v62 =	vld [tilespmem:s7+$0xFFFFFF80]  }
0x181: {  	v63 =	vld [tilespmem:s7+$0xFFFFFF90]  }
0x182: {  	v8 =	vld [tilespmem:s7+$0xFFFFFFA0]  }
0x183: {  	v9 =	vld [tilespmem:s7+$0xFFFFFFB0]  }
0x184: {  	v10 =	vld [tilespmem:s7+$0xFFFFFFC0]  }
0x185: {  	v11 =	vld [tilespmem:s7+$0xFFFFFFD0]  }
0x186: {  	v12 =	vld [tilespmem:s7+$0xFFFFFFE0]  }
0x187: {  	v13 =	vld [tilespmem:s7+$0xFFFFFFF0]  }
0x188: {  	v14 =	vld [tilespmem:s7+$0xFFFFFF10]  }
0x189: {  	v15 =	vld [tilespmem:s6+$0xFFFFFF10]  }
0x18a: {  	v16 =	vld [tilespmem:s6+$0xFFFFFF20]  }
0x18b: {  	v17 =	vld [tilespmem:s6+$0xFFFFFF30]  }
0x18c: {  	v18 =	vld [tilespmem:s6+$0xFFFFFF40]  }
0x18d: {  	v19 =	vld [tilespmem:s6+$0xFFFFFF50]  }
0x18e: {  	v20 =	vld [tilespmem:s6+$0xFFFFFF60]  }
0x18f: {  	v21 =	vld [tilespmem:s6+$0xFFFFFF70]  }
0x190: {  	v22 =	vld [tilespmem:s6+$0xFFFFFF80]  }
0x191: {  	v23 =	vld [tilespmem:s6+$0xFFFFFF90]  }
0x192: {  	v24 =	vld [tilespmem:s6+$0xFFFFFFA0]  }
0x193: {  	v25 =	vld [tilespmem:s6+$0xFFFFFFB0]  }
0x194: {  	v26 =	vld [tilespmem:s6+$0xFFFFFFC0]  }
0x195: {  	v27 =	vld [tilespmem:s6+$0xFFFFFFD0]  }
0x196: {  	v28 =	vld [tilespmem:s6+$0xFFFFFFE0]  }
0x197: {  	v29 =	vld [tilespmem:s6+$0xFFFFFFF0]  }
0x198: {  	[tilespmem:v0+s2+$0x0] =	vst.idx.add.f32.msk $0xffff, v3  }
0x199: {  	[tilespmem:v14+s2+$0x0] =	vst.idx.add.f32.msk $0xffff, v15  }
0x19a: {  	[tilespmem:v1+s2+$0x0] =	vst.idx.add.f32.msk $0xffff, v16  }
0x19b: {  	[tilespmem:v2+s2+$0x0] =	vst.idx.add.f32.msk $0xffff, v17  }
0x19c: {  	[tilespmem:v4+s2+$0x0] =	vst.idx.add.f32.msk $0xffff, v18  }
0x19d: {  	[tilespmem:v5+s2+$0x0] =	vst.idx.add.f32.msk $0xffff, v19  }
0x19e: {  	[tilespmem:v6+s2+$0x0] =	vst.idx.add.f32.msk $0xffff, v20  }
0x19f: {  	[tilespmem:v7+s2+$0x0] =	vst.idx.add.f32.msk $0xffff, v21  }
0x1a0: {  	[tilespmem:v62+s2+$0x0] =	vst.idx.add.f32.msk $0xffff, v22  }
0x1a1: {  	[tilespmem:v63+s2+$0x0] =	vst.idx.add.f32.msk $0xffff, v23  }
0x1a2: {  	[tilespmem:v8+s2+$0x0] =	vst.idx.add.f32.msk $0xffff, v24  }
0x1a3: {  	[tilespmem:v9+s2+$0x0] =	vst.idx.add.f32.msk $0xffff, v25  }
0x1a4: {  	[tilespmem:v10+s2+$0x0] =	vst.idx.add.f32.msk $0xffff, v26  }
0x1a5: {  	[tilespmem:v11+s2+$0x0] =	vst.idx.add.f32.msk $0xffff, v27  }
0x1a6: {  	[tilespmem:v12+s2+$0x0] =	vst.idx.add.f32.msk $0xffff, v28  }
0x1a7: {  	s8 =	simm.s32 $0xE570;
	s7 =	simm.s32 $0x0;
	[tilespmem:v13+s2+$0x0] =	vst.idx.add.f32.msk $0xffff, v29  }
.LBB2_11:
0x1a8: {  	v0 =	vld [tilespmem:s8+$0x0];
	s7 =	sadd.s32 $0x100, s7  }
0x1a9: {  	v1 =	vld [tilespmem:s8+$0xFFFFFF20];
	p0 =	slt.u32 s7, $0x3D00  }
0x1aa: {  	s6 =	sadd.s32 $0x100, s6;
	v2 =	vld [tilespmem:s8+$0xFFFFFF30]  }
0x1ab: {  	v3 =	vld [tilespmem:s6+$0x0]  }
0x1ac: {  	v4 =	vld [tilespmem:s8+$0xFFFFFF40]  }
0x1ad: {  	v5 =	vld [tilespmem:s8+$0xFFFFFF50]  }
0x1ae: {  	v6 =	vld [tilespmem:s8+$0xFFFFFF60]  }
0x1af: {  	v7 =	vld [tilespmem:s8+$0xFFFFFF70]  }
0x1b0: {  	s9 =	simm.s32 $0x3DF0;
	s10 =	simm.s32 $0x12180;
	s11 =	simm.s32 $0xA480;
	[tilespmem:v0+s2+$0x0] =	vst.idx.add.f32.msk $0xffff, v3  }
0x1b1: {  	v0 =	vld [tilespmem:s8+$0xFFFFFF80]  }
0x1b2: {  	v3 =	vld [tilespmem:s8+$0xFFFFFF90]  }
0x1b3: {  	v8 =	vld [tilespmem:s8+$0xFFFFFFA0]  }
0x1b4: {  	v9 =	vld [tilespmem:s8+$0xFFFFFFB0]  }
0x1b5: {  	v10 =	vld [tilespmem:s8+$0xFFFFFFC0]  }
0x1b6: {  	v11 =	vld [tilespmem:s8+$0xFFFFFFD0]  }
0x1b7: {  	v12 =	vld [tilespmem:s8+$0xFFFFFFE0]  }
0x1b8: {  	v13 =	vld [tilespmem:s8+$0xFFFFFFF0]  }
0x1b9: {  	v14 =	vld [tilespmem:s8+$0xFFFFFF10]  }
0x1ba: {  	v15 =	vld [tilespmem:s6+$0xFFFFFF10]  }
0x1bb: {  	v16 =	vld [tilespmem:s6+$0xFFFFFF20]  }
0x1bc: {  	v17 =	vld [tilespmem:s6+$0xFFFFFF30]  }
0x1bd: {  	v18 =	vld [tilespmem:s6+$0xFFFFFF40]  }
0x1be: {  	v19 =	vld [tilespmem:s6+$0xFFFFFF50]  }
0x1bf: {  	v20 =	vld [tilespmem:s6+$0xFFFFFF60]  }
0x1c0: {  	v21 =	vld [tilespmem:s6+$0xFFFFFF70]  }
0x1c1: {  	v22 =	vld [tilespmem:s6+$0xFFFFFF80]  }
0x1c2: {  	v23 =	vld [tilespmem:s6+$0xFFFFFF90]  }
0x1c3: {  	v24 =	vld [tilespmem:s6+$0xFFFFFFA0]  }
0x1c4: {  	v25 =	vld [tilespmem:s6+$0xFFFFFFB0]  }
0x1c5: {  	v26 =	vld [tilespmem:s6+$0xFFFFFFC0]  }
0x1c6: {  	v27 =	vld [tilespmem:s6+$0xFFFFFFD0]  }
0x1c7: {  	v28 =	vld [tilespmem:s6+$0xFFFFFFE0]  }
0x1c8: {  	v29 =	vld [tilespmem:s6+$0xFFFFFFF0]  }
0x1c9: {  	[tilespmem:v14+s2+$0x0] =	vst.idx.add.f32.msk $0xffff, v15  }
0x1ca: {  	[tilespmem:v1+s2+$0x0] =	vst.idx.add.f32.msk $0xffff, v16  }
0x1cb: {  	[tilespmem:v2+s2+$0x0] =	vst.idx.add.f32.msk $0xffff, v17  }
0x1cc: {  	[tilespmem:v4+s2+$0x0] =	vst.idx.add.f32.msk $0xffff, v18  }
0x1cd: {  	[tilespmem:v5+s2+$0x0] =	vst.idx.add.f32.msk $0xffff, v19  }
0x1ce: {  	[tilespmem:v6+s2+$0x0] =	vst.idx.add.f32.msk $0xffff, v20  }
0x1cf: {  	[tilespmem:v7+s2+$0x0] =	vst.idx.add.f32.msk $0xffff, v21  }
0x1d0: {  	[tilespmem:v0+s2+$0x0] =	vst.idx.add.f32.msk $0xffff, v22  }
0x1d1: {  	[tilespmem:v3+s2+$0x0] =	vst.idx.add.f32.msk $0xffff, v23  }
0x1d2: {  	[tilespmem:v8+s2+$0x0] =	vst.idx.add.f32.msk $0xffff, v24  }
.Ltmp6:
0x1d3: {  	[tilespmem:v9+s2+$0x0] =	vst.idx.add.f32.msk $0xffff, v25;
	(pc) =	sbr.rel @p0 .LBB2_11-.Ltmp6, $4  }
0x1d4: {  	[tilespmem:v10+s2+$0x0] =	vst.idx.add.f32.msk $0xffff, v26  }
0x1d5: {  	[tilespmem:v11+s2+$0x0] =	vst.idx.add.f32.msk $0xffff, v27  }
0x1d6: {  	[tilespmem:v12+s2+$0x0] =	vst.idx.add.f32.msk $0xffff, v28  }
0x1d7: {  	s8 =	sadd.s32 $0x100, s8;
	[tilespmem:v13+s2+$0x0] =	vst.idx.add.f32.msk $0xffff, v29  }
.LBB2_12:
0x1d8: {  	v0 =	vld [tilespmem:s10+$0x0];
	_ =	sdelay $0x1  }
0x1d9: {  	s9 =	sadd.s32 $0x10, s9  }
0x1da: {  	v1 =	vld [tilespmem:s11+$0x0];
	p0 =	slt.u32 s9, $0x3E70  }
.Ltmp7:
0x1db: {  	_ = 	snop;
	(pc) =	sbr.rel @p0 .LBB2_12-.Ltmp7, $2  }
0x1dc: {  	_ =	sdelay $0x2  }
0x1dd: {  	s10 =	sadd.s32 $0x10, s10;
	s11 =	sadd.s32 $0x10, s11;
	[tilespmem:v0+s2+$0x0] =	vst.idx.add.f32.msk $0xffff, v1  }
0x1de: {  	[tilespmem:s30], [sflag:$0x3] =	stream.linear.gather [hbm4b:s14+s2], $0x3E80, $0x38;
	[tilespmem:$0x12200] =	vst v63  }
0x1df: {  	_ = 	snop  }
0x1e0: {  	[tilespmem:s31], [sflag:$0x4] =	stream.linear.gather [hbm4b:s15+s2], $0x3E80, $0x38;
	[tilespmem:$0x12200] =	vst v63  }
0x1e1: {  	_ =	swait.ge [sflag:s1], $0x3E80  }
0x1e2: {  	[sflag:s1] =	ssyncset.done $0x0  }
0x1e3: {  	[sflag:s1] =	ssyncadd.s32 $0xFFFFC180  }
0x1e4: {  	_ =	swait.ge [sflag:s0], $0x3E80  }
0x1e5: {  	[sflag:s0] =	ssyncset.done $0x0  }
0x1e6: {  	s7 =	simm.s32 $0xA580;
	[sflag:s0] =	ssyncadd.s32 $0xFFFFC180  }
0x1e7: {  	v0 =	vld [tilespmem:s7+$0x70]  }
0x1e8: {  	v1 =	vld [tilespmem:s7+$0xFFFFFF90]  }
0x1e9: {  	s6 =	simm.s32 $0x2880;
	v2 =	vld [tilespmem:s7+$0xFFFFFFA0]  }
0x1ea: {  	v3 =	vld [tilespmem:s6+$0x70]  }
0x1eb: {  	v4 =	vld [tilespmem:s7+$0xFFFFFFB0]  }
0x1ec: {  	v5 =	vld [tilespmem:s7+$0xFFFFFFC0]  }
0x1ed: {  	v6 =	vld [tilespmem:s7+$0xFFFFFFD0]  }
0x1ee: {  	v7 =	vld [tilespmem:s7+$0xFFFFFFE0]  }
0x1ef: {  	v62 =	vld [tilespmem:s7+$0xFFFFFFF0]  }
0x1f0: {  	v63 =	vld [tilespmem:s7+$0x0]  }
0x1f1: {  	v8 =	vld [tilespmem:s7+$0x10]  }
0x1f2: {  	v9 =	vld [tilespmem:s7+$0x20]  }
0x1f3: {  	v10 =	vld [tilespmem:s7+$0x30]  }
0x1f4: {  	v11 =	vld [tilespmem:s7+$0x40]  }
0x1f5: {  	v12 =	vld [tilespmem:s7+$0x50]  }
0x1f6: {  	v13 =	vld [tilespmem:s7+$0x60]  }
0x1f7: {  	v14 =	vld [tilespmem:s7+$0xFFFFFF80]  }
0x1f8: {  	v15 =	vld [tilespmem:s6+$0xFFFFFF80]  }
0x1f9: {  	v16 =	vld [tilespmem:s6+$0xFFFFFF90]  }
0x1fa: {  	v17 =	vld [tilespmem:s6+$0xFFFFFFA0]  }
0x1fb: {  	v18 =	vld [tilespmem:s6+$0xFFFFFFB0]  }
0x1fc: {  	v19 =	vld [tilespmem:s6+$0xFFFFFFC0]  }
0x1fd: {  	v20 =	vld [tilespmem:s6+$0xFFFFFFD0]  }
0x1fe: {  	v21 =	vld [tilespmem:s6+$0xFFFFFFE0]  }
0x1ff: {  	v22 =	vld [tilespmem:s6+$0xFFFFFFF0]  }
0x200: {  	v23 =	vld [tilespmem:s6+$0x0]  }
0x201: {  	v24 =	vld [tilespmem:s6+$0x10]  }
0x202: {  	v25 =	vld [tilespmem:s6+$0x20]  }
0x203: {  	v26 =	vld [tilespmem:s6+$0x30]  }
0x204: {  	v27 =	vld [tilespmem:s6+$0x40]  }
0x205: {  	v28 =	vld [tilespmem:s6+$0x50]  }
0x206: {  	v29 =	vld [tilespmem:s6+$0x60]  }
0x207: {  	[tilespmem:v0+s2+$0x0] =	vst.idx.add.f32.msk $0xffff, v3  }
0x208: {  	[tilespmem:v14+s2+$0x0] =	vst.idx.add.f32.msk $0xffff, v15  }
0x209: {  	[tilespmem:v1+s2+$0x0] =	vst.idx.add.f32.msk $0xffff, v16  }
0x20a: {  	[tilespmem:v2+s2+$0x0] =	vst.idx.add.f32.msk $0xffff, v17  }
0x20b: {  	[tilespmem:v4+s2+$0x0] =	vst.idx.add.f32.msk $0xffff, v18  }
0x20c: {  	[tilespmem:v5+s2+$0x0] =	vst.idx.add.f32.msk $0xffff, v19  }
0x20d: {  	[tilespmem:v6+s2+$0x0] =	vst.idx.add.f32.msk $0xffff, v20  }
0x20e: {  	[tilespmem:v7+s2+$0x0] =	vst.idx.add.f32.msk $0xffff, v21  }
0x20f: {  	[tilespmem:v62+s2+$0x0] =	vst.idx.add.f32.msk $0xffff, v22  }
0x210: {  	[tilespmem:v63+s2+$0x0] =	vst.idx.add.f32.msk $0xffff, v23  }
0x211: {  	[tilespmem:v8+s2+$0x0] =	vst.idx.add.f32.msk $0xffff, v24  }
0x212: {  	[tilespmem:v9+s2+$0x0] =	vst.idx.add.f32.msk $0xffff, v25  }
0x213: {  	[tilespmem:v10+s2+$0x0] =	vst.idx.add.f32.msk $0xffff, v26  }
0x214: {  	[tilespmem:v11+s2+$0x0] =	vst.idx.add.f32.msk $0xffff, v27  }
0x215: {  	[tilespmem:v12+s2+$0x0] =	vst.idx.add.f32.msk $0xffff, v28  }
0x216: {  	s8 =	simm.s32 $0xA680;
	s7 =	simm.s32 $0x0;
	[tilespmem:v13+s2+$0x0] =	vst.idx.add.f32.msk $0xffff, v29  }
.LBB2_14:
0x217: {  	v0 =	vld [tilespmem:s8+$0x70];
	s7 =	sadd.s32 $0x100, s7  }
0x218: {  	v1 =	vld [tilespmem:s8+$0xFFFFFF90];
	p0 =	slt.u32 s7, $0x3D00  }
0x219: {  	s6 =	sadd.s32 $0x100, s6;
	v2 =	vld [tilespmem:s8+$0xFFFFFFA0]  }
0x21a: {  	v3 =	vld [tilespmem:s6+$0x70]  }
0x21b: {  	v4 =	vld [tilespmem:s8+$0xFFFFFFB0]  }
0x21c: {  	v5 =	vld [tilespmem:s8+$0xFFFFFFC0]  }
0x21d: {  	v6 =	vld [tilespmem:s8+$0xFFFFFFD0]  }
0x21e: {  	v7 =	vld [tilespmem:s8+$0xFFFFFFE0]  }
0x21f: {  	s9 =	simm.s32 $0x3DF0;
	s10 =	simm.s32 $0x6600;
	s11 =	simm.s32 $0xE300;
	[tilespmem:v0+s2+$0x0] =	vst.idx.add.f32.msk $0xffff, v3  }
0x220: {  	v0 =	vld [tilespmem:s8+$0xFFFFFFF0]  }
0x221: {  	v3 =	vld [tilespmem:s8+$0x0]  }
0x222: {  	v8 =	vld [tilespmem:s8+$0x10]  }
0x223: {  	v9 =	vld [tilespmem:s8+$0x20]  }
0x224: {  	v10 =	vld [tilespmem:s8+$0x30]  }
0x225: {  	v11 =	vld [tilespmem:s8+$0x40]  }
0x226: {  	v12 =	vld [tilespmem:s8+$0x50]  }
0x227: {  	v13 =	vld [tilespmem:s8+$0x60]  }
0x228: {  	v14 =	vld [tilespmem:s8+$0xFFFFFF80]  }
0x229: {  	v15 =	vld [tilespmem:s6+$0xFFFFFF80]  }
0x22a: {  	v16 =	vld [tilespmem:s6+$0xFFFFFF90]  }
0x22b: {  	v17 =	vld [tilespmem:s6+$0xFFFFFFA0]  }
0x22c: {  	v18 =	vld [tilespmem:s6+$0xFFFFFFB0]  }
0x22d: {  	v19 =	vld [tilespmem:s6+$0xFFFFFFC0]  }
0x22e: {  	v20 =	vld [tilespmem:s6+$0xFFFFFFD0]  }
0x22f: {  	v21 =	vld [tilespmem:s6+$0xFFFFFFE0]  }
0x230: {  	v22 =	vld [tilespmem:s6+$0xFFFFFFF0]  }
0x231: {  	v23 =	vld [tilespmem:s6+$0x0]  }
0x232: {  	v24 =	vld [tilespmem:s6+$0x10]  }
0x233: {  	v25 =	vld [tilespmem:s6+$0x20]  }
0x234: {  	v26 =	vld [tilespmem:s6+$0x30]  }
0x235: {  	v27 =	vld [tilespmem:s6+$0x40]  }
0x236: {  	v28 =	vld [tilespmem:s6+$0x50]  }
0x237: {  	v29 =	vld [tilespmem:s6+$0x60]  }
0x238: {  	[tilespmem:v14+s2+$0x0] =	vst.idx.add.f32.msk $0xffff, v15  }
0x239: {  	[tilespmem:v1+s2+$0x0] =	vst.idx.add.f32.msk $0xffff, v16  }
0x23a: {  	[tilespmem:v2+s2+$0x0] =	vst.idx.add.f32.msk $0xffff, v17  }
0x23b: {  	[tilespmem:v4+s2+$0x0] =	vst.idx.add.f32.msk $0xffff, v18  }
0x23c: {  	[tilespmem:v5+s2+$0x0] =	vst.idx.add.f32.msk $0xffff, v19  }
0x23d: {  	[tilespmem:v6+s2+$0x0] =	vst.idx.add.f32.msk $0xffff, v20  }
0x23e: {  	[tilespmem:v7+s2+$0x0] =	vst.idx.add.f32.msk $0xffff, v21  }
0x23f: {  	[tilespmem:v0+s2+$0x0] =	vst.idx.add.f32.msk $0xffff, v22  }
0x240: {  	[tilespmem:v3+s2+$0x0] =	vst.idx.add.f32.msk $0xffff, v23  }
0x241: {  	[tilespmem:v8+s2+$0x0] =	vst.idx.add.f32.msk $0xffff, v24  }
.Ltmp8:
0x242: {  	[tilespmem:v9+s2+$0x0] =	vst.idx.add.f32.msk $0xffff, v25;
	(pc) =	sbr.rel @p0 .LBB2_14-.Ltmp8, $4  }
0x243: {  	[tilespmem:v10+s2+$0x0] =	vst.idx.add.f32.msk $0xffff, v26  }
0x244: {  	[tilespmem:v11+s2+$0x0] =	vst.idx.add.f32.msk $0xffff, v27  }
0x245: {  	[tilespmem:v12+s2+$0x0] =	vst.idx.add.f32.msk $0xffff, v28  }
0x246: {  	s8 =	sadd.s32 $0x100, s8;
	[tilespmem:v13+s2+$0x0] =	vst.idx.add.f32.msk $0xffff, v29  }
.LBB2_15:
0x247: {  	v0 =	vld [tilespmem:s11+$0x0];
	_ =	sdelay $0x1  }
0x248: {  	s9 =	sadd.s32 $0x10, s9  }
0x249: {  	v1 =	vld [tilespmem:s10+$0x0];
	p0 =	slt.u32 s9, $0x3E70  }
.Ltmp9:
0x24a: {  	_ = 	snop;
	(pc) =	sbr.rel @p0 .LBB2_15-.Ltmp9, $2  }
0x24b: {  	_ =	sdelay $0x2  }
0x24c: {  	s10 =	sadd.s32 $0x10, s10;
	s11 =	sadd.s32 $0x10, s11;
	[tilespmem:v0+s2+$0x0] =	vst.idx.add.f32.msk $0xffff, v1  }
0x24d: {  	[tilespmem:s28], [sflag:$0x1] =	stream.linear.gather [hbm4b:s16+s2], $0x3E80, $0x38;
	[tilespmem:$0x12200] =	vst v63  }
0x24e: {  	_ = 	snop  }
0x24f: {  	[tilespmem:s29], [sflag:$0x2] =	stream.linear.gather [hbm4b:s17+s2], $0x3E80, $0x38;
	[tilespmem:$0x12200] =	vst v63  }
0x250: {  	_ =	swait.ge [sflag:s3], $0x3E80  }
0x251: {  	[sflag:s3] =	ssyncset.done $0x0  }
0x252: {  	[sflag:s3] =	ssyncadd.s32 $0xFFFFC180  }
0x253: {  	_ =	swait.ge [sflag:s4], $0x3E80  }
0x254: {  	[sflag:s4] =	ssyncset.done $0x0  }
0x255: {  	s7 =	simm.s32 $0xE470;
	[sflag:s4] =	ssyncadd.s32 $0xFFFFC180  }
0x256: {  	v0 =	vld [tilespmem:s7+$0x0]  }
0x257: {  	v1 =	vld [tilespmem:s7+$0xFFFFFF20]  }
0x258: {  	s6 =	simm.s32 $0x6770;
	v2 =	vld [tilespmem:s7+$0xFFFFFF30]  }
0x259: {  	v3 =	vld [tilespmem:s6+$0x0]  }
0x25a: {  	v4 =	vld [tilespmem:s7+$0xFFFFFF40]  }
0x25b: {  	v5 =	vld [tilespmem:s7+$0xFFFFFF50]  }
0x25c: {  	v6 =	vld [tilespmem:s7+$0xFFFFFF60]  }
0x25d: {  	v7 =	vld [tilespmem:s7+$0xFFFFFF70]  }
0x25e: {  	v62 =	vld [tilespmem:s7+$0xFFFFFF80]  }
0x25f: {  	v63 =	vld [tilespmem:s7+$0xFFFFFF90]  }
0x260: {  	v8 =	vld [tilespmem:s7+$0xFFFFFFA0]  }
0x261: {  	v9 =	vld [tilespmem:s7+$0xFFFFFFB0]  }
0x262: {  	v10 =	vld [tilespmem:s7+$0xFFFFFFC0]  }
0x263: {  	v11 =	vld [tilespmem:s7+$0xFFFFFFD0]  }
0x264: {  	v12 =	vld [tilespmem:s7+$0xFFFFFFE0]  }
0x265: {  	v13 =	vld [tilespmem:s7+$0xFFFFFFF0]  }
0x266: {  	v14 =	vld [tilespmem:s7+$0xFFFFFF10]  }
0x267: {  	v15 =	vld [tilespmem:s6+$0xFFFFFF10]  }
0x268: {  	v16 =	vld [tilespmem:s6+$0xFFFFFF20]  }
0x269: {  	v17 =	vld [tilespmem:s6+$0xFFFFFF30]  }
0x26a: {  	v18 =	vld [tilespmem:s6+$0xFFFFFF40]  }
0x26b: {  	v19 =	vld [tilespmem:s6+$0xFFFFFF50]  }
0x26c: {  	v20 =	vld [tilespmem:s6+$0xFFFFFF60]  }
0x26d: {  	v21 =	vld [tilespmem:s6+$0xFFFFFF70]  }
0x26e: {  	v22 =	vld [tilespmem:s6+$0xFFFFFF80]  }
0x26f: {  	v23 =	vld [tilespmem:s6+$0xFFFFFF90]  }
0x270: {  	v24 =	vld [tilespmem:s6+$0xFFFFFFA0]  }
0x271: {  	v25 =	vld [tilespmem:s6+$0xFFFFFFB0]  }
0x272: {  	v26 =	vld [tilespmem:s6+$0xFFFFFFC0]  }
0x273: {  	v27 =	vld [tilespmem:s6+$0xFFFFFFD0]  }
0x274: {  	v28 =	vld [tilespmem:s6+$0xFFFFFFE0]  }
0x275: {  	v29 =	vld [tilespmem:s6+$0xFFFFFFF0]  }
0x276: {  	[tilespmem:v0+s2+$0x0] =	vst.idx.add.f32.msk $0xffff, v3  }
0x277: {  	[tilespmem:v14+s2+$0x0] =	vst.idx.add.f32.msk $0xffff, v15  }
0x278: {  	[tilespmem:v1+s2+$0x0] =	vst.idx.add.f32.msk $0xffff, v16  }
0x279: {  	[tilespmem:v2+s2+$0x0] =	vst.idx.add.f32.msk $0xffff, v17  }
0x27a: {  	[tilespmem:v4+s2+$0x0] =	vst.idx.add.f32.msk $0xffff, v18  }
0x27b: {  	[tilespmem:v5+s2+$0x0] =	vst.idx.add.f32.msk $0xffff, v19  }
0x27c: {  	[tilespmem:v6+s2+$0x0] =	vst.idx.add.f32.msk $0xffff, v20  }
0x27d: {  	[tilespmem:v7+s2+$0x0] =	vst.idx.add.f32.msk $0xffff, v21  }
0x27e: {  	[tilespmem:v62+s2+$0x0] =	vst.idx.add.f32.msk $0xffff, v22  }
0x27f: {  	[tilespmem:v63+s2+$0x0] =	vst.idx.add.f32.msk $0xffff, v23  }
0x280: {  	[tilespmem:v8+s2+$0x0] =	vst.idx.add.f32.msk $0xffff, v24  }
0x281: {  	[tilespmem:v9+s2+$0x0] =	vst.idx.add.f32.msk $0xffff, v25  }
0x282: {  	[tilespmem:v10+s2+$0x0] =	vst.idx.add.f32.msk $0xffff, v26  }
0x283: {  	[tilespmem:v11+s2+$0x0] =	vst.idx.add.f32.msk $0xffff, v27  }
0x284: {  	[tilespmem:v12+s2+$0x0] =	vst.idx.add.f32.msk $0xffff, v28  }
0x285: {  	s8 =	simm.s32 $0xE570;
	s7 =	simm.s32 $0x0;
	[tilespmem:v13+s2+$0x0] =	vst.idx.add.f32.msk $0xffff, v29  }
.LBB2_17:
0x286: {  	v0 =	vld [tilespmem:s8+$0x0];
	s7 =	sadd.s32 $0x100, s7  }
0x287: {  	v1 =	vld [tilespmem:s8+$0xFFFFFF20];
	p0 =	slt.u32 s7, $0x3D00  }
0x288: {  	s6 =	sadd.s32 $0x100, s6;
	v2 =	vld [tilespmem:s8+$0xFFFFFF30]  }
0x289: {  	v3 =	vld [tilespmem:s6+$0x0]  }
0x28a: {  	v4 =	vld [tilespmem:s8+$0xFFFFFF40]  }
0x28b: {  	v5 =	vld [tilespmem:s8+$0xFFFFFF50]  }
0x28c: {  	v6 =	vld [tilespmem:s8+$0xFFFFFF60]  }
0x28d: {  	v7 =	vld [tilespmem:s8+$0xFFFFFF70]  }
0x28e: {  	s9 =	simm.s32 $0x3DF0;
	s10 =	simm.s32 $0x12180;
	s11 =	simm.s32 $0xA480;
	[tilespmem:v0+s2+$0x0] =	vst.idx.add.f32.msk $0xffff, v3  }
0x28f: {  	v0 =	vld [tilespmem:s8+$0xFFFFFF80]  }
0x290: {  	v3 =	vld [tilespmem:s8+$0xFFFFFF90]  }
0x291: {  	v8 =	vld [tilespmem:s8+$0xFFFFFFA0]  }
0x292: {  	v9 =	vld [tilespmem:s8+$0xFFFFFFB0]  }
0x293: {  	v10 =	vld [tilespmem:s8+$0xFFFFFFC0]  }
0x294: {  	v11 =	vld [tilespmem:s8+$0xFFFFFFD0]  }
0x295: {  	v12 =	vld [tilespmem:s8+$0xFFFFFFE0]  }
0x296: {  	v13 =	vld [tilespmem:s8+$0xFFFFFFF0]  }
0x297: {  	v14 =	vld [tilespmem:s8+$0xFFFFFF10]  }
0x298: {  	v15 =	vld [tilespmem:s6+$0xFFFFFF10]  }
0x299: {  	v16 =	vld [tilespmem:s6+$0xFFFFFF20]  }
0x29a: {  	v17 =	vld [tilespmem:s6+$0xFFFFFF30]  }
0x29b: {  	v18 =	vld [tilespmem:s6+$0xFFFFFF40]  }
0x29c: {  	v19 =	vld [tilespmem:s6+$0xFFFFFF50]  }
0x29d: {  	v20 =	vld [tilespmem:s6+$0xFFFFFF60]  }
0x29e: {  	v21 =	vld [tilespmem:s6+$0xFFFFFF70]  }
0x29f: {  	v22 =	vld [tilespmem:s6+$0xFFFFFF80]  }
0x2a0: {  	v23 =	vld [tilespmem:s6+$0xFFFFFF90]  }
0x2a1: {  	v24 =	vld [tilespmem:s6+$0xFFFFFFA0]  }
0x2a2: {  	v25 =	vld [tilespmem:s6+$0xFFFFFFB0]  }
0x2a3: {  	v26 =	vld [tilespmem:s6+$0xFFFFFFC0]  }
0x2a4: {  	v27 =	vld [tilespmem:s6+$0xFFFFFFD0]  }
0x2a5: {  	v28 =	vld [tilespmem:s6+$0xFFFFFFE0]  }
0x2a6: {  	v29 =	vld [tilespmem:s6+$0xFFFFFFF0]  }
0x2a7: {  	[tilespmem:v14+s2+$0x0] =	vst.idx.add.f32.msk $0xffff, v15  }
0x2a8: {  	[tilespmem:v1+s2+$0x0] =	vst.idx.add.f32.msk $0xffff, v16  }
0x2a9: {  	[tilespmem:v2+s2+$0x0] =	vst.idx.add.f32.msk $0xffff, v17  }
0x2aa: {  	[tilespmem:v4+s2+$0x0] =	vst.idx.add.f32.msk $0xffff, v18  }
0x2ab: {  	[tilespmem:v5+s2+$0x0] =	vst.idx.add.f32.msk $0xffff, v19  }
0x2ac: {  	[tilespmem:v6+s2+$0x0] =	vst.idx.add.f32.msk $0xffff, v20  }
0x2ad: {  	[tilespmem:v7+s2+$0x0] =	vst.idx.add.f32.msk $0xffff, v21  }
0x2ae: {  	[tilespmem:v0+s2+$0x0] =	vst.idx.add.f32.msk $0xffff, v22  }
0x2af: {  	[tilespmem:v3+s2+$0x0] =	vst.idx.add.f32.msk $0xffff, v23  }
0x2b0: {  	[tilespmem:v8+s2+$0x0] =	vst.idx.add.f32.msk $0xffff, v24  }
.Ltmp10:
0x2b1: {  	[tilespmem:v9+s2+$0x0] =	vst.idx.add.f32.msk $0xffff, v25;
	(pc) =	sbr.rel @p0 .LBB2_17-.Ltmp10, $4  }
0x2b2: {  	[tilespmem:v10+s2+$0x0] =	vst.idx.add.f32.msk $0xffff, v26  }
0x2b3: {  	[tilespmem:v11+s2+$0x0] =	vst.idx.add.f32.msk $0xffff, v27  }
0x2b4: {  	[tilespmem:v12+s2+$0x0] =	vst.idx.add.f32.msk $0xffff, v28  }
0x2b5: {  	s8 =	sadd.s32 $0x100, s8;
	[tilespmem:v13+s2+$0x0] =	vst.idx.add.f32.msk $0xffff, v29  }
.LBB2_18:
0x2b6: {  	v0 =	vld [tilespmem:s10+$0x0];
	_ =	sdelay $0x1  }
0x2b7: {  	s9 =	sadd.s32 $0x10, s9  }
0x2b8: {  	v1 =	vld [tilespmem:s11+$0x0];
	p0 =	slt.u32 s9, $0x3E70  }
.Ltmp11:
0x2b9: {  	_ = 	snop;
	(pc) =	sbr.rel @p0 .LBB2_18-.Ltmp11, $2  }
0x2ba: {  	_ =	sdelay $0x2  }
0x2bb: {  	s10 =	sadd.s32 $0x10, s10;
	s11 =	sadd.s32 $0x10, s11;
	[tilespmem:v0+s2+$0x0] =	vst.idx.add.f32.msk $0xffff, v1  }
0x2bc: {  	[tilespmem:s30], [sflag:$0x3] =	stream.linear.gather [hbm4b:s18+s2], $0x3E80, $0x38;
	[tilespmem:$0x12200] =	vst v63  }
0x2bd: {  	_ = 	snop  }
0x2be: {  	[tilespmem:s31], [sflag:$0x4] =	stream.linear.gather [hbm4b:s19+s2], $0x3E80, $0x38;
	[tilespmem:$0x12200] =	vst v63  }
0x2bf: {  	_ =	swait.ge [sflag:s1], $0x3E80  }
0x2c0: {  	[sflag:s1] =	ssyncset.done $0x0  }
0x2c1: {  	[sflag:s1] =	ssyncadd.s32 $0xFFFFC180  }
0x2c2: {  	_ =	swait.ge [sflag:s0], $0x3E80  }
0x2c3: {  	[sflag:s0] =	ssyncset.done $0x0  }
0x2c4: {  	s7 =	simm.s32 $0xA580;
	[sflag:s0] =	ssyncadd.s32 $0xFFFFC180  }
0x2c5: {  	v0 =	vld [tilespmem:s7+$0x70]  }
0x2c6: {  	v1 =	vld [tilespmem:s7+$0xFFFFFF90]  }
0x2c7: {  	s6 =	simm.s32 $0x2880;
	v2 =	vld [tilespmem:s7+$0xFFFFFFA0]  }
0x2c8: {  	v3 =	vld [tilespmem:s6+$0x70]  }
0x2c9: {  	v4 =	vld [tilespmem:s7+$0xFFFFFFB0]  }
0x2ca: {  	v5 =	vld [tilespmem:s7+$0xFFFFFFC0]  }
0x2cb: {  	v6 =	vld [tilespmem:s7+$0xFFFFFFD0]  }
0x2cc: {  	v7 =	vld [tilespmem:s7+$0xFFFFFFE0]  }
0x2cd: {  	v62 =	vld [tilespmem:s7+$0xFFFFFFF0]  }
0x2ce: {  	v63 =	vld [tilespmem:s7+$0x0]  }
0x2cf: {  	v8 =	vld [tilespmem:s7+$0x10]  }
0x2d0: {  	v9 =	vld [tilespmem:s7+$0x20]  }
0x2d1: {  	v10 =	vld [tilespmem:s7+$0x30]  }
0x2d2: {  	v11 =	vld [tilespmem:s7+$0x40]  }
0x2d3: {  	v12 =	vld [tilespmem:s7+$0x50]  }
0x2d4: {  	v13 =	vld [tilespmem:s7+$0x60]  }
0x2d5: {  	v14 =	vld [tilespmem:s7+$0xFFFFFF80]  }
0x2d6: {  	v15 =	vld [tilespmem:s6+$0xFFFFFF80]  }
0x2d7: {  	v16 =	vld [tilespmem:s6+$0xFFFFFF90]  }
0x2d8: {  	v17 =	vld [tilespmem:s6+$0xFFFFFFA0]  }
0x2d9: {  	v18 =	vld [tilespmem:s6+$0xFFFFFFB0]  }
0x2da: {  	v19 =	vld [tilespmem:s6+$0xFFFFFFC0]  }
0x2db: {  	v20 =	vld [tilespmem:s6+$0xFFFFFFD0]  }
0x2dc: {  	v21 =	vld [tilespmem:s6+$0xFFFFFFE0]  }
0x2dd: {  	v22 =	vld [tilespmem:s6+$0xFFFFFFF0]  }
0x2de: {  	v23 =	vld [tilespmem:s6+$0x0]  }
0x2df: {  	v24 =	vld [tilespmem:s6+$0x10]  }
0x2e0: {  	v25 =	vld [tilespmem:s6+$0x20]  }
0x2e1: {  	v26 =	vld [tilespmem:s6+$0x30]  }
0x2e2: {  	v27 =	vld [tilespmem:s6+$0x40]  }
0x2e3: {  	v28 =	vld [tilespmem:s6+$0x50]  }
0x2e4: {  	v29 =	vld [tilespmem:s6+$0x60]  }
0x2e5: {  	[tilespmem:v0+s2+$0x0] =	vst.idx.add.f32.msk $0xffff, v3  }
0x2e6: {  	[tilespmem:v14+s2+$0x0] =	vst.idx.add.f32.msk $0xffff, v15  }
0x2e7: {  	[tilespmem:v1+s2+$0x0] =	vst.idx.add.f32.msk $0xffff, v16  }
0x2e8: {  	[tilespmem:v2+s2+$0x0] =	vst.idx.add.f32.msk $0xffff, v17  }
0x2e9: {  	[tilespmem:v4+s2+$0x0] =	vst.idx.add.f32.msk $0xffff, v18  }
0x2ea: {  	[tilespmem:v5+s2+$0x0] =	vst.idx.add.f32.msk $0xffff, v19  }
0x2eb: {  	[tilespmem:v6+s2+$0x0] =	vst.idx.add.f32.msk $0xffff, v20  }
0x2ec: {  	[tilespmem:v7+s2+$0x0] =	vst.idx.add.f32.msk $0xffff, v21  }
0x2ed: {  	[tilespmem:v62+s2+$0x0] =	vst.idx.add.f32.msk $0xffff, v22  }
0x2ee: {  	[tilespmem:v63+s2+$0x0] =	vst.idx.add.f32.msk $0xffff, v23  }
0x2ef: {  	[tilespmem:v8+s2+$0x0] =	vst.idx.add.f32.msk $0xffff, v24  }
0x2f0: {  	[tilespmem:v9+s2+$0x0] =	vst.idx.add.f32.msk $0xffff, v25  }
0x2f1: {  	[tilespmem:v10+s2+$0x0] =	vst.idx.add.f32.msk $0xffff, v26  }
0x2f2: {  	[tilespmem:v11+s2+$0x0] =	vst.idx.add.f32.msk $0xffff, v27  }
0x2f3: {  	[tilespmem:v12+s2+$0x0] =	vst.idx.add.f32.msk $0xffff, v28  }
0x2f4: {  	s8 =	simm.s32 $0xA680;
	s7 =	simm.s32 $0x0;
	[tilespmem:v13+s2+$0x0] =	vst.idx.add.f32.msk $0xffff, v29  }
.LBB2_20:
0x2f5: {  	v0 =	vld [tilespmem:s8+$0x70];
	s7 =	sadd.s32 $0x100, s7  }
0x2f6: {  	v1 =	vld [tilespmem:s8+$0xFFFFFF90];
	p0 =	slt.u32 s7, $0x3D00  }
0x2f7: {  	s6 =	sadd.s32 $0x100, s6;
	v2 =	vld [tilespmem:s8+$0xFFFFFFA0]  }
0x2f8: {  	v3 =	vld [tilespmem:s6+$0x70]  }
0x2f9: {  	v4 =	vld [tilespmem:s8+$0xFFFFFFB0]  }
0x2fa: {  	v5 =	vld [tilespmem:s8+$0xFFFFFFC0]  }
0x2fb: {  	v6 =	vld [tilespmem:s8+$0xFFFFFFD0]  }
0x2fc: {  	v7 =	vld [tilespmem:s8+$0xFFFFFFE0]  }
0x2fd: {  	s9 =	simm.s32 $0x3DF0;
	s10 =	simm.s32 $0x6600;
	s11 =	simm.s32 $0xE300;
	[tilespmem:v0+s2+$0x0] =	vst.idx.add.f32.msk $0xffff, v3  }
0x2fe: {  	v0 =	vld [tilespmem:s8+$0xFFFFFFF0]  }
0x2ff: {  	v3 =	vld [tilespmem:s8+$0x0]  }
0x300: {  	v8 =	vld [tilespmem:s8+$0x10]  }
0x301: {  	v9 =	vld [tilespmem:s8+$0x20]  }
0x302: {  	v10 =	vld [tilespmem:s8+$0x30]  }
0x303: {  	v11 =	vld [tilespmem:s8+$0x40]  }
0x304: {  	v12 =	vld [tilespmem:s8+$0x50]  }
0x305: {  	v13 =	vld [tilespmem:s8+$0x60]  }
0x306: {  	v14 =	vld [tilespmem:s8+$0xFFFFFF80]  }
0x307: {  	v15 =	vld [tilespmem:s6+$0xFFFFFF80]  }
0x308: {  	v16 =	vld [tilespmem:s6+$0xFFFFFF90]  }
0x309: {  	v17 =	vld [tilespmem:s6+$0xFFFFFFA0]  }
0x30a: {  	v18 =	vld [tilespmem:s6+$0xFFFFFFB0]  }
0x30b: {  	v19 =	vld [tilespmem:s6+$0xFFFFFFC0]  }
0x30c: {  	v20 =	vld [tilespmem:s6+$0xFFFFFFD0]  }
0x30d: {  	v21 =	vld [tilespmem:s6+$0xFFFFFFE0]  }
0x30e: {  	v22 =	vld [tilespmem:s6+$0xFFFFFFF0]  }
0x30f: {  	v23 =	vld [tilespmem:s6+$0x0]  }
0x310: {  	v24 =	vld [tilespmem:s6+$0x10]  }
0x311: {  	v25 =	vld [tilespmem:s6+$0x20]  }
0x312: {  	v26 =	vld [tilespmem:s6+$0x30]  }
0x313: {  	v27 =	vld [tilespmem:s6+$0x40]  }
0x314: {  	v28 =	vld [tilespmem:s6+$0x50]  }
0x315: {  	v29 =	vld [tilespmem:s6+$0x60]  }
0x316: {  	[tilespmem:v14+s2+$0x0] =	vst.idx.add.f32.msk $0xffff, v15  }
0x317: {  	[tilespmem:v1+s2+$0x0] =	vst.idx.add.f32.msk $0xffff, v16  }
0x318: {  	[tilespmem:v2+s2+$0x0] =	vst.idx.add.f32.msk $0xffff, v17  }
0x319: {  	[tilespmem:v4+s2+$0x0] =	vst.idx.add.f32.msk $0xffff, v18  }
0x31a: {  	[tilespmem:v5+s2+$0x0] =	vst.idx.add.f32.msk $0xffff, v19  }
0x31b: {  	[tilespmem:v6+s2+$0x0] =	vst.idx.add.f32.msk $0xffff, v20  }
0x31c: {  	[tilespmem:v7+s2+$0x0] =	vst.idx.add.f32.msk $0xffff, v21  }
0x31d: {  	[tilespmem:v0+s2+$0x0] =	vst.idx.add.f32.msk $0xffff, v22  }
0x31e: {  	[tilespmem:v3+s2+$0x0] =	vst.idx.add.f32.msk $0xffff, v23  }
0x31f: {  	[tilespmem:v8+s2+$0x0] =	vst.idx.add.f32.msk $0xffff, v24  }
.Ltmp12:
0x320: {  	[tilespmem:v9+s2+$0x0] =	vst.idx.add.f32.msk $0xffff, v25;
	(pc) =	sbr.rel @p0 .LBB2_20-.Ltmp12, $4  }
0x321: {  	[tilespmem:v10+s2+$0x0] =	vst.idx.add.f32.msk $0xffff, v26  }
0x322: {  	[tilespmem:v11+s2+$0x0] =	vst.idx.add.f32.msk $0xffff, v27  }
0x323: {  	[tilespmem:v12+s2+$0x0] =	vst.idx.add.f32.msk $0xffff, v28  }
0x324: {  	s8 =	sadd.s32 $0x100, s8;
	[tilespmem:v13+s2+$0x0] =	vst.idx.add.f32.msk $0xffff, v29  }
.LBB2_21:
0x325: {  	v0 =	vld [tilespmem:s11+$0x0];
	_ =	sdelay $0x1  }
0x326: {  	s9 =	sadd.s32 $0x10, s9  }
0x327: {  	v1 =	vld [tilespmem:s10+$0x0];
	p0 =	slt.u32 s9, $0x3E70  }
.Ltmp13:
0x328: {  	_ = 	snop;
	(pc) =	sbr.rel @p0 .LBB2_21-.Ltmp13, $2  }
0x329: {  	_ =	sdelay $0x2  }
0x32a: {  	s10 =	sadd.s32 $0x10, s10;
	s11 =	sadd.s32 $0x10, s11;
	[tilespmem:v0+s2+$0x0] =	vst.idx.add.f32.msk $0xffff, v1  }
0x32b: {  	[tilespmem:s28], [sflag:$0x1] =	stream.linear.gather [hbm4b:s20+s2], $0x3E80, $0x38;
	[tilespmem:$0x12200] =	vst v63  }
0x32c: {  	_ = 	snop  }
0x32d: {  	[tilespmem:s29], [sflag:$0x2] =	stream.linear.gather [hbm4b:s21+s2], $0x3E80, $0x38;
	[tilespmem:$0x12200] =	vst v63  }
0x32e: {  	_ =	swait.ge [sflag:s3], $0x3E80  }
0x32f: {  	[sflag:s3] =	ssyncset.done $0x0  }
0x330: {  	[sflag:s3] =	ssyncadd.s32 $0xFFFFC180  }
0x331: {  	_ =	swait.ge [sflag:s4], $0x3E80  }
0x332: {  	[sflag:s4] =	ssyncset.done $0x0  }
0x333: {  	s7 =	simm.s32 $0xE470;
	[sflag:s4] =	ssyncadd.s32 $0xFFFFC180  }
0x334: {  	v0 =	vld [tilespmem:s7+$0x0]  }
0x335: {  	v1 =	vld [tilespmem:s7+$0xFFFFFF20]  }
0x336: {  	s6 =	simm.s32 $0x6770;
	v2 =	vld [tilespmem:s7+$0xFFFFFF30]  }
0x337: {  	v3 =	vld [tilespmem:s6+$0x0]  }
0x338: {  	v4 =	vld [tilespmem:s7+$0xFFFFFF40]  }
0x339: {  	v5 =	vld [tilespmem:s7+$0xFFFFFF50]  }
0x33a: {  	v6 =	vld [tilespmem:s7+$0xFFFFFF60]  }
0x33b: {  	v7 =	vld [tilespmem:s7+$0xFFFFFF70]  }
0x33c: {  	v62 =	vld [tilespmem:s7+$0xFFFFFF80]  }
0x33d: {  	v63 =	vld [tilespmem:s7+$0xFFFFFF90]  }
0x33e: {  	v8 =	vld [tilespmem:s7+$0xFFFFFFA0]  }
0x33f: {  	v9 =	vld [tilespmem:s7+$0xFFFFFFB0]  }
0x340: {  	v10 =	vld [tilespmem:s7+$0xFFFFFFC0]  }
0x341: {  	v11 =	vld [tilespmem:s7+$0xFFFFFFD0]  }
0x342: {  	v12 =	vld [tilespmem:s7+$0xFFFFFFE0]  }
0x343: {  	v13 =	vld [tilespmem:s7+$0xFFFFFFF0]  }
0x344: {  	v14 =	vld [tilespmem:s7+$0xFFFFFF10]  }
0x345: {  	v15 =	vld [tilespmem:s6+$0xFFFFFF10]  }
0x346: {  	v16 =	vld [tilespmem:s6+$0xFFFFFF20]  }
0x347: {  	v17 =	vld [tilespmem:s6+$0xFFFFFF30]  }
0x348: {  	v18 =	vld [tilespmem:s6+$0xFFFFFF40]  }
0x349: {  	v19 =	vld [tilespmem:s6+$0xFFFFFF50]  }
0x34a: {  	v20 =	vld [tilespmem:s6+$0xFFFFFF60]  }
0x34b: {  	v21 =	vld [tilespmem:s6+$0xFFFFFF70]  }
0x34c: {  	v22 =	vld [tilespmem:s6+$0xFFFFFF80]  }
0x34d: {  	v23 =	vld [tilespmem:s6+$0xFFFFFF90]  }
0x34e: {  	v24 =	vld [tilespmem:s6+$0xFFFFFFA0]  }
0x34f: {  	v25 =	vld [tilespmem:s6+$0xFFFFFFB0]  }
0x350: {  	v26 =	vld [tilespmem:s6+$0xFFFFFFC0]  }
0x351: {  	v27 =	vld [tilespmem:s6+$0xFFFFFFD0]  }
0x352: {  	v28 =	vld [tilespmem:s6+$0xFFFFFFE0]  }
0x353: {  	v29 =	vld [tilespmem:s6+$0xFFFFFFF0]  }
0x354: {  	[tilespmem:v0+s2+$0x0] =	vst.idx.add.f32.msk $0xffff, v3  }
0x355: {  	[tilespmem:v14+s2+$0x0] =	vst.idx.add.f32.msk $0xffff, v15  }
0x356: {  	[tilespmem:v1+s2+$0x0] =	vst.idx.add.f32.msk $0xffff, v16  }
0x357: {  	[tilespmem:v2+s2+$0x0] =	vst.idx.add.f32.msk $0xffff, v17  }
0x358: {  	[tilespmem:v4+s2+$0x0] =	vst.idx.add.f32.msk $0xffff, v18  }
0x359: {  	[tilespmem:v5+s2+$0x0] =	vst.idx.add.f32.msk $0xffff, v19  }
0x35a: {  	[tilespmem:v6+s2+$0x0] =	vst.idx.add.f32.msk $0xffff, v20  }
0x35b: {  	[tilespmem:v7+s2+$0x0] =	vst.idx.add.f32.msk $0xffff, v21  }
0x35c: {  	[tilespmem:v62+s2+$0x0] =	vst.idx.add.f32.msk $0xffff, v22  }
0x35d: {  	[tilespmem:v63+s2+$0x0] =	vst.idx.add.f32.msk $0xffff, v23  }
0x35e: {  	[tilespmem:v8+s2+$0x0] =	vst.idx.add.f32.msk $0xffff, v24  }
0x35f: {  	[tilespmem:v9+s2+$0x0] =	vst.idx.add.f32.msk $0xffff, v25  }
0x360: {  	[tilespmem:v10+s2+$0x0] =	vst.idx.add.f32.msk $0xffff, v26  }
0x361: {  	[tilespmem:v11+s2+$0x0] =	vst.idx.add.f32.msk $0xffff, v27  }
0x362: {  	[tilespmem:v12+s2+$0x0] =	vst.idx.add.f32.msk $0xffff, v28  }
0x363: {  	s8 =	simm.s32 $0xE570;
	s7 =	simm.s32 $0x0;
	[tilespmem:v13+s2+$0x0] =	vst.idx.add.f32.msk $0xffff, v29  }
.LBB2_23:
0x364: {  	v0 =	vld [tilespmem:s8+$0x0];
	s7 =	sadd.s32 $0x100, s7  }
0x365: {  	v1 =	vld [tilespmem:s8+$0xFFFFFF20];
	p0 =	slt.u32 s7, $0x3D00  }
0x366: {  	s6 =	sadd.s32 $0x100, s6;
	v2 =	vld [tilespmem:s8+$0xFFFFFF30]  }
0x367: {  	v3 =	vld [tilespmem:s6+$0x0]  }
0x368: {  	v4 =	vld [tilespmem:s8+$0xFFFFFF40]  }
0x369: {  	v5 =	vld [tilespmem:s8+$0xFFFFFF50]  }
0x36a: {  	v6 =	vld [tilespmem:s8+$0xFFFFFF60]  }
0x36b: {  	v7 =	vld [tilespmem:s8+$0xFFFFFF70]  }
0x36c: {  	s9 =	simm.s32 $0x3DF0;
	s10 =	simm.s32 $0x12180;
	s11 =	simm.s32 $0xA480;
	[tilespmem:v0+s2+$0x0] =	vst.idx.add.f32.msk $0xffff, v3  }
0x36d: {  	v0 =	vld [tilespmem:s8+$0xFFFFFF80]  }
0x36e: {  	v3 =	vld [tilespmem:s8+$0xFFFFFF90]  }
0x36f: {  	v8 =	vld [tilespmem:s8+$0xFFFFFFA0]  }
0x370: {  	v9 =	vld [tilespmem:s8+$0xFFFFFFB0]  }
0x371: {  	v10 =	vld [tilespmem:s8+$0xFFFFFFC0]  }
0x372: {  	v11 =	vld [tilespmem:s8+$0xFFFFFFD0]  }
0x373: {  	v12 =	vld [tilespmem:s8+$0xFFFFFFE0]  }
0x374: {  	v13 =	vld [tilespmem:s8+$0xFFFFFFF0]  }
0x375: {  	v14 =	vld [tilespmem:s8+$0xFFFFFF10]  }
0x376: {  	v15 =	vld [tilespmem:s6+$0xFFFFFF10]  }
0x377: {  	v16 =	vld [tilespmem:s6+$0xFFFFFF20]  }
0x378: {  	v17 =	vld [tilespmem:s6+$0xFFFFFF30]  }
0x379: {  	v18 =	vld [tilespmem:s6+$0xFFFFFF40]  }
0x37a: {  	v19 =	vld [tilespmem:s6+$0xFFFFFF50]  }
0x37b: {  	v20 =	vld [tilespmem:s6+$0xFFFFFF60]  }
0x37c: {  	v21 =	vld [tilespmem:s6+$0xFFFFFF70]  }
0x37d: {  	v22 =	vld [tilespmem:s6+$0xFFFFFF80]  }
0x37e: {  	v23 =	vld [tilespmem:s6+$0xFFFFFF90]  }
0x37f: {  	v24 =	vld [tilespmem:s6+$0xFFFFFFA0]  }
0x380: {  	v25 =	vld [tilespmem:s6+$0xFFFFFFB0]  }
0x381: {  	v26 =	vld [tilespmem:s6+$0xFFFFFFC0]  }
0x382: {  	v27 =	vld [tilespmem:s6+$0xFFFFFFD0]  }
0x383: {  	v28 =	vld [tilespmem:s6+$0xFFFFFFE0]  }
0x384: {  	v29 =	vld [tilespmem:s6+$0xFFFFFFF0]  }
0x385: {  	[tilespmem:v14+s2+$0x0] =	vst.idx.add.f32.msk $0xffff, v15  }
0x386: {  	[tilespmem:v1+s2+$0x0] =	vst.idx.add.f32.msk $0xffff, v16  }
0x387: {  	[tilespmem:v2+s2+$0x0] =	vst.idx.add.f32.msk $0xffff, v17  }
0x388: {  	[tilespmem:v4+s2+$0x0] =	vst.idx.add.f32.msk $0xffff, v18  }
0x389: {  	[tilespmem:v5+s2+$0x0] =	vst.idx.add.f32.msk $0xffff, v19  }
0x38a: {  	[tilespmem:v6+s2+$0x0] =	vst.idx.add.f32.msk $0xffff, v20  }
0x38b: {  	[tilespmem:v7+s2+$0x0] =	vst.idx.add.f32.msk $0xffff, v21  }
0x38c: {  	[tilespmem:v0+s2+$0x0] =	vst.idx.add.f32.msk $0xffff, v22  }
0x38d: {  	[tilespmem:v3+s2+$0x0] =	vst.idx.add.f32.msk $0xffff, v23  }
0x38e: {  	[tilespmem:v8+s2+$0x0] =	vst.idx.add.f32.msk $0xffff, v24  }
.Ltmp14:
0x38f: {  	[tilespmem:v9+s2+$0x0] =	vst.idx.add.f32.msk $0xffff, v25;
	(pc) =	sbr.rel @p0 .LBB2_23-.Ltmp14, $4  }
0x390: {  	[tilespmem:v10+s2+$0x0] =	vst.idx.add.f32.msk $0xffff, v26  }
0x391: {  	[tilespmem:v11+s2+$0x0] =	vst.idx.add.f32.msk $0xffff, v27  }
0x392: {  	[tilespmem:v12+s2+$0x0] =	vst.idx.add.f32.msk $0xffff, v28  }
0x393: {  	s8 =	sadd.s32 $0x100, s8;
	[tilespmem:v13+s2+$0x0] =	vst.idx.add.f32.msk $0xffff, v29  }
.LBB2_24:
0x394: {  	v0 =	vld [tilespmem:s10+$0x0];
	_ =	sdelay $0x1  }
0x395: {  	s9 =	sadd.s32 $0x10, s9  }
0x396: {  	v1 =	vld [tilespmem:s11+$0x0];
	p0 =	slt.u32 s9, $0x3E70  }
.Ltmp15:
0x397: {  	_ = 	snop;
	(pc) =	sbr.rel @p0 .LBB2_24-.Ltmp15, $2  }
0x398: {  	_ =	sdelay $0x2  }
0x399: {  	s10 =	sadd.s32 $0x10, s10;
	s11 =	sadd.s32 $0x10, s11;
	[tilespmem:v0+s2+$0x0] =	vst.idx.add.f32.msk $0xffff, v1  }
0x39a: {  	[tilespmem:s30], [sflag:$0x3] =	stream.linear.gather [hbm4b:s22+s2], $0x3E80, $0x38;
	[tilespmem:$0x12200] =	vst v63  }
0x39b: {  	_ = 	snop  }
0x39c: {  	[tilespmem:s31], [sflag:$0x4] =	stream.linear.gather [hbm4b:s23+s2], $0x3E80, $0x38;
	[tilespmem:$0x12200] =	vst v63  }
0x39d: {  	_ =	swait.ge [sflag:s1], $0x3E80  }
0x39e: {  	[sflag:s1] =	ssyncset.done $0x0  }
0x39f: {  	[sflag:s1] =	ssyncadd.s32 $0xFFFFC180  }
0x3a0: {  	_ =	swait.ge [sflag:s0], $0x3E80  }
0x3a1: {  	[sflag:s0] =	ssyncset.done $0x0  }
0x3a2: {  	s7 =	simm.s32 $0xA580;
	[sflag:s0] =	ssyncadd.s32 $0xFFFFC180  }
0x3a3: {  	v0 =	vld [tilespmem:s7+$0x70]  }
0x3a4: {  	v1 =	vld [tilespmem:s7+$0xFFFFFF90]  }
0x3a5: {  	s6 =	simm.s32 $0x2880;
	v2 =	vld [tilespmem:s7+$0xFFFFFFA0]  }
0x3a6: {  	v3 =	vld [tilespmem:s6+$0x70]  }
0x3a7: {  	v4 =	vld [tilespmem:s7+$0xFFFFFFB0]  }
0x3a8: {  	v5 =	vld [tilespmem:s7+$0xFFFFFFC0]  }
0x3a9: {  	v6 =	vld [tilespmem:s7+$0xFFFFFFD0]  }
0x3aa: {  	v7 =	vld [tilespmem:s7+$0xFFFFFFE0]  }
0x3ab: {  	v62 =	vld [tilespmem:s7+$0xFFFFFFF0]  }
0x3ac: {  	v63 =	vld [tilespmem:s7+$0x0]  }
0x3ad: {  	v8 =	vld [tilespmem:s7+$0x10]  }
0x3ae: {  	v9 =	vld [tilespmem:s7+$0x20]  }
0x3af: {  	v10 =	vld [tilespmem:s7+$0x30]  }
0x3b0: {  	v11 =	vld [tilespmem:s7+$0x40]  }
0x3b1: {  	v12 =	vld [tilespmem:s7+$0x50]  }
0x3b2: {  	v13 =	vld [tilespmem:s7+$0x60]  }
0x3b3: {  	v14 =	vld [tilespmem:s7+$0xFFFFFF80]  }
0x3b4: {  	v15 =	vld [tilespmem:s6+$0xFFFFFF80]  }
0x3b5: {  	v16 =	vld [tilespmem:s6+$0xFFFFFF90]  }
0x3b6: {  	v17 =	vld [tilespmem:s6+$0xFFFFFFA0]  }
0x3b7: {  	v18 =	vld [tilespmem:s6+$0xFFFFFFB0]  }
0x3b8: {  	v19 =	vld [tilespmem:s6+$0xFFFFFFC0]  }
0x3b9: {  	v20 =	vld [tilespmem:s6+$0xFFFFFFD0]  }
0x3ba: {  	v21 =	vld [tilespmem:s6+$0xFFFFFFE0]  }
0x3bb: {  	v22 =	vld [tilespmem:s6+$0xFFFFFFF0]  }
0x3bc: {  	v23 =	vld [tilespmem:s6+$0x0]  }
0x3bd: {  	v24 =	vld [tilespmem:s6+$0x10]  }
0x3be: {  	v25 =	vld [tilespmem:s6+$0x20]  }
0x3bf: {  	v26 =	vld [tilespmem:s6+$0x30]  }
0x3c0: {  	v27 =	vld [tilespmem:s6+$0x40]  }
0x3c1: {  	v28 =	vld [tilespmem:s6+$0x50]  }
0x3c2: {  	v29 =	vld [tilespmem:s6+$0x60]  }
0x3c3: {  	[tilespmem:v0+s2+$0x0] =	vst.idx.add.f32.msk $0xffff, v3  }
0x3c4: {  	[tilespmem:v14+s2+$0x0] =	vst.idx.add.f32.msk $0xffff, v15  }
0x3c5: {  	[tilespmem:v1+s2+$0x0] =	vst.idx.add.f32.msk $0xffff, v16  }
0x3c6: {  	[tilespmem:v2+s2+$0x0] =	vst.idx.add.f32.msk $0xffff, v17  }
0x3c7: {  	[tilespmem:v4+s2+$0x0] =	vst.idx.add.f32.msk $0xffff, v18  }
0x3c8: {  	[tilespmem:v5+s2+$0x0] =	vst.idx.add.f32.msk $0xffff, v19  }
0x3c9: {  	[tilespmem:v6+s2+$0x0] =	vst.idx.add.f32.msk $0xffff, v20  }
0x3ca: {  	[tilespmem:v7+s2+$0x0] =	vst.idx.add.f32.msk $0xffff, v21  }
0x3cb: {  	[tilespmem:v62+s2+$0x0] =	vst.idx.add.f32.msk $0xffff, v22  }
0x3cc: {  	[tilespmem:v63+s2+$0x0] =	vst.idx.add.f32.msk $0xffff, v23  }
0x3cd: {  	[tilespmem:v8+s2+$0x0] =	vst.idx.add.f32.msk $0xffff, v24  }
0x3ce: {  	[tilespmem:v9+s2+$0x0] =	vst.idx.add.f32.msk $0xffff, v25  }
0x3cf: {  	[tilespmem:v10+s2+$0x0] =	vst.idx.add.f32.msk $0xffff, v26  }
0x3d0: {  	[tilespmem:v11+s2+$0x0] =	vst.idx.add.f32.msk $0xffff, v27  }
0x3d1: {  	[tilespmem:v12+s2+$0x0] =	vst.idx.add.f32.msk $0xffff, v28  }
0x3d2: {  	s8 =	simm.s32 $0xA680;
	s7 =	simm.s32 $0x0;
	[tilespmem:v13+s2+$0x0] =	vst.idx.add.f32.msk $0xffff, v29  }
.LBB2_26:
0x3d3: {  	v0 =	vld [tilespmem:s8+$0x70];
	s7 =	sadd.s32 $0x100, s7  }
0x3d4: {  	v1 =	vld [tilespmem:s8+$0xFFFFFF90];
	p0 =	slt.u32 s7, $0x3D00  }
0x3d5: {  	s6 =	sadd.s32 $0x100, s6;
	v2 =	vld [tilespmem:s8+$0xFFFFFFA0]  }
0x3d6: {  	v3 =	vld [tilespmem:s6+$0x70]  }
0x3d7: {  	v4 =	vld [tilespmem:s8+$0xFFFFFFB0]  }
0x3d8: {  	v5 =	vld [tilespmem:s8+$0xFFFFFFC0]  }
0x3d9: {  	v6 =	vld [tilespmem:s8+$0xFFFFFFD0]  }
0x3da: {  	v7 =	vld [tilespmem:s8+$0xFFFFFFE0]  }
0x3db: {  	s9 =	simm.s32 $0x3DF0;
	s10 =	simm.s32 $0x6600;
	s11 =	simm.s32 $0xE300;
	[tilespmem:v0+s2+$0x0] =	vst.idx.add.f32.msk $0xffff, v3  }
0x3dc: {  	v0 =	vld [tilespmem:s8+$0xFFFFFFF0]  }
0x3dd: {  	v3 =	vld [tilespmem:s8+$0x0]  }
0x3de: {  	v8 =	vld [tilespmem:s8+$0x10]  }
0x3df: {  	v9 =	vld [tilespmem:s8+$0x20]  }
0x3e0: {  	v10 =	vld [tilespmem:s8+$0x30]  }
0x3e1: {  	v11 =	vld [tilespmem:s8+$0x40]  }
0x3e2: {  	v12 =	vld [tilespmem:s8+$0x50]  }
0x3e3: {  	v13 =	vld [tilespmem:s8+$0x60]  }
0x3e4: {  	v14 =	vld [tilespmem:s8+$0xFFFFFF80]  }
0x3e5: {  	v15 =	vld [tilespmem:s6+$0xFFFFFF80]  }
0x3e6: {  	v16 =	vld [tilespmem:s6+$0xFFFFFF90]  }
0x3e7: {  	v17 =	vld [tilespmem:s6+$0xFFFFFFA0]  }
0x3e8: {  	v18 =	vld [tilespmem:s6+$0xFFFFFFB0]  }
0x3e9: {  	v19 =	vld [tilespmem:s6+$0xFFFFFFC0]  }
0x3ea: {  	v20 =	vld [tilespmem:s6+$0xFFFFFFD0]  }
0x3eb: {  	v21 =	vld [tilespmem:s6+$0xFFFFFFE0]  }
0x3ec: {  	v22 =	vld [tilespmem:s6+$0xFFFFFFF0]  }
0x3ed: {  	v23 =	vld [tilespmem:s6+$0x0]  }
0x3ee: {  	v24 =	vld [tilespmem:s6+$0x10]  }
0x3ef: {  	v25 =	vld [tilespmem:s6+$0x20]  }
0x3f0: {  	v26 =	vld [tilespmem:s6+$0x30]  }
0x3f1: {  	v27 =	vld [tilespmem:s6+$0x40]  }
0x3f2: {  	v28 =	vld [tilespmem:s6+$0x50]  }
0x3f3: {  	v29 =	vld [tilespmem:s6+$0x60]  }
0x3f4: {  	[tilespmem:v14+s2+$0x0] =	vst.idx.add.f32.msk $0xffff, v15  }
0x3f5: {  	[tilespmem:v1+s2+$0x0] =	vst.idx.add.f32.msk $0xffff, v16  }
0x3f6: {  	[tilespmem:v2+s2+$0x0] =	vst.idx.add.f32.msk $0xffff, v17  }
0x3f7: {  	[tilespmem:v4+s2+$0x0] =	vst.idx.add.f32.msk $0xffff, v18  }
0x3f8: {  	[tilespmem:v5+s2+$0x0] =	vst.idx.add.f32.msk $0xffff, v19  }
0x3f9: {  	[tilespmem:v6+s2+$0x0] =	vst.idx.add.f32.msk $0xffff, v20  }
0x3fa: {  	[tilespmem:v7+s2+$0x0] =	vst.idx.add.f32.msk $0xffff, v21  }
0x3fb: {  	[tilespmem:v0+s2+$0x0] =	vst.idx.add.f32.msk $0xffff, v22  }
0x3fc: {  	[tilespmem:v3+s2+$0x0] =	vst.idx.add.f32.msk $0xffff, v23  }
0x3fd: {  	[tilespmem:v8+s2+$0x0] =	vst.idx.add.f32.msk $0xffff, v24  }
.Ltmp16:
0x3fe: {  	[tilespmem:v9+s2+$0x0] =	vst.idx.add.f32.msk $0xffff, v25;
	(pc) =	sbr.rel @p0 .LBB2_26-.Ltmp16, $4  }
0x3ff: {  	[tilespmem:v10+s2+$0x0] =	vst.idx.add.f32.msk $0xffff, v26  }
0x400: {  	[tilespmem:v11+s2+$0x0] =	vst.idx.add.f32.msk $0xffff, v27  }
0x401: {  	[tilespmem:v12+s2+$0x0] =	vst.idx.add.f32.msk $0xffff, v28  }
0x402: {  	s8 =	sadd.s32 $0x100, s8;
	[tilespmem:v13+s2+$0x0] =	vst.idx.add.f32.msk $0xffff, v29  }
.LBB2_27:
0x403: {  	v0 =	vld [tilespmem:s11+$0x0];
	_ =	sdelay $0x1  }
0x404: {  	s9 =	sadd.s32 $0x10, s9  }
0x405: {  	v1 =	vld [tilespmem:s10+$0x0];
	p0 =	slt.u32 s9, $0x3E70  }
.Ltmp17:
0x406: {  	_ = 	snop;
	(pc) =	sbr.rel @p0 .LBB2_27-.Ltmp17, $2  }
0x407: {  	_ =	sdelay $0x2  }
0x408: {  	s10 =	sadd.s32 $0x10, s10;
	s11 =	sadd.s32 $0x10, s11;
	[tilespmem:v0+s2+$0x0] =	vst.idx.add.f32.msk $0xffff, v1  }
0x409: {  	_ =	swait.ge [sflag:s3], $0x3E80  }
0x40a: {  	[sflag:s3] =	ssyncset.done $0x0  }
0x40b: {  	[sflag:s3] =	ssyncadd.s32 $0xFFFFC180  }
0x40c: {  	_ =	swait.ge [sflag:s4], $0x3E80  }
0x40d: {  	[sflag:s4] =	ssyncset.done $0x0  }
0x40e: {  	s7 =	simm.s32 $0xE470;
	[sflag:s4] =	ssyncadd.s32 $0xFFFFC180  }
0x40f: {  	v0 =	vld [tilespmem:s7+$0x0]  }
0x410: {  	v1 =	vld [tilespmem:s7+$0xFFFFFF20]  }
0x411: {  	s6 =	simm.s32 $0x6770;
	v2 =	vld [tilespmem:s7+$0xFFFFFF30]  }
0x412: {  	v3 =	vld [tilespmem:s6+$0x0]  }
0x413: {  	v4 =	vld [tilespmem:s7+$0xFFFFFF40]  }
0x414: {  	v5 =	vld [tilespmem:s7+$0xFFFFFF50]  }
0x415: {  	v6 =	vld [tilespmem:s7+$0xFFFFFF60]  }
0x416: {  	v7 =	vld [tilespmem:s7+$0xFFFFFF70]  }
0x417: {  	v62 =	vld [tilespmem:s7+$0xFFFFFF80]  }
0x418: {  	v63 =	vld [tilespmem:s7+$0xFFFFFF90]  }
0x419: {  	v8 =	vld [tilespmem:s7+$0xFFFFFFA0]  }
0x41a: {  	v9 =	vld [tilespmem:s7+$0xFFFFFFB0]  }
0x41b: {  	v10 =	vld [tilespmem:s7+$0xFFFFFFC0]  }
0x41c: {  	v11 =	vld [tilespmem:s7+$0xFFFFFFD0]  }
0x41d: {  	v12 =	vld [tilespmem:s7+$0xFFFFFFE0]  }
0x41e: {  	v13 =	vld [tilespmem:s7+$0xFFFFFFF0]  }
0x41f: {  	v14 =	vld [tilespmem:s7+$0xFFFFFF10]  }
0x420: {  	v15 =	vld [tilespmem:s6+$0xFFFFFF10]  }
0x421: {  	v16 =	vld [tilespmem:s6+$0xFFFFFF20]  }
0x422: {  	v17 =	vld [tilespmem:s6+$0xFFFFFF30]  }
0x423: {  	v18 =	vld [tilespmem:s6+$0xFFFFFF40]  }
0x424: {  	v19 =	vld [tilespmem:s6+$0xFFFFFF50]  }
0x425: {  	v20 =	vld [tilespmem:s6+$0xFFFFFF60]  }
0x426: {  	v21 =	vld [tilespmem:s6+$0xFFFFFF70]  }
0x427: {  	v22 =	vld [tilespmem:s6+$0xFFFFFF80]  }
0x428: {  	v23 =	vld [tilespmem:s6+$0xFFFFFF90]  }
0x429: {  	v24 =	vld [tilespmem:s6+$0xFFFFFFA0]  }
0x42a: {  	v25 =	vld [tilespmem:s6+$0xFFFFFFB0]  }
0x42b: {  	v26 =	vld [tilespmem:s6+$0xFFFFFFC0]  }
0x42c: {  	v27 =	vld [tilespmem:s6+$0xFFFFFFD0]  }
0x42d: {  	v28 =	vld [tilespmem:s6+$0xFFFFFFE0]  }
0x42e: {  	v29 =	vld [tilespmem:s6+$0xFFFFFFF0]  }
0x42f: {  	[tilespmem:v0+s2+$0x0] =	vst.idx.add.f32.msk $0xffff, v3  }
0x430: {  	[tilespmem:v14+s2+$0x0] =	vst.idx.add.f32.msk $0xffff, v15  }
0x431: {  	[tilespmem:v1+s2+$0x0] =	vst.idx.add.f32.msk $0xffff, v16  }
0x432: {  	[tilespmem:v2+s2+$0x0] =	vst.idx.add.f32.msk $0xffff, v17  }
0x433: {  	[tilespmem:v4+s2+$0x0] =	vst.idx.add.f32.msk $0xffff, v18  }
0x434: {  	[tilespmem:v5+s2+$0x0] =	vst.idx.add.f32.msk $0xffff, v19  }
0x435: {  	[tilespmem:v6+s2+$0x0] =	vst.idx.add.f32.msk $0xffff, v20  }
0x436: {  	[tilespmem:v7+s2+$0x0] =	vst.idx.add.f32.msk $0xffff, v21  }
0x437: {  	[tilespmem:v62+s2+$0x0] =	vst.idx.add.f32.msk $0xffff, v22  }
0x438: {  	[tilespmem:v63+s2+$0x0] =	vst.idx.add.f32.msk $0xffff, v23  }
0x439: {  	[tilespmem:v8+s2+$0x0] =	vst.idx.add.f32.msk $0xffff, v24  }
0x43a: {  	[tilespmem:v9+s2+$0x0] =	vst.idx.add.f32.msk $0xffff, v25  }
0x43b: {  	[tilespmem:v10+s2+$0x0] =	vst.idx.add.f32.msk $0xffff, v26  }
0x43c: {  	[tilespmem:v11+s2+$0x0] =	vst.idx.add.f32.msk $0xffff, v27  }
0x43d: {  	[tilespmem:v12+s2+$0x0] =	vst.idx.add.f32.msk $0xffff, v28  }
0x43e: {  	s8 =	simm.s32 $0xE570;
	s7 =	simm.s32 $0x0;
	[tilespmem:v13+s2+$0x0] =	vst.idx.add.f32.msk $0xffff, v29  }
.LBB2_29:
0x43f: {  	v0 =	vld [tilespmem:s8+$0x0];
	s7 =	sadd.s32 $0x100, s7  }
0x440: {  	v1 =	vld [tilespmem:s8+$0xFFFFFF20];
	p0 =	slt.u32 s7, $0x3D00  }
0x441: {  	s6 =	sadd.s32 $0x100, s6;
	v2 =	vld [tilespmem:s8+$0xFFFFFF30]  }
0x442: {  	v3 =	vld [tilespmem:s6+$0x0]  }
0x443: {  	v4 =	vld [tilespmem:s8+$0xFFFFFF40]  }
0x444: {  	v5 =	vld [tilespmem:s8+$0xFFFFFF50]  }
0x445: {  	v6 =	vld [tilespmem:s8+$0xFFFFFF60]  }
0x446: {  	v7 =	vld [tilespmem:s8+$0xFFFFFF70]  }
0x447: {  	s9 =	simm.s32 $0x3DF0;
	s10 =	simm.s32 $0x12180;
	s11 =	simm.s32 $0xA480;
	[tilespmem:v0+s2+$0x0] =	vst.idx.add.f32.msk $0xffff, v3  }
0x448: {  	v0 =	vld [tilespmem:s8+$0xFFFFFF80]  }
0x449: {  	v3 =	vld [tilespmem:s8+$0xFFFFFF90]  }
0x44a: {  	v8 =	vld [tilespmem:s8+$0xFFFFFFA0]  }
0x44b: {  	v9 =	vld [tilespmem:s8+$0xFFFFFFB0]  }
0x44c: {  	v10 =	vld [tilespmem:s8+$0xFFFFFFC0]  }
0x44d: {  	v11 =	vld [tilespmem:s8+$0xFFFFFFD0]  }
0x44e: {  	v12 =	vld [tilespmem:s8+$0xFFFFFFE0]  }
0x44f: {  	v13 =	vld [tilespmem:s8+$0xFFFFFFF0]  }
0x450: {  	v14 =	vld [tilespmem:s8+$0xFFFFFF10]  }
0x451: {  	v15 =	vld [tilespmem:s6+$0xFFFFFF10]  }
0x452: {  	v16 =	vld [tilespmem:s6+$0xFFFFFF20]  }
0x453: {  	v17 =	vld [tilespmem:s6+$0xFFFFFF30]  }
0x454: {  	v18 =	vld [tilespmem:s6+$0xFFFFFF40]  }
0x455: {  	v19 =	vld [tilespmem:s6+$0xFFFFFF50]  }
0x456: {  	v20 =	vld [tilespmem:s6+$0xFFFFFF60]  }
0x457: {  	v21 =	vld [tilespmem:s6+$0xFFFFFF70]  }
0x458: {  	v22 =	vld [tilespmem:s6+$0xFFFFFF80]  }
0x459: {  	v23 =	vld [tilespmem:s6+$0xFFFFFF90]  }
0x45a: {  	v24 =	vld [tilespmem:s6+$0xFFFFFFA0]  }
0x45b: {  	v25 =	vld [tilespmem:s6+$0xFFFFFFB0]  }
0x45c: {  	v26 =	vld [tilespmem:s6+$0xFFFFFFC0]  }
0x45d: {  	v27 =	vld [tilespmem:s6+$0xFFFFFFD0]  }
0x45e: {  	v28 =	vld [tilespmem:s6+$0xFFFFFFE0]  }
0x45f: {  	v29 =	vld [tilespmem:s6+$0xFFFFFFF0]  }
0x460: {  	[tilespmem:v14+s2+$0x0] =	vst.idx.add.f32.msk $0xffff, v15  }
0x461: {  	[tilespmem:v1+s2+$0x0] =	vst.idx.add.f32.msk $0xffff, v16  }
0x462: {  	[tilespmem:v2+s2+$0x0] =	vst.idx.add.f32.msk $0xffff, v17  }
0x463: {  	[tilespmem:v4+s2+$0x0] =	vst.idx.add.f32.msk $0xffff, v18  }
0x464: {  	[tilespmem:v5+s2+$0x0] =	vst.idx.add.f32.msk $0xffff, v19  }
0x465: {  	[tilespmem:v6+s2+$0x0] =	vst.idx.add.f32.msk $0xffff, v20  }
0x466: {  	[tilespmem:v7+s2+$0x0] =	vst.idx.add.f32.msk $0xffff, v21  }
0x467: {  	[tilespmem:v0+s2+$0x0] =	vst.idx.add.f32.msk $0xffff, v22  }
0x468: {  	[tilespmem:v3+s2+$0x0] =	vst.idx.add.f32.msk $0xffff, v23  }
0x469: {  	[tilespmem:v8+s2+$0x0] =	vst.idx.add.f32.msk $0xffff, v24  }
.Ltmp18:
0x46a: {  	[tilespmem:v9+s2+$0x0] =	vst.idx.add.f32.msk $0xffff, v25;
	(pc) =	sbr.rel @p0 .LBB2_29-.Ltmp18, $4  }
0x46b: {  	[tilespmem:v10+s2+$0x0] =	vst.idx.add.f32.msk $0xffff, v26  }
0x46c: {  	[tilespmem:v11+s2+$0x0] =	vst.idx.add.f32.msk $0xffff, v27  }
0x46d: {  	[tilespmem:v12+s2+$0x0] =	vst.idx.add.f32.msk $0xffff, v28  }
0x46e: {  	s8 =	sadd.s32 $0x100, s8;
	[tilespmem:v13+s2+$0x0] =	vst.idx.add.f32.msk $0xffff, v29  }
.LBB2_30:
0x46f: {  	v0 =	vld [tilespmem:s10+$0x0];
	_ =	sdelay $0x1  }
0x470: {  	s9 =	sadd.s32 $0x10, s9  }
0x471: {  	v1 =	vld [tilespmem:s11+$0x0];
	p0 =	slt.u32 s9, $0x3E70  }
.Ltmp19:
0x472: {  	_ = 	snop;
	(pc) =	sbr.rel @p0 .LBB2_30-.Ltmp19, $2  }
0x473: {  	_ =	sdelay $0x2  }
0x474: {  	s10 =	sadd.s32 $0x10, s10;
	s11 =	sadd.s32 $0x10, s11;
	[tilespmem:v0+s2+$0x0] =	vst.idx.add.f32.msk $0xffff, v1  }
0x475: {  	s5 =	sadd.s32 $0x1, s5  }
0x476: {  	p0 =	sne.s32 s5, s25  }
.Ltmp20:
0x477: {  	_ = 	snop;
	(pc) =	sbr.rel @p0 .LBB2_1-.Ltmp20, $4  }
0x478: {  	[hbm4b:s24+s2] =	stream.linear.scatter [tilespmem:s2], [sflag:$0x5], $0x2800, $0x38;
	[tilespmem:$0x12200] =	vst v63  }
0x479: {  	_ =	swait.ge [sflag:s26], $0x2800  }
0x47a: {  	[sflag:s26] =	ssyncset.done $0x0  }
0x47b: {  	[sflag:s26] =	ssyncadd.s32 $0xFFFFD800  }
0x47c: {  	_ =	sfence.sel $0x180000  }
0x47d: {  	[bflag:$0x0] =	sbarrier.arrive $0xFFFF  }
0x47e: {  	_ =	strace $0x90000047  }
0x47f: {  	s0 =	stileid.u32;
	[bflag:$0x2] =	sbarrier.arrive $0xFFFF  }
0x480: {  	p0 =	sne.s32 s0, $0x0;
	s0 =	rddreg [dreg:$0x2]  }
0x481: {  	s0 =	sadd.s32 @!p0 $0x100000, s0  }
0x482: {  	[sflag:s0] =	ssyncadd.tile.s32 @!p0 $0x1;
	_ =	shalt  }
.Lfunc_end2:
_tile_overlayer_lowered:
.L_overlay_start_2:
0x483: {  	(tag) =	ssettag $0x2  }
0x484: {  	s0 =	rddreg [dreg:$0x0];
	s2 =	stileid.u32  }
0x485: {  	s1 =	rddreg [dreg:$0x1];
	p0 =	sne.s32 s2, $0x0  }
0x486: {  	s3 =	rddreg [dreg:$0x2];
	[bflag:$0x3] =	sbarrier.arrive $0xFFFF;
	s2 =	simm.s32 @!p0 $0x1C05  }
0x487: {  	[timem:s3], [sflag:s2] =	dma.local @!p0 [hbm:s0], s1  }
0x488: {  	s0 =	simm.s32 @!p0 $0x5  }
0x489: {  	_ =	swait.ge @!p0 [sflag:s0], s1  }
0x48a: {  	s1 =	ssub.s32 @!p0 $0x0, s1;
	[sflag:s0] =	ssyncset.done @!p0 $0x0  }
0x48b: {  	[sflag:s0] =	ssyncadd.s32 @!p0 s1  }
0x48c: {  	[bflag:$0x3] =	sbarrier.arrive $0xFFFF  }
0x48d: {  	_ =	shalt  }

</sc_bundles>
